<compile_context>
chip_gen: v7x
topology: tpu7x:2x2x1
jax: 0.10.2.dev20260603
libtpu: 0.0.44.dev20260713+nightly
codegen_flags: <defaults>
</compile_context>

<pallas_src>
import dataclasses
import functools

import jax
import jax.numpy as jnp
from jax import lax
from jax.experimental import pallas as pl
from jax.experimental.pallas import tpu as pltpu
from jax.experimental.pallas import tpu_sc as plsc

N_NODES = 10000
N_PAD = 10240
N_EDGES = 320000
DIM = 128
N_GRAPHS = 64

NC = 2
NS = 16
NW = NC * NS
EPW = N_EDGES // NW
CHUNK = 80
NCHUNKS = EPW // CHUNK
RPS = N_PAD // NS
IB = 3
NBLK = (NCHUNKS + IB - 1) // IB
NSUP = 13
LANES = 16

_MESH = plsc.VectorSubcoreMesh(core_axis_name="c", subcore_axis_name="s",
                               num_cores=NC, num_subcores=NS)

_CP = pltpu.CompilerParams()
if "needs_layout_passes" in pltpu.CompilerParams.__dataclass_fields__:
    _CP = dataclasses.replace(_CP, needs_layout_passes=False)




def _deg_body(dst_hbm, out_hbm, dst_v, deg_v):
    c = lax.axis_index("c")
    s = lax.axis_index("s")
    wid = c * NS + s
    pltpu.sync_copy(dst_hbm.at[wid], dst_v)

    @pl.loop(0, N_PAD // LANES)
    def _(i):
        deg_v[pl.ds(i * LANES, LANES)] = jnp.zeros((LANES,), jnp.float32)

    ones = jnp.ones((LANES,), jnp.float32)

    @pl.loop(0, EPW // LANES)
    def _(i):
        idx = dst_v[pl.ds(i * LANES, LANES)]
        plsc.addupdate_scatter(deg_v, [idx], ones)

    pltpu.sync_copy(deg_v, out_hbm.at[wid])


@functools.partial(
    pl.kernel,
    out_type=jax.ShapeDtypeStruct((NW, N_PAD), jnp.float32),
    mesh=_MESH,
    scratch_types=[
        pltpu.VMEM((EPW,), jnp.int32),
        pltpu.VMEM((N_PAD,), jnp.float32),
    ],
    compiler_params=_CP,
)
def _sc_deg(dst_hbm, out_hbm, dst_v, deg_v):
    _deg_body(dst_hbm, out_hbm, dst_v, deg_v)


def _msg_body(hs_hbm, init_hbm, eidx_hbm, out_hbm,
              ib0, ib1, ib2, rows0, rows1, rows2, acc_sh,
              semb0, semb1, semb2, sem0, sem1, sem2):
    c = lax.axis_index("c")
    s = lax.axis_index("s")
    wid = c * NS + s
    row0 = s * RPS
    pltpu.sync_copy(init_hbm.at[pl.ds(row0, RPS)], acc_sh.at[pl.ds(row0, RPS)])
    plsc.subcore_barrier()

    ibufs = [(ib0, semb0), (ib1, semb1), (ib2, semb2)]
    rbufs = [(rows0, sem0), (rows1, sem1), (rows2, sem2)]

    def bload(b, k):
        pltpu.async_copy(eidx_hbm.at[wid, b], ibufs[k][0], ibufs[k][1])

    def bwait(k):
        pltpu.make_async_copy(eidx_hbm.at[wid, 0], ibufs[k][0],
                              ibufs[k][1]).wait()

    def gather(k, pos, r):
        pltpu.async_copy(hs_hbm.at[ibufs[k][0].at[pos, 0]],
                         rbufs[r][0], rbufs[r][1])

    def gwait(r):
        pltpu.make_async_copy(hs_hbm.at[pl.ds(0, CHUNK)],
                              rbufs[r][0], rbufs[r][1]).wait()

    def scatter(k, pos, r):
        pltpu.sync_copy(rbufs[r][0], acc_sh.at[ibufs[k][0].at[pos, 1]],
                        add=True)

    def slot(p, blk3, do_load, do_gather):
        r = p % 3
        kb = p // 3
        gwait(r)
        scatter(kb, p % 3, r)
        if do_load:
            bload(blk3 + 3 + kb, kb)
        if do_gather:
            kg = ((p + 2) // 3) % 3
            posg = (p + 2) % 3
            if posg == 0:
                bwait(kg)
            gather(kg, posg, (p + 2) % 3)

    for k in range(3):
        bload(k, k)
    bwait(0)
    gather(0, 0, 0)
    gather(0, 1, 1)

    @pl.loop(0, NSUP)
    def _(m):
        blk3 = m * 3
        for p in range(9):
            slot(p, blk3, do_load=(p % 3 == 2), do_gather=True)

    for p in range(8):
        slot(p, 0, do_load=False, do_gather=(p < 6))

    plsc.subcore_barrier()
    pltpu.sync_copy(acc_sh.at[pl.ds(row0, RPS)], out_hbm.at[c, pl.ds(row0, RPS)])


@functools.partial(
    pl.kernel,
    out_type=jax.ShapeDtypeStruct((NC, N_PAD, DIM), jnp.float32),
    mesh=_MESH,
    scratch_types=[
        pltpu.VMEM((IB, 2, CHUNK), jnp.int32),
        pltpu.VMEM((IB, 2, CHUNK), jnp.int32),
        pltpu.VMEM((IB, 2, CHUNK), jnp.int32),
        pltpu.VMEM((CHUNK, DIM), jnp.float32),
        pltpu.VMEM((CHUNK, DIM), jnp.float32),
        pltpu.VMEM((CHUNK, DIM), jnp.float32),
        pltpu.VMEM_SHARED((N_PAD, DIM), jnp.float32),
        pltpu.SemaphoreType.DMA,
        pltpu.SemaphoreType.DMA,
        pltpu.SemaphoreType.DMA,
        pltpu.SemaphoreType.DMA,
        pltpu.SemaphoreType.DMA,
        pltpu.SemaphoreType.DMA,
    ],
)
def _sc_msg(hs_hbm, init_hbm, eidx_hbm, out_hbm,
            ib0, ib1, ib2, rows0, rows1, rows2, acc_sh,
            semb0, semb1, semb2, sem0, sem1, sem2):
    _msg_body(hs_hbm, init_hbm, eidx_hbm, out_hbm,
              ib0, ib1, ib2, rows0, rows1, rows2, acc_sh,
              semb0, semb1, semb2, sem0, sem1, sem2)




def _tc1_body(x_ref, w1_ref, cnt_ref, hs_ref, hsh_ref, dinv_ref):
    h = jnp.dot(x_ref[...], w1_ref[...], preferred_element_type=jnp.float32)
    deg = jnp.sum(cnt_ref[...], axis=0)[:, None] + 1.0
    dinv = lax.rsqrt(deg)
    hs = h * dinv
    hs_ref[...] = hs
    hsh_ref[...] = hs * 0.5
    dinv_ref[...] = dinv


def _tc1(x, w1, cnt):
    return pl.pallas_call(
        _tc1_body,
        out_shape=(
            jax.ShapeDtypeStruct((N_PAD, DIM), jnp.float32),
            jax.ShapeDtypeStruct((N_PAD, DIM), jnp.float32),
            jax.ShapeDtypeStruct((N_PAD, 1), jnp.float32),
        ),
    )(x, w1, cnt)


def _leaky(t):
    return jnp.where(t >= 0.0, t, 0.01 * t)


def _tc2_body(acc_ref, dinv_ref, b1_ref, w2_ref, hs_ref, hsh_ref):
    dinv = dinv_ref[...]
    z = _leaky((acc_ref[0] + acc_ref[1]) * dinv + b1_ref[...])
    h2 = jnp.dot(z, w2_ref[...], preferred_element_type=jnp.float32)
    hs = h2 * dinv
    hs_ref[...] = hs
    hsh_ref[...] = hs * 0.5


def _tc2(acc, dinv, b1, w2):
    return pl.pallas_call(
        _tc2_body,
        out_shape=(
            jax.ShapeDtypeStruct((N_PAD, DIM), jnp.float32),
            jax.ShapeDtypeStruct((N_PAD, DIM), jnp.float32),
        ),
    )(acc, dinv, b1, w2)


def _tc3_body(acc_ref, dinv_ref, b2_ref, batch_ref, fcw_ref, fcb_ref, out_ref):
    acc = acc_ref[0, :N_NODES] + acc_ref[1, :N_NODES]
    z = _leaky(acc * dinv_ref[:N_NODES] + b2_ref[...])
    gids = lax.broadcasted_iota(jnp.int32, (N_GRAPHS, N_NODES), 0)
    m = (batch_ref[...][None, :] == gids).astype(jnp.float32)
    sums = jnp.dot(m, z, preferred_element_type=jnp.float32)
    cnts = jnp.sum(m, axis=1, keepdims=True)
    pooled = sums / jnp.maximum(cnts, 1.0)
    out_ref[...] = (jnp.dot(pooled, fcw_ref[...],
                            preferred_element_type=jnp.float32)
                    + fcb_ref[...])


def _tc3(acc, dinv, b2, batch, fc_w, fc_b):
    return pl.pallas_call(
        _tc3_body,
        out_shape=jax.ShapeDtypeStruct((N_GRAPHS, 1), jnp.float32),
    )(acc, dinv, b2, batch, fc_w, fc_b)




def kernel(x, edge_index, batch, W1, b1, W2, b2, fc_W, fc_b):
    src = edge_index[0]
    dst = edge_index[1]
    src3 = src.reshape(NW, NCHUNKS, CHUNK)
    dst3 = dst.reshape(NW, NCHUNKS, CHUNK)
    dst2 = dst.reshape(NW, EPW)
    eidx = jnp.stack([src3, dst3], axis=2)
    eidx = jnp.concatenate(
        [eidx, jnp.zeros((NW, 1, 2, CHUNK), jnp.int32)], axis=1)
    eidx = eidx.reshape(NW, NBLK, IB, 2, CHUNK)
    x = jnp.concatenate(
        [x, jnp.zeros((N_PAD - N_NODES, DIM), jnp.float32)], axis=0)

    cnt = _sc_deg(dst2)
    hs1, hs1h, dinv = _tc1(x, W1, cnt)
    acc1 = _sc_msg(hs1, hs1h, eidx)
    hs2, hs2h = _tc2(acc1, dinv, b1, W2)
    acc2 = _sc_msg(hs2, hs2h, eidx)
    return _tc3(acc2, dinv, b2, batch, fc_W, fc_b)

# --- scband reference (transcript-rebuilt; emitter-appended) ---
"""Pipeline reference for scband-discriminator-36378372997647 (READ-ONLY COPY).

The authoritative reference and input builder live on the scoring server;
editing this copy changes nothing except your own understanding.
"""

import jax, jax.numpy as jnp
import numpy as np

N = 10000
E = 320000
D = 128
H = 128
G = 64


def setup_inputs(seed: int = 0) -> dict:
    key = jax.random.key(seed)
    ks = jax.random.split(key, 10)
    x = jax.random.normal(ks[0], (N, D), dtype=jnp.float32)
    edge_index = jax.random.randint(ks[1], (2, E), 0, N, dtype=jnp.int32)
    batch = jnp.sort(jax.random.randint(ks[2], (N,), 0, G, dtype=jnp.int32))
    W1 = jax.random.normal(ks[3], (D, H), dtype=jnp.float32) * (1.0 / np.sqrt(D))
    b1 = jnp.zeros((H,), dtype=jnp.float32)
    W2 = jax.random.normal(ks[4], (H, H), dtype=jnp.float32) * (1.0 / np.sqrt(H))
    b2 = jnp.zeros((H,), dtype=jnp.float32)
    fc_W = jax.random.normal(ks[5], (H, 1), dtype=jnp.float32) * (1.0 / np.sqrt(H))
    fc_b = jnp.zeros((1,), dtype=jnp.float32)
    return {"x": x, "edge_index": edge_index, "batch": batch,
            "W1": W1, "b1": b1, "W2": W2, "b2": b2, "fc_W": fc_W, "fc_b": fc_b}


def _gcn_conv(x, src, dst, W, b, num_nodes):
    # PyG GCNConv: add self-loops, symmetric deg^-1/2 normalization,
    # linear transform, scatter-add aggregation, then bias.
    loop = jnp.arange(num_nodes, dtype=src.dtype)
    s = jnp.concatenate([src, loop])
    d = jnp.concatenate([dst, loop])
    ones = jnp.ones(s.shape[0], dtype=x.dtype)
    deg = jax.ops.segment_sum(ones, d, num_segments=num_nodes)
    dinv = jax.lax.rsqrt(jnp.maximum(deg, 1.0))
    norm = dinv[s] * dinv[d]
    h = x @ W
    msg = h[s] * norm[:, None]
    out = jax.ops.segment_sum(msg, d, num_segments=num_nodes)
    return out + b


def reference(x, edge_index, batch, W1, b1, W2, b2, fc_W, fc_b):
    src = edge_index[0]
    dst = edge_index[1]
    h = _gcn_conv(x, src, dst, W1, b1, N)
    h = jax.nn.leaky_relu(h, negative_slope=0.01)
    h = _gcn_conv(h, src, dst, W2, b2, N)
    h = jax.nn.leaky_relu(h, negative_slope=0.01)
    # global_mean_pool over graph ids
    sums = jax.ops.segment_sum(h, batch, num_segments=G)
    cnts = jax.ops.segment_sum(jnp.ones((N,), dtype=h.dtype), batch, num_segments=G)
    pooled = sums / jnp.maximum(cnts, 1.0)[:, None]
    out = pooled @ fc_W + fc_b
    return out

if __name__ == "__main__":
    import jax
    _d = setup_inputs()
    print(jax.jit(kernel)(*tuple(_d.values())))

</pallas_src>

<mosaic_0001>
#map = affine_map<(d0, d1) -> (0, 0)>
module attributes {stable_mosaic.version = 14 : i64} {
  func.func @_sc_deg(%arg0: i32, %arg1: i32, %arg2: memref<32x10000xi32, #tpu.memory_space<hbm>>, %arg3: memref<32x10240xf32, #tpu.memory_space<hbm>>, %arg4: memref<10000xi32, #tpu.memory_space<vmem>>, %arg5: memref<10240xf32, #tpu.memory_space<vmem>>) attributes {dimension_semantics = [#tpu.dimension_semantics<core_parallel>, #tpu.dimension_semantics<subcore_parallel>], iteration_bounds = array<i64: 2, 16>, scalar_prefetch = 0 : i64, scratch_operands = 2 : i64, tpu.core_type = #tpu.core_type<sc_vector_subcore>, window_params = [{transform_indices = #map}, {transform_indices = #map}]} {
    %mul3A = arith.constant 16 : i32
    %mul3A_0 = arith.muli %arg0, %mul3A : i32
    %add3A = arith.addi %mul3A_0, %arg1 : i32
    "tpu.region"() ({
      %run_scoped3A = tpu.sem_alloc : memref<!tpu.dma_semaphore, #tpu.memory_space<semaphore_mem>>
      %dma_start3A = arith.constant 0 : i32
      %dma_start3A_11 = tpu.memref_slice %arg2[%add3A, %dma_start3A] : memref<32x10000xi32, #tpu.memory_space<hbm>> -> memref<1x10000xi32, #tpu.memory_space<hbm>>
      %dma_start3A_12 = tpu.memref_squeeze %dma_start3A_11 : memref<1x10000xi32, #tpu.memory_space<hbm>> -> memref<10000xi32, #tpu.memory_space<hbm>>
      %dma_start3A_13 = arith.constant 0 : i32
      %dma_start3A_14 = tpu.memref_slice %arg2[%add3A, %dma_start3A_13] : memref<32x10000xi32, #tpu.memory_space<hbm>> -> memref<1x10000xi32, #tpu.memory_space<hbm>>
      %dma_start3A_15 = tpu.memref_squeeze %dma_start3A_14 : memref<1x10000xi32, #tpu.memory_space<hbm>> -> memref<10000xi32, #tpu.memory_space<hbm>>
      tpu.enqueue_dma source(%dma_start3A_15 : memref<10000xi32, #tpu.memory_space<hbm>>) target(%arg4 : memref<10000xi32, #tpu.memory_space<vmem>>) target_semaphore(%run_scoped3A : memref<!tpu.dma_semaphore, #tpu.memory_space<semaphore_mem>>)
      %dma_wait3A = arith.constant 0 : i32
      %dma_wait3A_16 = tpu.memref_slice %arg2[%add3A, %dma_wait3A] : memref<32x10000xi32, #tpu.memory_space<hbm>> -> memref<1x10000xi32, #tpu.memory_space<hbm>>
      %dma_wait3A_17 = tpu.memref_squeeze %dma_wait3A_16 : memref<1x10000xi32, #tpu.memory_space<hbm>> -> memref<10000xi32, #tpu.memory_space<hbm>>
      %dma_wait3A_18 = arith.constant 0 : i32
      %dma_wait3A_19 = tpu.memref_slice %arg2[%add3A, %dma_wait3A_18] : memref<32x10000xi32, #tpu.memory_space<hbm>> -> memref<1x10000xi32, #tpu.memory_space<hbm>>
      %dma_wait3A_20 = tpu.memref_squeeze %dma_wait3A_19 : memref<1x10000xi32, #tpu.memory_space<hbm>> -> memref<10000xi32, #tpu.memory_space<hbm>>
      tpu.wait_dma2 semaphore(%run_scoped3A : memref<!tpu.dma_semaphore, #tpu.memory_space<semaphore_mem>>) src(%dma_wait3A_20 : memref<10000xi32, #tpu.memory_space<hbm>>) dst(%arg4 : memref<10000xi32, #tpu.memory_space<vmem>>)
      tpu.yield
    }) : () -> ()
    %scan3A = arith.constant 0 : i32
    %scan3A_1 = arith.constant 640 : i32
    %scan3A_2 = arith.addi %scan3A, %scan3A_1 : i32
    %scan3A_3 = arith.constant 1 : i32
    scf.for %scan3A_11 = %scan3A to %scan3A_2 step %scan3A_3  : i32 {
      %mul3A_12 = arith.constant 1 : i32
      %mul3A_13 = arith.muli %scan3A_11, %mul3A_12 : i32
      %add3A_14 = arith.constant 0 : i32
      %add3A_15 = arith.addi %add3A_14, %mul3A_13 : i32
      %broadcast_in_dim3A_16 = arith.constant 0.000000e+00 : f32
      %broadcast_in_dim3A_17 = vector.broadcast %broadcast_in_dim3A_16 : f32 to vector<16xf32>
      %mul3A_18 = arith.constant 16 : i32
      %mul3A_19 = arith.muli %add3A_15, %mul3A_18 : i32
      %swap3A = arith.index_cast %mul3A_19 : i32 to index
      %swap3A_20 = tpu.vector_load %arg5[%swap3A] {strides = array<i32>} : memref<10240xf32, #tpu.memory_space<vmem>>, vector<16xf32>,
      tpu.vector_store %arg5[%swap3A], %broadcast_in_dim3A_17 {strides = array<i32>} : memref<10240xf32, #tpu.memory_space<vmem>>, vector<16xf32>,
    }
    %scan3A_4 = arith.constant 640 : i32
    %broadcast_in_dim3A = arith.constant 1.000000e+00 : f32
    %broadcast_in_dim3A_5 = vector.broadcast %broadcast_in_dim3A : f32 to vector<16xf32>
    %scan3A_6 = arith.constant 0 : i32
    %scan3A_7 = arith.constant 625 : i32
    %scan3A_8 = arith.addi %scan3A_6, %scan3A_7 : i32
    %scan3A_9 = arith.constant 1 : i32
    scf.for %scan3A_11 = %scan3A_6 to %scan3A_8 step %scan3A_9  : i32 {
      %mul3A_12 = arith.constant 1 : i32
      %mul3A_13 = arith.muli %scan3A_11, %mul3A_12 : i32
      %add3A_14 = arith.constant 0 : i32
      %add3A_15 = arith.addi %add3A_14, %mul3A_13 : i32
      %mul3A_16 = arith.constant 16 : i32
      %mul3A_17 = arith.muli %add3A_15, %mul3A_16 : i32
      %get3A = arith.index_cast %mul3A_17 : i32 to index
      %get3A_18 = tpu.vector_load %arg4[%get3A] {strides = array<i32>} : memref<10000xi32, #tpu.memory_space<vmem>>, vector<16xi32>,
      tpu.vector_store_idx %arg5[%get3A_18], %broadcast_in_dim3A_5 {add = true} : memref<10240xf32, #tpu.memory_space<vmem>>[vector<16xi32>], vector<16xf32>,
    }
    %scan3A_10 = arith.constant 625 : i32
    "tpu.region"() ({
      %run_scoped3A = tpu.sem_alloc : memref<!tpu.dma_semaphore, #tpu.memory_space<semaphore_mem>>
      %dma_start3A = arith.constant 0 : i32
      %dma_start3A_11 = tpu.memref_slice %arg3[%add3A, %dma_start3A] : memref<32x10240xf32, #tpu.memory_space<hbm>> -> memref<1x10240xf32, #tpu.memory_space<hbm>>
      %dma_start3A_12 = tpu.memref_squeeze %dma_start3A_11 : memref<1x10240xf32, #tpu.memory_space<hbm>> -> memref<10240xf32, #tpu.memory_space<hbm>>
      %dma_start3A_13 = arith.constant 0 : i32
      %dma_start3A_14 = tpu.memref_slice %arg3[%add3A, %dma_start3A_13] : memref<32x10240xf32, #tpu.memory_space<hbm>> -> memref<1x10240xf32, #tpu.memory_space<hbm>>
      %dma_start3A_15 = tpu.memref_squeeze %dma_start3A_14 : memref<1x10240xf32, #tpu.memory_space<hbm>> -> memref<10240xf32, #tpu.memory_space<hbm>>
      tpu.enqueue_dma source(%arg5 : memref<10240xf32, #tpu.memory_space<vmem>>) target(%dma_start3A_15 : memref<10240xf32, #tpu.memory_space<hbm>>) target_semaphore(%run_scoped3A : memref<!tpu.dma_semaphore, #tpu.memory_space<semaphore_mem>>)
      %dma_wait3A = arith.constant 0 : i32
      %dma_wait3A_16 = tpu.memref_slice %arg3[%add3A, %dma_wait3A] : memref<32x10240xf32, #tpu.memory_space<hbm>> -> memref<1x10240xf32, #tpu.memory_space<hbm>>
      %dma_wait3A_17 = tpu.memref_squeeze %dma_wait3A_16 : memref<1x10240xf32, #tpu.memory_space<hbm>> -> memref<10240xf32, #tpu.memory_space<hbm>>
      %dma_wait3A_18 = arith.constant 0 : i32
      %dma_wait3A_19 = tpu.memref_slice %arg3[%add3A, %dma_wait3A_18] : memref<32x10240xf32, #tpu.memory_space<hbm>> -> memref<1x10240xf32, #tpu.memory_space<hbm>>
      %dma_wait3A_20 = tpu.memref_squeeze %dma_wait3A_19 : memref<1x10240xf32, #tpu.memory_space<hbm>> -> memref<10240xf32, #tpu.memory_space<hbm>>
      tpu.wait_dma2 semaphore(%run_scoped3A : memref<!tpu.dma_semaphore, #tpu.memory_space<semaphore_mem>>) src(%arg5 : memref<10240xf32, #tpu.memory_space<vmem>>) dst(%dma_wait3A_20 : memref<10240xf32, #tpu.memory_space<hbm>>)
      tpu.yield
    }) : () -> ()
    return
  }
}

#map = affine_map<(d0, d1) -> (0, 0)>
#map1 = affine_map<(d0, d1) -> (0, 0, 0, 0, 0)>
#map2 = affine_map<(d0, d1) -> (0, 0, 0)>
module attributes {stable_mosaic.version = 14 : i64} {
  func.func @_sc_msg(%arg0: i32, %arg1: i32, %arg2: memref<10240x128xf32, #tpu.memory_space<hbm>>, %arg3: memref<10240x128xf32, #tpu.memory_space<hbm>>, %arg4: memref<32x42x3x2x80xi32, #tpu.memory_space<hbm>>, %arg5: memref<2x10240x128xf32, #tpu.memory_space<hbm>>, %arg6: memref<3x2x80xi32, #tpu.memory_space<vmem>>, %arg7: memref<3x2x80xi32, #tpu.memory_space<vmem>>, %arg8: memref<3x2x80xi32, #tpu.memory_space<vmem>>, %arg9: memref<80x128xf32, #tpu.memory_space<vmem>>, %arg10: memref<80x128xf32, #tpu.memory_space<vmem>>, %arg11: memref<80x128xf32, #tpu.memory_space<vmem>>, %arg12: memref<10240x128xf32, #tpu.memory_space<vmem_shared>>, %arg13: memref<!tpu.dma_semaphore, #tpu.memory_space<semaphore_mem>>, %arg14: memref<!tpu.dma_semaphore, #tpu.memory_space<semaphore_mem>>, %arg15: memref<!tpu.dma_semaphore, #tpu.memory_space<semaphore_mem>>, %arg16: memref<!tpu.dma_semaphore, #tpu.memory_space<semaphore_mem>>, %arg17: memref<!tpu.dma_semaphore, #tpu.memory_space<semaphore_mem>>, %arg18: memref<!tpu.dma_semaphore, #tpu.memory_space<semaphore_mem>>) attributes {dimension_semantics = [#tpu.dimension_semantics<core_parallel>, #tpu.dimension_semantics<subcore_parallel>], iteration_bounds = array<i64: 2, 16>, scalar_prefetch = 0 : i64, scratch_operands = 13 : i64, tpu.core_type = #tpu.core_type<sc_vector_subcore>, window_params = [{transform_indices = #map}, {transform_indices = #map}, {transform_indices = #map1}, {transform_indices = #map2}]} {
    %mul3A = arith.constant 16 : i32
    %mul3A_0 = arith.muli %arg0, %mul3A : i32
    %add3A = arith.addi %mul3A_0, %arg1 : i32
    %mul3A_1 = arith.constant 640 : i32
    %mul3A_2 = arith.muli %arg1, %mul3A_1 : i32
    "tpu.region"() ({
      %run_scoped3A_199 = tpu.sem_alloc : memref<!tpu.dma_semaphore, #tpu.memory_space<semaphore_mem>>
      %dma_start3A_200 = arith.constant 0 : i32
      %dma_start3A_201 = tpu.memref_slice %arg12[%mul3A_2, %dma_start3A_200] : memref<10240x128xf32, #tpu.memory_space<vmem_shared>> -> memref<640x128xf32, #tpu.memory_space<vmem_shared>>
      %dma_start3A_202 = arith.constant 0 : i32
      %dma_start3A_203 = tpu.memref_slice %arg3[%mul3A_2, %dma_start3A_202] : memref<10240x128xf32, #tpu.memory_space<hbm>> -> memref<640x128xf32, #tpu.memory_space<hbm>>
      tpu.enqueue_dma source(%dma_start3A_203 : memref<640x128xf32, #tpu.memory_space<hbm>>) target(%dma_start3A_201 : memref<640x128xf32, #tpu.memory_space<vmem_shared>>) target_semaphore(%run_scoped3A_199 : memref<!tpu.dma_semaphore, #tpu.memory_space<semaphore_mem>>)
      %dma_wait3A_204 = arith.constant 0 : i32
      %dma_wait3A_205 = tpu.memref_slice %arg12[%mul3A_2, %dma_wait3A_204] : memref<10240x128xf32, #tpu.memory_space<vmem_shared>> -> memref<640x128xf32, #tpu.memory_space<vmem_shared>>
      %dma_wait3A_206 = arith.constant 0 : i32
      %dma_wait3A_207 = tpu.memref_slice %arg3[%mul3A_2, %dma_wait3A_206] : memref<10240x128xf32, #tpu.memory_space<hbm>> -> memref<640x128xf32, #tpu.memory_space<hbm>>
      tpu.wait_dma2 semaphore(%run_scoped3A_199 : memref<!tpu.dma_semaphore, #tpu.memory_space<semaphore_mem>>) src(%dma_wait3A_207 : memref<640x128xf32, #tpu.memory_space<hbm>>) dst(%dma_wait3A_205 : memref<640x128xf32, #tpu.memory_space<vmem_shared>>)
      tpu.yield
    }) : () -> ()
    %barrier3A = arith.constant 0 : index
    tpu.barrier barrier_id(%barrier3A)
    %dma_start3A = arith.constant 0 : i32
    %dma_start3A_3 = arith.constant 0 : i32
    %dma_start3A_4 = arith.constant 0 : i32
    %dma_start3A_5 = arith.constant 0 : i32
    %dma_start3A_6 = tpu.memref_slice %arg4[%add3A, %dma_start3A, %dma_start3A_3, %dma_start3A_4, %dma_start3A_5] : memref<32x42x3x2x80xi32, #tpu.memory_space<hbm>> -> memref<1x1x3x2x80xi32, #tpu.memory_space<hbm>>
    %dma_start3A_7 = tpu.memref_squeeze %dma_start3A_6 : memref<1x1x3x2x80xi32, #tpu.memory_space<hbm>> -> memref<3x2x80xi32, #tpu.memory_space<hbm>>
    %dma_start3A_8 = arith.constant 0 : i32
    %dma_start3A_9 = arith.constant 0 : i32
    %dma_start3A_10 = arith.constant 0 : i32
    %dma_start3A_11 = tpu.memref_slice %arg4[%add3A, %dma_start3A, %dma_start3A_8, %dma_start3A_9, %dma_start3A_10] : memref<32x42x3x2x80xi32, #tpu.memory_space<hbm>> -> memref<1x1x3x2x80xi32, #tpu.memory_space<hbm>>
    %dma_start3A_12 = tpu.memref_squeeze %dma_start3A_11 : memref<1x1x3x2x80xi32, #tpu.memory_space<hbm>> -> memref<3x2x80xi32, #tpu.memory_space<hbm>>
    tpu.enqueue_dma source(%dma_start3A_12 : memref<3x2x80xi32, #tpu.memory_space<hbm>>) target(%arg6 : memref<3x2x80xi32, #tpu.memory_space<vmem>>) target_semaphore(%arg13 : memref<!tpu.dma_semaphore, #tpu.memory_space<semaphore_mem>>)
    %dma_start3A_13 = arith.constant 1 : i32
    %dma_start3A_14 = arith.constant 0 : i32
    %dma_start3A_15 = arith.constant 0 : i32
    %dma_start3A_16 = arith.constant 0 : i32
    %dma_start3A_17 = tpu.memref_slice %arg4[%add3A, %dma_start3A_13, %dma_start3A_14, %dma_start3A_15, %dma_start3A_16] : memref<32x42x3x2x80xi32, #tpu.memory_space<hbm>> -> memref<1x1x3x2x80xi32, #tpu.memory_space<hbm>>
    %dma_start3A_18 = tpu.memref_squeeze %dma_start3A_17 : memref<1x1x3x2x80xi32, #tpu.memory_space<hbm>> -> memref<3x2x80xi32, #tpu.memory_space<hbm>>
    %dma_start3A_19 = arith.constant 0 : i32
    %dma_start3A_20 = arith.constant 0 : i32
    %dma_start3A_21 = arith.constant 0 : i32
    %dma_start3A_22 = tpu.memref_slice %arg4[%add3A, %dma_start3A_13, %dma_start3A_19, %dma_start3A_20, %dma_start3A_21] : memref<32x42x3x2x80xi32, #tpu.memory_space<hbm>> -> memref<1x1x3x2x80xi32, #tpu.memory_space<hbm>>
    %dma_start3A_23 = tpu.memref_squeeze %dma_start3A_22 : memref<1x1x3x2x80xi32, #tpu.memory_space<hbm>> -> memref<3x2x80xi32, #tpu.memory_space<hbm>>
    tpu.enqueue_dma source(%dma_start3A_23 : memref<3x2x80xi32, #tpu.memory_space<hbm>>) target(%arg7 : memref<3x2x80xi32, #tpu.memory_space<vmem>>) target_semaphore(%arg14 : memref<!tpu.dma_semaphore, #tpu.memory_space<semaphore_mem>>)
    %dma_start3A_24 = arith.constant 2 : i32
    %dma_start3A_25 = arith.constant 0 : i32
    %dma_start3A_26 = arith.constant 0 : i32
    %dma_start3A_27 = arith.constant 0 : i32
    %dma_start3A_28 = tpu.memref_slice %arg4[%add3A, %dma_start3A_24, %dma_start3A_25, %dma_start3A_26, %dma_start3A_27] : memref<32x42x3x2x80xi32, #tpu.memory_space<hbm>> -> memref<1x1x3x2x80xi32, #tpu.memory_space<hbm>>
    %dma_start3A_29 = tpu.memref_squeeze %dma_start3A_28 : memref<1x1x3x2x80xi32, #tpu.memory_space<hbm>> -> memref<3x2x80xi32, #tpu.memory_space<hbm>>
    %dma_start3A_30 = arith.constant 0 : i32
    %dma_start3A_31 = arith.constant 0 : i32
    %dma_start3A_32 = arith.constant 0 : i32
    %dma_start3A_33 = tpu.memref_slice %arg4[%add3A, %dma_start3A_24, %dma_start3A_30, %dma_start3A_31, %dma_start3A_32] : memref<32x42x3x2x80xi32, #tpu.memory_space<hbm>> -> memref<1x1x3x2x80xi32, #tpu.memory_space<hbm>>
    %dma_start3A_34 = tpu.memref_squeeze %dma_start3A_33 : memref<1x1x3x2x80xi32, #tpu.memory_space<hbm>> -> memref<3x2x80xi32, #tpu.memory_space<hbm>>
    tpu.enqueue_dma source(%dma_start3A_34 : memref<3x2x80xi32, #tpu.memory_space<hbm>>) target(%arg8 : memref<3x2x80xi32, #tpu.memory_space<vmem>>) target_semaphore(%arg15 : memref<!tpu.dma_semaphore, #tpu.memory_space<semaphore_mem>>)
    %dma_wait3A = arith.constant 0 : i32
    %dma_wait3A_35 = arith.constant 0 : i32
    %dma_wait3A_36 = arith.constant 0 : i32
    %dma_wait3A_37 = arith.constant 0 : i32
    %dma_wait3A_38 = tpu.memref_slice %arg4[%add3A, %dma_wait3A, %dma_wait3A_35, %dma_wait3A_36, %dma_wait3A_37] : memref<32x42x3x2x80xi32, #tpu.memory_space<hbm>> -> memref<1x1x3x2x80xi32, #tpu.memory_space<hbm>>
    %dma_wait3A_39 = tpu.memref_squeeze %dma_wait3A_38 : memref<1x1x3x2x80xi32, #tpu.memory_space<hbm>> -> memref<3x2x80xi32, #tpu.memory_space<hbm>>
    %dma_wait3A_40 = arith.constant 0 : i32
    %dma_wait3A_41 = arith.constant 0 : i32
    %dma_wait3A_42 = arith.constant 0 : i32
    %dma_wait3A_43 = tpu.memref_slice %arg4[%add3A, %dma_wait3A, %dma_wait3A_40, %dma_wait3A_41, %dma_wait3A_42] : memref<32x42x3x2x80xi32, #tpu.memory_space<hbm>> -> memref<1x1x3x2x80xi32, #tpu.memory_space<hbm>>
    %dma_wait3A_44 = tpu.memref_squeeze %dma_wait3A_43 : memref<1x1x3x2x80xi32, #tpu.memory_space<hbm>> -> memref<3x2x80xi32, #tpu.memory_space<hbm>>
    tpu.wait_dma2 semaphore(%arg13 : memref<!tpu.dma_semaphore, #tpu.memory_space<semaphore_mem>>) src(%dma_wait3A_44 : memref<3x2x80xi32, #tpu.memory_space<hbm>>) dst(%arg6 : memref<3x2x80xi32, #tpu.memory_space<vmem>>)
    %dma_start3A_45 = arith.constant 0 : i32
    %dma_start3A_46 = arith.constant 0 : i32
    %dma_start3A_47 = arith.constant 0 : i32
    %dma_start3A_48 = tpu.memref_slice %arg6[%dma_start3A_45, %dma_start3A_46, %dma_start3A_47] : memref<3x2x80xi32, #tpu.memory_space<vmem>> -> memref<1x1x80xi32, #tpu.memory_space<vmem>>
    %dma_start3A_49 = tpu.memref_squeeze %dma_start3A_48 : memref<1x1x80xi32, #tpu.memory_space<vmem>> -> memref<80xi32, #tpu.memory_space<vmem>>
    %dma_start3A_50 = arith.constant 0 : i32
    %dma_start3A_51 = arith.constant 0 : i32
    %dma_start3A_52 = tpu.memref_slice %arg2[%dma_start3A_50, %dma_start3A_51] : memref<10240x128xf32, #tpu.memory_space<hbm>> -> memref<10240x128xf32, #tpu.memory_space<hbm>>
    tpu.enqueue_indirect_dma source(%dma_start3A_52 : memref<10240x128xf32, #tpu.memory_space<hbm>>) target(%arg9 : memref<80x128xf32, #tpu.memory_space<vmem>>) offsets(%dma_start3A_49 : memref<80xi32, #tpu.memory_space<vmem>>) semaphore(%arg16 : memref<!tpu.dma_semaphore, #tpu.memory_space<semaphore_mem>>)
    %dma_start3A_53 = arith.constant 1 : i32
    %dma_start3A_54 = arith.constant 0 : i32
    %dma_start3A_55 = arith.constant 0 : i32
    %dma_start3A_56 = tpu.memref_slice %arg6[%dma_start3A_53, %dma_start3A_54, %dma_start3A_55] : memref<3x2x80xi32, #tpu.memory_space<vmem>> -> memref<1x1x80xi32, #tpu.memory_space<vmem>>
    %dma_start3A_57 = tpu.memref_squeeze %dma_start3A_56 : memref<1x1x80xi32, #tpu.memory_space<vmem>> -> memref<80xi32, #tpu.memory_space<vmem>>
    %dma_start3A_58 = arith.constant 0 : i32
    %dma_start3A_59 = arith.constant 0 : i32
    %dma_start3A_60 = tpu.memref_slice %arg2[%dma_start3A_58, %dma_start3A_59] : memref<10240x128xf32, #tpu.memory_space<hbm>> -> memref<10240x128xf32, #tpu.memory_space<hbm>>
    tpu.enqueue_indirect_dma source(%dma_start3A_60 : memref<10240x128xf32, #tpu.memory_space<hbm>>) target(%arg10 : memref<80x128xf32, #tpu.memory_space<vmem>>) offsets(%dma_start3A_57 : memref<80xi32, #tpu.memory_space<vmem>>) semaphore(%arg17 : memref<!tpu.dma_semaphore, #tpu.memory_space<semaphore_mem>>)
    %scan3A = arith.constant 0 : i32
    %scan3A_61 = arith.constant 13 : i32
    %scan3A_62 = arith.addi %scan3A, %scan3A_61 : i32
    %scan3A_63 = arith.constant 1 : i32
    scf.for %scan3A_199 = %scan3A to %scan3A_62 step %scan3A_63  : i32 {
      %mul3A_200 = arith.constant 1 : i32
      %mul3A_201 = arith.muli %scan3A_199, %mul3A_200 : i32
      %add3A_202 = arith.constant 0 : i32
      %add3A_203 = arith.addi %add3A_202, %mul3A_201 : i32
      %mul3A_204 = arith.constant 3 : i32
      %mul3A_205 = arith.muli %add3A_203, %mul3A_204 : i32
      %dma_wait3A_206 = arith.constant 0 : i32
      %dma_wait3A_207 = arith.constant 0 : i32
      %dma_wait3A_208 = tpu.memref_slice %arg2[%dma_wait3A_206, %dma_wait3A_207] : memref<10240x128xf32, #tpu.memory_space<hbm>> -> memref<80x128xf32, #tpu.memory_space<hbm>>
      %dma_wait3A_209 = arith.constant 0 : i32
      %dma_wait3A_210 = arith.constant 0 : i32
      %dma_wait3A_211 = tpu.memref_slice %arg2[%dma_wait3A_209, %dma_wait3A_210] : memref<10240x128xf32, #tpu.memory_space<hbm>> -> memref<80x128xf32, #tpu.memory_space<hbm>>
      tpu.wait_dma2 semaphore(%arg16 : memref<!tpu.dma_semaphore, #tpu.memory_space<semaphore_mem>>) src(%dma_wait3A_211 : memref<80x128xf32, #tpu.memory_space<hbm>>) dst(%arg9 : memref<80x128xf32, #tpu.memory_space<vmem>>)
      %run_scoped3A_212 = arith.constant 0 : i32
      %run_scoped3A_213 = arith.constant 1 : i32
      "tpu.region"() ({
        %run_scoped3A_425 = tpu.sem_alloc : memref<!tpu.dma_semaphore, #tpu.memory_space<semaphore_mem>>
        %dma_start3A_426 = arith.constant 0 : i32
        %dma_start3A_427 = tpu.memref_slice %arg6[%run_scoped3A_212, %run_scoped3A_213, %dma_start3A_426] : memref<3x2x80xi32, #tpu.memory_space<vmem>> -> memref<1x1x80xi32, #tpu.memory_space<vmem>>
        %dma_start3A_428 = tpu.memref_squeeze %dma_start3A_427 : memref<1x1x80xi32, #tpu.memory_space<vmem>> -> memref<80xi32, #tpu.memory_space<vmem>>
        %dma_start3A_429 = arith.constant 0 : i32
        %dma_start3A_430 = arith.constant 0 : i32
        %dma_start3A_431 = tpu.memref_slice %arg12[%dma_start3A_429, %dma_start3A_430] : memref<10240x128xf32, #tpu.memory_space<vmem_shared>> -> memref<10240x128xf32, #tpu.memory_space<vmem_shared>>
        tpu.enqueue_indirect_dma source(%arg9 : memref<80x128xf32, #tpu.memory_space<vmem>>) target(%dma_start3A_431 : memref<10240x128xf32, #tpu.memory_space<vmem_shared>>) offsets(%dma_start3A_428 : memref<80xi32, #tpu.memory_space<vmem>>) semaphore(%run_scoped3A_425 : memref<!tpu.dma_semaphore, #tpu.memory_space<semaphore_mem>>) {add = true}
        %dma_wait3A_432 = arith.constant 0 : i32
        %dma_wait3A_433 = tpu.memref_slice %arg6[%run_scoped3A_212, %run_scoped3A_213, %dma_wait3A_432] : memref<3x2x80xi32, #tpu.memory_space<vmem>> -> memref<1x1x80xi32, #tpu.memory_space<vmem>>
        %dma_wait3A_434 = tpu.memref_squeeze %dma_wait3A_433 : memref<1x1x80xi32, #tpu.memory_space<vmem>> -> memref<80xi32, #tpu.memory_space<vmem>>
        %dma_wait3A_435 = arith.constant 0 : i32
        %dma_wait3A_436 = arith.constant 0 : i32
        %dma_wait3A_437 = tpu.memref_slice %arg12[%dma_wait3A_435, %dma_wait3A_436] : memref<10240x128xf32, #tpu.memory_space<vmem_shared>> -> memref<10240x128xf32, #tpu.memory_space<vmem_shared>>
        tpu.wait_indirect_dma semaphore(%run_scoped3A_425 : memref<!tpu.dma_semaphore, #tpu.memory_space<semaphore_mem>>) src(%arg9 : memref<80x128xf32, #tpu.memory_space<vmem>>) dst(%dma_wait3A_437 : memref<10240x128xf32, #tpu.memory_space<vmem_shared>>)
        tpu.yield
      }) : () -> ()
      %dma_start3A_214 = arith.constant 2 : i32
      %dma_start3A_215 = arith.constant 0 : i32
      %dma_start3A_216 = arith.constant 0 : i32
      %dma_start3A_217 = tpu.memref_slice %arg6[%dma_start3A_214, %dma_start3A_215, %dma_start3A_216] : memref<3x2x80xi32, #tpu.memory_space<vmem>> -> memref<1x1x80xi32, #tpu.memory_space<vmem>>
      %dma_start3A_218 = tpu.memref_squeeze %dma_start3A_217 : memref<1x1x80xi32, #tpu.memory_space<vmem>> -> memref<80xi32, #tpu.memory_space<vmem>>
      %dma_start3A_219 = arith.constant 0 : i32
      %dma_start3A_220 = arith.constant 0 : i32
      %dma_start3A_221 = tpu.memref_slice %arg2[%dma_start3A_219, %dma_start3A_220] : memref<10240x128xf32, #tpu.memory_space<hbm>> -> memref<10240x128xf32, #tpu.memory_space<hbm>>
      tpu.enqueue_indirect_dma source(%dma_start3A_221 : memref<10240x128xf32, #tpu.memory_space<hbm>>) target(%arg11 : memref<80x128xf32, #tpu.memory_space<vmem>>) offsets(%dma_start3A_218 : memref<80xi32, #tpu.memory_space<vmem>>) semaphore(%arg18 : memref<!tpu.dma_semaphore, #tpu.memory_space<semaphore_mem>>)
      %dma_wait3A_222 = arith.constant 0 : i32
      %dma_wait3A_223 = arith.constant 0 : i32
      %dma_wait3A_224 = tpu.memref_slice %arg2[%dma_wait3A_222, %dma_wait3A_223] : memref<10240x128xf32, #tpu.memory_space<hbm>> -> memref<80x128xf32, #tpu.memory_space<hbm>>
      %dma_wait3A_225 = arith.constant 0 : i32
      %dma_wait3A_226 = arith.constant 0 : i32
      %dma_wait3A_227 = tpu.memref_slice %arg2[%dma_wait3A_225, %dma_wait3A_226] : memref<10240x128xf32, #tpu.memory_space<hbm>> -> memref<80x128xf32, #tpu.memory_space<hbm>>
      tpu.wait_dma2 semaphore(%arg17 : memref<!tpu.dma_semaphore, #tpu.memory_space<semaphore_mem>>) src(%dma_wait3A_227 : memref<80x128xf32, #tpu.memory_space<hbm>>) dst(%arg10 : memref<80x128xf32, #tpu.memory_space<vmem>>)
      %run_scoped3A_228 = arith.constant 1 : i32
      %run_scoped3A_229 = arith.constant 1 : i32
      "tpu.region"() ({
        %run_scoped3A_425 = tpu.sem_alloc : memref<!tpu.dma_semaphore, #tpu.memory_space<semaphore_mem>>
        %dma_start3A_426 = arith.constant 0 : i32
        %dma_start3A_427 = tpu.memref_slice %arg6[%run_scoped3A_228, %run_scoped3A_229, %dma_start3A_426] : memref<3x2x80xi32, #tpu.memory_space<vmem>> -> memref<1x1x80xi32, #tpu.memory_space<vmem>>
        %dma_start3A_428 = tpu.memref_squeeze %dma_start3A_427 : memref<1x1x80xi32, #tpu.memory_space<vmem>> -> memref<80xi32, #tpu.memory_space<vmem>>
        %dma_start3A_429 = arith.constant 0 : i32
        %dma_start3A_430 = arith.constant 0 : i32
        %dma_start3A_431 = tpu.memref_slice %arg12[%dma_start3A_429, %dma_start3A_430] : memref<10240x128xf32, #tpu.memory_space<vmem_shared>> -> memref<10240x128xf32, #tpu.memory_space<vmem_shared>>
        tpu.enqueue_indirect_dma source(%arg10 : memref<80x128xf32, #tpu.memory_space<vmem>>) target(%dma_start3A_431 : memref<10240x128xf32, #tpu.memory_space<vmem_shared>>) offsets(%dma_start3A_428 : memref<80xi32, #tpu.memory_space<vmem>>) semaphore(%run_scoped3A_425 : memref<!tpu.dma_semaphore, #tpu.memory_space<semaphore_mem>>) {add = true}
        %dma_wait3A_432 = arith.constant 0 : i32
        %dma_wait3A_433 = tpu.memref_slice %arg6[%run_scoped3A_228, %run_scoped3A_229, %dma_wait3A_432] : memref<3x2x80xi32, #tpu.memory_space<vmem>> -> memref<1x1x80xi32, #tpu.memory_space<vmem>>
        %dma_wait3A_434 = tpu.memref_squeeze %dma_wait3A_433 : memref<1x1x80xi32, #tpu.memory_space<vmem>> -> memref<80xi32, #tpu.memory_space<vmem>>
        %dma_wait3A_435 = arith.constant 0 : i32
        %dma_wait3A_436 = arith.constant 0 : i32
        %dma_wait3A_437 = tpu.memref_slice %arg12[%dma_wait3A_435, %dma_wait3A_436] : memref<10240x128xf32, #tpu.memory_space<vmem_shared>> -> memref<10240x128xf32, #tpu.memory_space<vmem_shared>>
        tpu.wait_indirect_dma semaphore(%run_scoped3A_425 : memref<!tpu.dma_semaphore, #tpu.memory_space<semaphore_mem>>) src(%arg10 : memref<80x128xf32, #tpu.memory_space<vmem>>) dst(%dma_wait3A_437 : memref<10240x128xf32, #tpu.memory_space<vmem_shared>>)
        tpu.yield
      }) : () -> ()
      %dma_wait3A_230 = arith.constant 0 : i32
      %dma_wait3A_231 = arith.constant 0 : i32
      %dma_wait3A_232 = arith.constant 0 : i32
      %dma_wait3A_233 = arith.constant 0 : i32
      %dma_wait3A_234 = tpu.memref_slice %arg4[%add3A, %dma_wait3A_230, %dma_wait3A_231, %dma_wait3A_232, %dma_wait3A_233] : memref<32x42x3x2x80xi32, #tpu.memory_space<hbm>> -> memref<1x1x3x2x80xi32, #tpu.memory_space<hbm>>
      %dma_wait3A_235 = tpu.memref_squeeze %dma_wait3A_234 : memref<1x1x3x2x80xi32, #tpu.memory_space<hbm>> -> memref<3x2x80xi32, #tpu.memory_space<hbm>>
      %dma_wait3A_236 = arith.constant 0 : i32
      %dma_wait3A_237 = arith.constant 0 : i32
      %dma_wait3A_238 = arith.constant 0 : i32
      %dma_wait3A_239 = tpu.memref_slice %arg4[%add3A, %dma_wait3A_230, %dma_wait3A_236, %dma_wait3A_237, %dma_wait3A_238] : memref<32x42x3x2x80xi32, #tpu.memory_space<hbm>> -> memref<1x1x3x2x80xi32, #tpu.memory_space<hbm>>
      %dma_wait3A_240 = tpu.memref_squeeze %dma_wait3A_239 : memref<1x1x3x2x80xi32, #tpu.memory_space<hbm>> -> memref<3x2x80xi32, #tpu.memory_space<hbm>>
      tpu.wait_dma2 semaphore(%arg14 : memref<!tpu.dma_semaphore, #tpu.memory_space<semaphore_mem>>) src(%dma_wait3A_240 : memref<3x2x80xi32, #tpu.memory_space<hbm>>) dst(%arg7 : memref<3x2x80xi32, #tpu.memory_space<vmem>>)
      %dma_start3A_241 = arith.constant 0 : i32
      %dma_start3A_242 = arith.constant 0 : i32
      %dma_start3A_243 = arith.constant 0 : i32
      %dma_start3A_244 = tpu.memref_slice %arg7[%dma_start3A_241, %dma_start3A_242, %dma_start3A_243] : memref<3x2x80xi32, #tpu.memory_space<vmem>> -> memref<1x1x80xi32, #tpu.memory_space<vmem>>
      %dma_start3A_245 = tpu.memref_squeeze %dma_start3A_244 : memref<1x1x80xi32, #tpu.memory_space<vmem>> -> memref<80xi32, #tpu.memory_space<vmem>>
      %dma_start3A_246 = arith.constant 0 : i32
      %dma_start3A_247 = arith.constant 0 : i32
      %dma_start3A_248 = tpu.memref_slice %arg2[%dma_start3A_246, %dma_start3A_247] : memref<10240x128xf32, #tpu.memory_space<hbm>> -> memref<10240x128xf32, #tpu.memory_space<hbm>>
      tpu.enqueue_indirect_dma source(%dma_start3A_248 : memref<10240x128xf32, #tpu.memory_space<hbm>>) target(%arg9 : memref<80x128xf32, #tpu.memory_space<vmem>>) offsets(%dma_start3A_245 : memref<80xi32, #tpu.memory_space<vmem>>) semaphore(%arg16 : memref<!tpu.dma_semaphore, #tpu.memory_space<semaphore_mem>>)
      %dma_wait3A_249 = arith.constant 0 : i32
      %dma_wait3A_250 = arith.constant 0 : i32
      %dma_wait3A_251 = tpu.memref_slice %arg2[%dma_wait3A_249, %dma_wait3A_250] : memref<10240x128xf32, #tpu.memory_space<hbm>> -> memref<80x128xf32, #tpu.memory_space<hbm>>
      %dma_wait3A_252 = arith.constant 0 : i32
      %dma_wait3A_253 = arith.constant 0 : i32
      %dma_wait3A_254 = tpu.memref_slice %arg2[%dma_wait3A_252, %dma_wait3A_253] : memref<10240x128xf32, #tpu.memory_space<hbm>> -> memref<80x128xf32, #tpu.memory_space<hbm>>
      tpu.wait_dma2 semaphore(%arg18 : memref<!tpu.dma_semaphore, #tpu.memory_space<semaphore_mem>>) src(%dma_wait3A_254 : memref<80x128xf32, #tpu.memory_space<hbm>>) dst(%arg11 : memref<80x128xf32, #tpu.memory_space<vmem>>)
      %run_scoped3A_255 = arith.constant 2 : i32
      %run_scoped3A_256 = arith.constant 1 : i32
      "tpu.region"() ({
        %run_scoped3A_425 = tpu.sem_alloc : memref<!tpu.dma_semaphore, #tpu.memory_space<semaphore_mem>>
        %dma_start3A_426 = arith.constant 0 : i32
        %dma_start3A_427 = tpu.memref_slice %arg6[%run_scoped3A_255, %run_scoped3A_256, %dma_start3A_426] : memref<3x2x80xi32, #tpu.memory_space<vmem>> -> memref<1x1x80xi32, #tpu.memory_space<vmem>>
        %dma_start3A_428 = tpu.memref_squeeze %dma_start3A_427 : memref<1x1x80xi32, #tpu.memory_space<vmem>> -> memref<80xi32, #tpu.memory_space<vmem>>
        %dma_start3A_429 = arith.constant 0 : i32
        %dma_start3A_430 = arith.constant 0 : i32
        %dma_start3A_431 = tpu.memref_slice %arg12[%dma_start3A_429, %dma_start3A_430] : memref<10240x128xf32, #tpu.memory_space<vmem_shared>> -> memref<10240x128xf32, #tpu.memory_space<vmem_shared>>
        tpu.enqueue_indirect_dma source(%arg11 : memref<80x128xf32, #tpu.memory_space<vmem>>) target(%dma_start3A_431 : memref<10240x128xf32, #tpu.memory_space<vmem_shared>>) offsets(%dma_start3A_428 : memref<80xi32, #tpu.memory_space<vmem>>) semaphore(%run_scoped3A_425 : memref<!tpu.dma_semaphore, #tpu.memory_space<semaphore_mem>>) {add = true}
        %dma_wait3A_432 = arith.constant 0 : i32
        %dma_wait3A_433 = tpu.memref_slice %arg6[%run_scoped3A_255, %run_scoped3A_256, %dma_wait3A_432] : memref<3x2x80xi32, #tpu.memory_space<vmem>> -> memref<1x1x80xi32, #tpu.memory_space<vmem>>
        %dma_wait3A_434 = tpu.memref_squeeze %dma_wait3A_433 : memref<1x1x80xi32, #tpu.memory_space<vmem>> -> memref<80xi32, #tpu.memory_space<vmem>>
        %dma_wait3A_435 = arith.constant 0 : i32
        %dma_wait3A_436 = arith.constant 0 : i32
        %dma_wait3A_437 = tpu.memref_slice %arg12[%dma_wait3A_435, %dma_wait3A_436] : memref<10240x128xf32, #tpu.memory_space<vmem_shared>> -> memref<10240x128xf32, #tpu.memory_space<vmem_shared>>
        tpu.wait_indirect_dma semaphore(%run_scoped3A_425 : memref<!tpu.dma_semaphore, #tpu.memory_space<semaphore_mem>>) src(%arg11 : memref<80x128xf32, #tpu.memory_space<vmem>>) dst(%dma_wait3A_437 : memref<10240x128xf32, #tpu.memory_space<vmem_shared>>)
        tpu.yield
      }) : () -> ()
      %add3A_257 = arith.constant 3 : i32
      %add3A_258 = arith.addi %mul3A_205, %add3A_257 : i32
      %add3A_259 = arith.constant 0 : i32
      %add3A_260 = arith.addi %add3A_258, %add3A_259 : i32
      %dma_start3A_261 = arith.constant 0 : i32
      %dma_start3A_262 = arith.constant 0 : i32
      %dma_start3A_263 = arith.constant 0 : i32
      %dma_start3A_264 = tpu.memref_slice %arg4[%add3A, %add3A_260, %dma_start3A_261, %dma_start3A_262, %dma_start3A_263] : memref<32x42x3x2x80xi32, #tpu.memory_space<hbm>> -> memref<1x1x3x2x80xi32, #tpu.memory_space<hbm>>
      %dma_start3A_265 = tpu.memref_squeeze %dma_start3A_264 : memref<1x1x3x2x80xi32, #tpu.memory_space<hbm>> -> memref<3x2x80xi32, #tpu.memory_space<hbm>>
      %dma_start3A_266 = arith.constant 0 : i32
      %dma_start3A_267 = arith.constant 0 : i32
      %dma_start3A_268 = arith.constant 0 : i32
      %dma_start3A_269 = tpu.memref_slice %arg4[%add3A, %add3A_260, %dma_start3A_266, %dma_start3A_267, %dma_start3A_268] : memref<32x42x3x2x80xi32, #tpu.memory_space<hbm>> -> memref<1x1x3x2x80xi32, #tpu.memory_space<hbm>>
      %dma_start3A_270 = tpu.memref_squeeze %dma_start3A_269 : memref<1x1x3x2x80xi32, #tpu.memory_space<hbm>> -> memref<3x2x80xi32, #tpu.memory_space<hbm>>
      tpu.enqueue_dma source(%dma_start3A_270 : memref<3x2x80xi32, #tpu.memory_space<hbm>>) target(%arg6 : memref<3x2x80xi32, #tpu.memory_space<vmem>>) target_semaphore(%arg13 : memref<!tpu.dma_semaphore, #tpu.memory_space<semaphore_mem>>)
      %dma_start3A_271 = arith.constant 1 : i32
      %dma_start3A_272 = arith.constant 0 : i32
      %dma_start3A_273 = arith.constant 0 : i32
      %dma_start3A_274 = tpu.memref_slice %arg7[%dma_start3A_271, %dma_start3A_272, %dma_start3A_273] : memref<3x2x80xi32, #tpu.memory_space<vmem>> -> memref<1x1x80xi32, #tpu.memory_space<vmem>>
      %dma_start3A_275 = tpu.memref_squeeze %dma_start3A_274 : memref<1x1x80xi32, #tpu.memory_space<vmem>> -> memref<80xi32, #tpu.memory_space<vmem>>
      %dma_start3A_276 = arith.constant 0 : i32
      %dma_start3A_277 = arith.constant 0 : i32
      %dma_start3A_278 = tpu.memref_slice %arg2[%dma_start3A_276, %dma_start3A_277] : memref<10240x128xf32, #tpu.memory_space<hbm>> -> memref<10240x128xf32, #tpu.memory_space<hbm>>
      tpu.enqueue_indirect_dma source(%dma_start3A_278 : memref<10240x128xf32, #tpu.memory_space<hbm>>) target(%arg10 : memref<80x128xf32, #tpu.memory_space<vmem>>) offsets(%dma_start3A_275 : memref<80xi32, #tpu.memory_space<vmem>>) semaphore(%arg17 : memref<!tpu.dma_semaphore, #tpu.memory_space<semaphore_mem>>)
      %dma_wait3A_279 = arith.constant 0 : i32
      %dma_wait3A_280 = arith.constant 0 : i32
      %dma_wait3A_281 = tpu.memref_slice %arg2[%dma_wait3A_279, %dma_wait3A_280] : memref<10240x128xf32, #tpu.memory_space<hbm>> -> memref<80x128xf32, #tpu.memory_space<hbm>>
      %dma_wait3A_282 = arith.constant 0 : i32
      %dma_wait3A_283 = arith.constant 0 : i32
      %dma_wait3A_284 = tpu.memref_slice %arg2[%dma_wait3A_282, %dma_wait3A_283] : memref<10240x128xf32, #tpu.memory_space<hbm>> -> memref<80x128xf32, #tpu.memory_space<hbm>>
      tpu.wait_dma2 semaphore(%arg16 : memref<!tpu.dma_semaphore, #tpu.memory_space<semaphore_mem>>) src(%dma_wait3A_284 : memref<80x128xf32, #tpu.memory_space<hbm>>) dst(%arg9 : memref<80x128xf32, #tpu.memory_space<vmem>>)
      %run_scoped3A_285 = arith.constant 0 : i32
      %run_scoped3A_286 = arith.constant 1 : i32
      "tpu.region"() ({
        %run_scoped3A_425 = tpu.sem_alloc : memref<!tpu.dma_semaphore, #tpu.memory_space<semaphore_mem>>
        %dma_start3A_426 = arith.constant 0 : i32
        %dma_start3A_427 = tpu.memref_slice %arg7[%run_scoped3A_285, %run_scoped3A_286, %dma_start3A_426] : memref<3x2x80xi32, #tpu.memory_space<vmem>> -> memref<1x1x80xi32, #tpu.memory_space<vmem>>
        %dma_start3A_428 = tpu.memref_squeeze %dma_start3A_427 : memref<1x1x80xi32, #tpu.memory_space<vmem>> -> memref<80xi32, #tpu.memory_space<vmem>>
        %dma_start3A_429 = arith.constant 0 : i32
        %dma_start3A_430 = arith.constant 0 : i32
        %dma_start3A_431 = tpu.memref_slice %arg12[%dma_start3A_429, %dma_start3A_430] : memref<10240x128xf32, #tpu.memory_space<vmem_shared>> -> memref<10240x128xf32, #tpu.memory_space<vmem_shared>>
        tpu.enqueue_indirect_dma source(%arg9 : memref<80x128xf32, #tpu.memory_space<vmem>>) target(%dma_start3A_431 : memref<10240x128xf32, #tpu.memory_space<vmem_shared>>) offsets(%dma_start3A_428 : memref<80xi32, #tpu.memory_space<vmem>>) semaphore(%run_scoped3A_425 : memref<!tpu.dma_semaphore, #tpu.memory_space<semaphore_mem>>) {add = true}
        %dma_wait3A_432 = arith.constant 0 : i32
        %dma_wait3A_433 = tpu.memref_slice %arg7[%run_scoped3A_285, %run_scoped3A_286, %dma_wait3A_432] : memref<3x2x80xi32, #tpu.memory_space<vmem>> -> memref<1x1x80xi32, #tpu.memory_space<vmem>>
        %dma_wait3A_434 = tpu.memref_squeeze %dma_wait3A_433 : memref<1x1x80xi32, #tpu.memory_space<vmem>> -> memref<80xi32, #tpu.memory_space<vmem>>
        %dma_wait3A_435 = arith.constant 0 : i32
        %dma_wait3A_436 = arith.constant 0 : i32
        %dma_wait3A_437 = tpu.memref_slice %arg12[%dma_wait3A_435, %dma_wait3A_436] : memref<10240x128xf32, #tpu.memory_space<vmem_shared>> -> memref<10240x128xf32, #tpu.memory_space<vmem_shared>>
        tpu.wait_indirect_dma semaphore(%run_scoped3A_425 : memref<!tpu.dma_semaphore, #tpu.memory_space<semaphore_mem>>) src(%arg9 : memref<80x128xf32, #tpu.memory_space<vmem>>) dst(%dma_wait3A_437 : memref<10240x128xf32, #tpu.memory_space<vmem_shared>>)
        tpu.yield
      }) : () -> ()
      %dma_start3A_287 = arith.constant 2 : i32
      %dma_start3A_288 = arith.constant 0 : i32
      %dma_start3A_289 = arith.constant 0 : i32
      %dma_start3A_290 = tpu.memref_slice %arg7[%dma_start3A_287, %dma_start3A_288, %dma_start3A_289] : memref<3x2x80xi32, #tpu.memory_space<vmem>> -> memref<1x1x80xi32, #tpu.memory_space<vmem>>
      %dma_start3A_291 = tpu.memref_squeeze %dma_start3A_290 : memref<1x1x80xi32, #tpu.memory_space<vmem>> -> memref<80xi32, #tpu.memory_space<vmem>>
      %dma_start3A_292 = arith.constant 0 : i32
      %dma_start3A_293 = arith.constant 0 : i32
      %dma_start3A_294 = tpu.memref_slice %arg2[%dma_start3A_292, %dma_start3A_293] : memref<10240x128xf32, #tpu.memory_space<hbm>> -> memref<10240x128xf32, #tpu.memory_space<hbm>>
      tpu.enqueue_indirect_dma source(%dma_start3A_294 : memref<10240x128xf32, #tpu.memory_space<hbm>>) target(%arg11 : memref<80x128xf32, #tpu.memory_space<vmem>>) offsets(%dma_start3A_291 : memref<80xi32, #tpu.memory_space<vmem>>) semaphore(%arg18 : memref<!tpu.dma_semaphore, #tpu.memory_space<semaphore_mem>>)
      %dma_wait3A_295 = arith.constant 0 : i32
      %dma_wait3A_296 = arith.constant 0 : i32
      %dma_wait3A_297 = tpu.memref_slice %arg2[%dma_wait3A_295, %dma_wait3A_296] : memref<10240x128xf32, #tpu.memory_space<hbm>> -> memref<80x128xf32, #tpu.memory_space<hbm>>
      %dma_wait3A_298 = arith.constant 0 : i32
      %dma_wait3A_299 = arith.constant 0 : i32
      %dma_wait3A_300 = tpu.memref_slice %arg2[%dma_wait3A_298, %dma_wait3A_299] : memref<10240x128xf32, #tpu.memory_space<hbm>> -> memref<80x128xf32, #tpu.memory_space<hbm>>
      tpu.wait_dma2 semaphore(%arg17 : memref<!tpu.dma_semaphore, #tpu.memory_space<semaphore_mem>>) src(%dma_wait3A_300 : memref<80x128xf32, #tpu.memory_space<hbm>>) dst(%arg10 : memref<80x128xf32, #tpu.memory_space<vmem>>)
      %run_scoped3A_301 = arith.constant 1 : i32
      %run_scoped3A_302 = arith.constant 1 : i32
      "tpu.region"() ({
        %run_scoped3A_425 = tpu.sem_alloc : memref<!tpu.dma_semaphore, #tpu.memory_space<semaphore_mem>>
        %dma_start3A_426 = arith.constant 0 : i32
        %dma_start3A_427 = tpu.memref_slice %arg7[%run_scoped3A_301, %run_scoped3A_302, %dma_start3A_426] : memref<3x2x80xi32, #tpu.memory_space<vmem>> -> memref<1x1x80xi32, #tpu.memory_space<vmem>>
        %dma_start3A_428 = tpu.memref_squeeze %dma_start3A_427 : memref<1x1x80xi32, #tpu.memory_space<vmem>> -> memref<80xi32, #tpu.memory_space<vmem>>
        %dma_start3A_429 = arith.constant 0 : i32
        %dma_start3A_430 = arith.constant 0 : i32
        %dma_start3A_431 = tpu.memref_slice %arg12[%dma_start3A_429, %dma_start3A_430] : memref<10240x128xf32, #tpu.memory_space<vmem_shared>> -> memref<10240x128xf32, #tpu.memory_space<vmem_shared>>
        tpu.enqueue_indirect_dma source(%arg10 : memref<80x128xf32, #tpu.memory_space<vmem>>) target(%dma_start3A_431 : memref<10240x128xf32, #tpu.memory_space<vmem_shared>>) offsets(%dma_start3A_428 : memref<80xi32, #tpu.memory_space<vmem>>) semaphore(%run_scoped3A_425 : memref<!tpu.dma_semaphore, #tpu.memory_space<semaphore_mem>>) {add = true}
        %dma_wait3A_432 = arith.constant 0 : i32
        %dma_wait3A_433 = tpu.memref_slice %arg7[%run_scoped3A_301, %run_scoped3A_302, %dma_wait3A_432] : memref<3x2x80xi32, #tpu.memory_space<vmem>> -> memref<1x1x80xi32, #tpu.memory_space<vmem>>
        %dma_wait3A_434 = tpu.memref_squeeze %dma_wait3A_433 : memref<1x1x80xi32, #tpu.memory_space<vmem>> -> memref<80xi32, #tpu.memory_space<vmem>>
        %dma_wait3A_435 = arith.constant 0 : i32
        %dma_wait3A_436 = arith.constant 0 : i32
        %dma_wait3A_437 = tpu.memref_slice %arg12[%dma_wait3A_435, %dma_wait3A_436] : memref<10240x128xf32, #tpu.memory_space<vmem_shared>> -> memref<10240x128xf32, #tpu.memory_space<vmem_shared>>
        tpu.wait_indirect_dma semaphore(%run_scoped3A_425 : memref<!tpu.dma_semaphore, #tpu.memory_space<semaphore_mem>>) src(%arg10 : memref<80x128xf32, #tpu.memory_space<vmem>>) dst(%dma_wait3A_437 : memref<10240x128xf32, #tpu.memory_space<vmem_shared>>)
        tpu.yield
      }) : () -> ()
      %dma_wait3A_303 = arith.constant 0 : i32
      %dma_wait3A_304 = arith.constant 0 : i32
      %dma_wait3A_305 = arith.constant 0 : i32
      %dma_wait3A_306 = arith.constant 0 : i32
      %dma_wait3A_307 = tpu.memref_slice %arg4[%add3A, %dma_wait3A_303, %dma_wait3A_304, %dma_wait3A_305, %dma_wait3A_306] : memref<32x42x3x2x80xi32, #tpu.memory_space<hbm>> -> memref<1x1x3x2x80xi32, #tpu.memory_space<hbm>>
      %dma_wait3A_308 = tpu.memref_squeeze %dma_wait3A_307 : memref<1x1x3x2x80xi32, #tpu.memory_space<hbm>> -> memref<3x2x80xi32, #tpu.memory_space<hbm>>
      %dma_wait3A_309 = arith.constant 0 : i32
      %dma_wait3A_310 = arith.constant 0 : i32
      %dma_wait3A_311 = arith.constant 0 : i32
      %dma_wait3A_312 = tpu.memref_slice %arg4[%add3A, %dma_wait3A_303, %dma_wait3A_309, %dma_wait3A_310, %dma_wait3A_311] : memref<32x42x3x2x80xi32, #tpu.memory_space<hbm>> -> memref<1x1x3x2x80xi32, #tpu.memory_space<hbm>>
      %dma_wait3A_313 = tpu.memref_squeeze %dma_wait3A_312 : memref<1x1x3x2x80xi32, #tpu.memory_space<hbm>> -> memref<3x2x80xi32, #tpu.memory_space<hbm>>
      tpu.wait_dma2 semaphore(%arg15 : memref<!tpu.dma_semaphore, #tpu.memory_space<semaphore_mem>>) src(%dma_wait3A_313 : memref<3x2x80xi32, #tpu.memory_space<hbm>>) dst(%arg8 : memref<3x2x80xi32, #tpu.memory_space<vmem>>)
      %dma_start3A_314 = arith.constant 0 : i32
      %dma_start3A_315 = arith.constant 0 : i32
      %dma_start3A_316 = arith.constant 0 : i32
      %dma_start3A_317 = tpu.memref_slice %arg8[%dma_start3A_314, %dma_start3A_315, %dma_start3A_316] : memref<3x2x80xi32, #tpu.memory_space<vmem>> -> memref<1x1x80xi32, #tpu.memory_space<vmem>>
      %dma_start3A_318 = tpu.memref_squeeze %dma_start3A_317 : memref<1x1x80xi32, #tpu.memory_space<vmem>> -> memref<80xi32, #tpu.memory_space<vmem>>
      %dma_start3A_319 = arith.constant 0 : i32
      %dma_start3A_320 = arith.constant 0 : i32
      %dma_start3A_321 = tpu.memref_slice %arg2[%dma_start3A_319, %dma_start3A_320] : memref<10240x128xf32, #tpu.memory_space<hbm>> -> memref<10240x128xf32, #tpu.memory_space<hbm>>
      tpu.enqueue_indirect_dma source(%dma_start3A_321 : memref<10240x128xf32, #tpu.memory_space<hbm>>) target(%arg9 : memref<80x128xf32, #tpu.memory_space<vmem>>) offsets(%dma_start3A_318 : memref<80xi32, #tpu.memory_space<vmem>>) semaphore(%arg16 : memref<!tpu.dma_semaphore, #tpu.memory_space<semaphore_mem>>)
      %dma_wait3A_322 = arith.constant 0 : i32
      %dma_wait3A_323 = arith.constant 0 : i32
      %dma_wait3A_324 = tpu.memref_slice %arg2[%dma_wait3A_322, %dma_wait3A_323] : memref<10240x128xf32, #tpu.memory_space<hbm>> -> memref<80x128xf32, #tpu.memory_space<hbm>>
      %dma_wait3A_325 = arith.constant 0 : i32
      %dma_wait3A_326 = arith.constant 0 : i32
      %dma_wait3A_327 = tpu.memref_slice %arg2[%dma_wait3A_325, %dma_wait3A_326] : memref<10240x128xf32, #tpu.memory_space<hbm>> -> memref<80x128xf32, #tpu.memory_space<hbm>>
      tpu.wait_dma2 semaphore(%arg18 : memref<!tpu.dma_semaphore, #tpu.memory_space<semaphore_mem>>) src(%dma_wait3A_327 : memref<80x128xf32, #tpu.memory_space<hbm>>) dst(%arg11 : memref<80x128xf32, #tpu.memory_space<vmem>>)
      %run_scoped3A_328 = arith.constant 2 : i32
      %run_scoped3A_329 = arith.constant 1 : i32
      "tpu.region"() ({
        %run_scoped3A_425 = tpu.sem_alloc : memref<!tpu.dma_semaphore, #tpu.memory_space<semaphore_mem>>
        %dma_start3A_426 = arith.constant 0 : i32
        %dma_start3A_427 = tpu.memref_slice %arg7[%run_scoped3A_328, %run_scoped3A_329, %dma_start3A_426] : memref<3x2x80xi32, #tpu.memory_space<vmem>> -> memref<1x1x80xi32, #tpu.memory_space<vmem>>
        %dma_start3A_428 = tpu.memref_squeeze %dma_start3A_427 : memref<1x1x80xi32, #tpu.memory_space<vmem>> -> memref<80xi32, #tpu.memory_space<vmem>>
        %dma_start3A_429 = arith.constant 0 : i32
        %dma_start3A_430 = arith.constant 0 : i32
        %dma_start3A_431 = tpu.memref_slice %arg12[%dma_start3A_429, %dma_start3A_430] : memref<10240x128xf32, #tpu.memory_space<vmem_shared>> -> memref<10240x128xf32, #tpu.memory_space<vmem_shared>>
        tpu.enqueue_indirect_dma source(%arg11 : memref<80x128xf32, #tpu.memory_space<vmem>>) target(%dma_start3A_431 : memref<10240x128xf32, #tpu.memory_space<vmem_shared>>) offsets(%dma_start3A_428 : memref<80xi32, #tpu.memory_space<vmem>>) semaphore(%run_scoped3A_425 : memref<!tpu.dma_semaphore, #tpu.memory_space<semaphore_mem>>) {add = true}
        %dma_wait3A_432 = arith.constant 0 : i32
        %dma_wait3A_433 = tpu.memref_slice %arg7[%run_scoped3A_328, %run_scoped3A_329, %dma_wait3A_432] : memref<3x2x80xi32, #tpu.memory_space<vmem>> -> memref<1x1x80xi32, #tpu.memory_space<vmem>>
        %dma_wait3A_434 = tpu.memref_squeeze %dma_wait3A_433 : memref<1x1x80xi32, #tpu.memory_space<vmem>> -> memref<80xi32, #tpu.memory_space<vmem>>
        %dma_wait3A_435 = arith.constant 0 : i32
        %dma_wait3A_436 = arith.constant 0 : i32
        %dma_wait3A_437 = tpu.memref_slice %arg12[%dma_wait3A_435, %dma_wait3A_436] : memref<10240x128xf32, #tpu.memory_space<vmem_shared>> -> memref<10240x128xf32, #tpu.memory_space<vmem_shared>>
        tpu.wait_indirect_dma semaphore(%run_scoped3A_425 : memref<!tpu.dma_semaphore, #tpu.memory_space<semaphore_mem>>) src(%arg11 : memref<80x128xf32, #tpu.memory_space<vmem>>) dst(%dma_wait3A_437 : memref<10240x128xf32, #tpu.memory_space<vmem_shared>>)
        tpu.yield
      }) : () -> ()
      %add3A_330 = arith.constant 3 : i32
      %add3A_331 = arith.addi %mul3A_205, %add3A_330 : i32
      %add3A_332 = arith.constant 1 : i32
      %add3A_333 = arith.addi %add3A_331, %add3A_332 : i32
      %dma_start3A_334 = arith.constant 0 : i32
      %dma_start3A_335 = arith.constant 0 : i32
      %dma_start3A_336 = arith.constant 0 : i32
      %dma_start3A_337 = tpu.memref_slice %arg4[%add3A, %add3A_333, %dma_start3A_334, %dma_start3A_335, %dma_start3A_336] : memref<32x42x3x2x80xi32, #tpu.memory_space<hbm>> -> memref<1x1x3x2x80xi32, #tpu.memory_space<hbm>>
      %dma_start3A_338 = tpu.memref_squeeze %dma_start3A_337 : memref<1x1x3x2x80xi32, #tpu.memory_space<hbm>> -> memref<3x2x80xi32, #tpu.memory_space<hbm>>
      %dma_start3A_339 = arith.constant 0 : i32
      %dma_start3A_340 = arith.constant 0 : i32
      %dma_start3A_341 = arith.constant 0 : i32
      %dma_start3A_342 = tpu.memref_slice %arg4[%add3A, %add3A_333, %dma_start3A_339, %dma_start3A_340, %dma_start3A_341] : memref<32x42x3x2x80xi32, #tpu.memory_space<hbm>> -> memref<1x1x3x2x80xi32, #tpu.memory_space<hbm>>
      %dma_start3A_343 = tpu.memref_squeeze %dma_start3A_342 : memref<1x1x3x2x80xi32, #tpu.memory_space<hbm>> -> memref<3x2x80xi32, #tpu.memory_space<hbm>>
      tpu.enqueue_dma source(%dma_start3A_343 : memref<3x2x80xi32, #tpu.memory_space<hbm>>) target(%arg7 : memref<3x2x80xi32, #tpu.memory_space<vmem>>) target_semaphore(%arg14 : memref<!tpu.dma_semaphore, #tpu.memory_space<semaphore_mem>>)
      %dma_start3A_344 = arith.constant 1 : i32
      %dma_start3A_345 = arith.constant 0 : i32
      %dma_start3A_346 = arith.constant 0 : i32
      %dma_start3A_347 = tpu.memref_slice %arg8[%dma_start3A_344, %dma_start3A_345, %dma_start3A_346] : memref<3x2x80xi32, #tpu.memory_space<vmem>> -> memref<1x1x80xi32, #tpu.memory_space<vmem>>
      %dma_start3A_348 = tpu.memref_squeeze %dma_start3A_347 : memref<1x1x80xi32, #tpu.memory_space<vmem>> -> memref<80xi32, #tpu.memory_space<vmem>>
      %dma_start3A_349 = arith.constant 0 : i32
      %dma_start3A_350 = arith.constant 0 : i32
      %dma_start3A_351 = tpu.memref_slice %arg2[%dma_start3A_349, %dma_start3A_350] : memref<10240x128xf32, #tpu.memory_space<hbm>> -> memref<10240x128xf32, #tpu.memory_space<hbm>>
      tpu.enqueue_indirect_dma source(%dma_start3A_351 : memref<10240x128xf32, #tpu.memory_space<hbm>>) target(%arg10 : memref<80x128xf32, #tpu.memory_space<vmem>>) offsets(%dma_start3A_348 : memref<80xi32, #tpu.memory_space<vmem>>) semaphore(%arg17 : memref<!tpu.dma_semaphore, #tpu.memory_space<semaphore_mem>>)
      %dma_wait3A_352 = arith.constant 0 : i32
      %dma_wait3A_353 = arith.constant 0 : i32
      %dma_wait3A_354 = tpu.memref_slice %arg2[%dma_wait3A_352, %dma_wait3A_353] : memref<10240x128xf32, #tpu.memory_space<hbm>> -> memref<80x128xf32, #tpu.memory_space<hbm>>
      %dma_wait3A_355 = arith.constant 0 : i32
      %dma_wait3A_356 = arith.constant 0 : i32
      %dma_wait3A_357 = tpu.memref_slice %arg2[%dma_wait3A_355, %dma_wait3A_356] : memref<10240x128xf32, #tpu.memory_space<hbm>> -> memref<80x128xf32, #tpu.memory_space<hbm>>
      tpu.wait_dma2 semaphore(%arg16 : memref<!tpu.dma_semaphore, #tpu.memory_space<semaphore_mem>>) src(%dma_wait3A_357 : memref<80x128xf32, #tpu.memory_space<hbm>>) dst(%arg9 : memref<80x128xf32, #tpu.memory_space<vmem>>)
      %run_scoped3A_358 = arith.constant 0 : i32
      %run_scoped3A_359 = arith.constant 1 : i32
      "tpu.region"() ({
        %run_scoped3A_425 = tpu.sem_alloc : memref<!tpu.dma_semaphore, #tpu.memory_space<semaphore_mem>>
        %dma_start3A_426 = arith.constant 0 : i32
        %dma_start3A_427 = tpu.memref_slice %arg8[%run_scoped3A_358, %run_scoped3A_359, %dma_start3A_426] : memref<3x2x80xi32, #tpu.memory_space<vmem>> -> memref<1x1x80xi32, #tpu.memory_space<vmem>>
        %dma_start3A_428 = tpu.memref_squeeze %dma_start3A_427 : memref<1x1x80xi32, #tpu.memory_space<vmem>> -> memref<80xi32, #tpu.memory_space<vmem>>
        %dma_start3A_429 = arith.constant 0 : i32
        %dma_start3A_430 = arith.constant 0 : i32
        %dma_start3A_431 = tpu.memref_slice %arg12[%dma_start3A_429, %dma_start3A_430] : memref<10240x128xf32, #tpu.memory_space<vmem_shared>> -> memref<10240x128xf32, #tpu.memory_space<vmem_shared>>
        tpu.enqueue_indirect_dma source(%arg9 : memref<80x128xf32, #tpu.memory_space<vmem>>) target(%dma_start3A_431 : memref<10240x128xf32, #tpu.memory_space<vmem_shared>>) offsets(%dma_start3A_428 : memref<80xi32, #tpu.memory_space<vmem>>) semaphore(%run_scoped3A_425 : memref<!tpu.dma_semaphore, #tpu.memory_space<semaphore_mem>>) {add = true}
        %dma_wait3A_432 = arith.constant 0 : i32
        %dma_wait3A_433 = tpu.memref_slice %arg8[%run_scoped3A_358, %run_scoped3A_359, %dma_wait3A_432] : memref<3x2x80xi32, #tpu.memory_space<vmem>> -> memref<1x1x80xi32, #tpu.memory_space<vmem>>
        %dma_wait3A_434 = tpu.memref_squeeze %dma_wait3A_433 : memref<1x1x80xi32, #tpu.memory_space<vmem>> -> memref<80xi32, #tpu.memory_space<vmem>>
        %dma_wait3A_435 = arith.constant 0 : i32
        %dma_wait3A_436 = arith.constant 0 : i32
        %dma_wait3A_437 = tpu.memref_slice %arg12[%dma_wait3A_435, %dma_wait3A_436] : memref<10240x128xf32, #tpu.memory_space<vmem_shared>> -> memref<10240x128xf32, #tpu.memory_space<vmem_shared>>
        tpu.wait_indirect_dma semaphore(%run_scoped3A_425 : memref<!tpu.dma_semaphore, #tpu.memory_space<semaphore_mem>>) src(%arg9 : memref<80x128xf32, #tpu.memory_space<vmem>>) dst(%dma_wait3A_437 : memref<10240x128xf32, #tpu.memory_space<vmem_shared>>)
        tpu.yield
      }) : () -> ()
      %dma_start3A_360 = arith.constant 2 : i32
      %dma_start3A_361 = arith.constant 0 : i32
      %dma_start3A_362 = arith.constant 0 : i32
      %dma_start3A_363 = tpu.memref_slice %arg8[%dma_start3A_360, %dma_start3A_361, %dma_start3A_362] : memref<3x2x80xi32, #tpu.memory_space<vmem>> -> memref<1x1x80xi32, #tpu.memory_space<vmem>>
      %dma_start3A_364 = tpu.memref_squeeze %dma_start3A_363 : memref<1x1x80xi32, #tpu.memory_space<vmem>> -> memref<80xi32, #tpu.memory_space<vmem>>
      %dma_start3A_365 = arith.constant 0 : i32
      %dma_start3A_366 = arith.constant 0 : i32
      %dma_start3A_367 = tpu.memref_slice %arg2[%dma_start3A_365, %dma_start3A_366] : memref<10240x128xf32, #tpu.memory_space<hbm>> -> memref<10240x128xf32, #tpu.memory_space<hbm>>
      tpu.enqueue_indirect_dma source(%dma_start3A_367 : memref<10240x128xf32, #tpu.memory_space<hbm>>) target(%arg11 : memref<80x128xf32, #tpu.memory_space<vmem>>) offsets(%dma_start3A_364 : memref<80xi32, #tpu.memory_space<vmem>>) semaphore(%arg18 : memref<!tpu.dma_semaphore, #tpu.memory_space<semaphore_mem>>)
      %dma_wait3A_368 = arith.constant 0 : i32
      %dma_wait3A_369 = arith.constant 0 : i32
      %dma_wait3A_370 = tpu.memref_slice %arg2[%dma_wait3A_368, %dma_wait3A_369] : memref<10240x128xf32, #tpu.memory_space<hbm>> -> memref<80x128xf32, #tpu.memory_space<hbm>>
      %dma_wait3A_371 = arith.constant 0 : i32
      %dma_wait3A_372 = arith.constant 0 : i32
      %dma_wait3A_373 = tpu.memref_slice %arg2[%dma_wait3A_371, %dma_wait3A_372] : memref<10240x128xf32, #tpu.memory_space<hbm>> -> memref<80x128xf32, #tpu.memory_space<hbm>>
      tpu.wait_dma2 semaphore(%arg17 : memref<!tpu.dma_semaphore, #tpu.memory_space<semaphore_mem>>) src(%dma_wait3A_373 : memref<80x128xf32, #tpu.memory_space<hbm>>) dst(%arg10 : memref<80x128xf32, #tpu.memory_space<vmem>>)
      %run_scoped3A_374 = arith.constant 1 : i32
      %run_scoped3A_375 = arith.constant 1 : i32
      "tpu.region"() ({
        %run_scoped3A_425 = tpu.sem_alloc : memref<!tpu.dma_semaphore, #tpu.memory_space<semaphore_mem>>
        %dma_start3A_426 = arith.constant 0 : i32
        %dma_start3A_427 = tpu.memref_slice %arg8[%run_scoped3A_374, %run_scoped3A_375, %dma_start3A_426] : memref<3x2x80xi32, #tpu.memory_space<vmem>> -> memref<1x1x80xi32, #tpu.memory_space<vmem>>
        %dma_start3A_428 = tpu.memref_squeeze %dma_start3A_427 : memref<1x1x80xi32, #tpu.memory_space<vmem>> -> memref<80xi32, #tpu.memory_space<vmem>>
        %dma_start3A_429 = arith.constant 0 : i32
        %dma_start3A_430 = arith.constant 0 : i32
        %dma_start3A_431 = tpu.memref_slice %arg12[%dma_start3A_429, %dma_start3A_430] : memref<10240x128xf32, #tpu.memory_space<vmem_shared>> -> memref<10240x128xf32, #tpu.memory_space<vmem_shared>>
        tpu.enqueue_indirect_dma source(%arg10 : memref<80x128xf32, #tpu.memory_space<vmem>>) target(%dma_start3A_431 : memref<10240x128xf32, #tpu.memory_space<vmem_shared>>) offsets(%dma_start3A_428 : memref<80xi32, #tpu.memory_space<vmem>>) semaphore(%run_scoped3A_425 : memref<!tpu.dma_semaphore, #tpu.memory_space<semaphore_mem>>) {add = true}
        %dma_wait3A_432 = arith.constant 0 : i32
        %dma_wait3A_433 = tpu.memref_slice %arg8[%run_scoped3A_374, %run_scoped3A_375, %dma_wait3A_432] : memref<3x2x80xi32, #tpu.memory_space<vmem>> -> memref<1x1x80xi32, #tpu.memory_space<vmem>>
        %dma_wait3A_434 = tpu.memref_squeeze %dma_wait3A_433 : memref<1x1x80xi32, #tpu.memory_space<vmem>> -> memref<80xi32, #tpu.memory_space<vmem>>
        %dma_wait3A_435 = arith.constant 0 : i32
        %dma_wait3A_436 = arith.constant 0 : i32
        %dma_wait3A_437 = tpu.memref_slice %arg12[%dma_wait3A_435, %dma_wait3A_436] : memref<10240x128xf32, #tpu.memory_space<vmem_shared>> -> memref<10240x128xf32, #tpu.memory_space<vmem_shared>>
        tpu.wait_indirect_dma semaphore(%run_scoped3A_425 : memref<!tpu.dma_semaphore, #tpu.memory_space<semaphore_mem>>) src(%arg10 : memref<80x128xf32, #tpu.memory_space<vmem>>) dst(%dma_wait3A_437 : memref<10240x128xf32, #tpu.memory_space<vmem_shared>>)
        tpu.yield
      }) : () -> ()
      %dma_wait3A_376 = arith.constant 0 : i32
      %dma_wait3A_377 = arith.constant 0 : i32
      %dma_wait3A_378 = arith.constant 0 : i32
      %dma_wait3A_379 = arith.constant 0 : i32
      %dma_wait3A_380 = tpu.memref_slice %arg4[%add3A, %dma_wait3A_376, %dma_wait3A_377, %dma_wait3A_378, %dma_wait3A_379] : memref<32x42x3x2x80xi32, #tpu.memory_space<hbm>> -> memref<1x1x3x2x80xi32, #tpu.memory_space<hbm>>
      %dma_wait3A_381 = tpu.memref_squeeze %dma_wait3A_380 : memref<1x1x3x2x80xi32, #tpu.memory_space<hbm>> -> memref<3x2x80xi32, #tpu.memory_space<hbm>>
      %dma_wait3A_382 = arith.constant 0 : i32
      %dma_wait3A_383 = arith.constant 0 : i32
      %dma_wait3A_384 = arith.constant 0 : i32
      %dma_wait3A_385 = tpu.memref_slice %arg4[%add3A, %dma_wait3A_376, %dma_wait3A_382, %dma_wait3A_383, %dma_wait3A_384] : memref<32x42x3x2x80xi32, #tpu.memory_space<hbm>> -> memref<1x1x3x2x80xi32, #tpu.memory_space<hbm>>
      %dma_wait3A_386 = tpu.memref_squeeze %dma_wait3A_385 : memref<1x1x3x2x80xi32, #tpu.memory_space<hbm>> -> memref<3x2x80xi32, #tpu.memory_space<hbm>>
      tpu.wait_dma2 semaphore(%arg13 : memref<!tpu.dma_semaphore, #tpu.memory_space<semaphore_mem>>) src(%dma_wait3A_386 : memref<3x2x80xi32, #tpu.memory_space<hbm>>) dst(%arg6 : memref<3x2x80xi32, #tpu.memory_space<vmem>>)
      %dma_start3A_387 = arith.constant 0 : i32
      %dma_start3A_388 = arith.constant 0 : i32
      %dma_start3A_389 = arith.constant 0 : i32
      %dma_start3A_390 = tpu.memref_slice %arg6[%dma_start3A_387, %dma_start3A_388, %dma_start3A_389] : memref<3x2x80xi32, #tpu.memory_space<vmem>> -> memref<1x1x80xi32, #tpu.memory_space<vmem>>
      %dma_start3A_391 = tpu.memref_squeeze %dma_start3A_390 : memref<1x1x80xi32, #tpu.memory_space<vmem>> -> memref<80xi32, #tpu.memory_space<vmem>>
      %dma_start3A_392 = arith.constant 0 : i32
      %dma_start3A_393 = arith.constant 0 : i32
      %dma_start3A_394 = tpu.memref_slice %arg2[%dma_start3A_392, %dma_start3A_393] : memref<10240x128xf32, #tpu.memory_space<hbm>> -> memref<10240x128xf32, #tpu.memory_space<hbm>>
      tpu.enqueue_indirect_dma source(%dma_start3A_394 : memref<10240x128xf32, #tpu.memory_space<hbm>>) target(%arg9 : memref<80x128xf32, #tpu.memory_space<vmem>>) offsets(%dma_start3A_391 : memref<80xi32, #tpu.memory_space<vmem>>) semaphore(%arg16 : memref<!tpu.dma_semaphore, #tpu.memory_space<semaphore_mem>>)
      %dma_wait3A_395 = arith.constant 0 : i32
      %dma_wait3A_396 = arith.constant 0 : i32
      %dma_wait3A_397 = tpu.memref_slice %arg2[%dma_wait3A_395, %dma_wait3A_396] : memref<10240x128xf32, #tpu.memory_space<hbm>> -> memref<80x128xf32, #tpu.memory_space<hbm>>
      %dma_wait3A_398 = arith.constant 0 : i32
      %dma_wait3A_399 = arith.constant 0 : i32
      %dma_wait3A_400 = tpu.memref_slice %arg2[%dma_wait3A_398, %dma_wait3A_399] : memref<10240x128xf32, #tpu.memory_space<hbm>> -> memref<80x128xf32, #tpu.memory_space<hbm>>
      tpu.wait_dma2 semaphore(%arg18 : memref<!tpu.dma_semaphore, #tpu.memory_space<semaphore_mem>>) src(%dma_wait3A_400 : memref<80x128xf32, #tpu.memory_space<hbm>>) dst(%arg11 : memref<80x128xf32, #tpu.memory_space<vmem>>)
      %run_scoped3A_401 = arith.constant 2 : i32
      %run_scoped3A_402 = arith.constant 1 : i32
      "tpu.region"() ({
        %run_scoped3A_425 = tpu.sem_alloc : memref<!tpu.dma_semaphore, #tpu.memory_space<semaphore_mem>>
        %dma_start3A_426 = arith.constant 0 : i32
        %dma_start3A_427 = tpu.memref_slice %arg8[%run_scoped3A_401, %run_scoped3A_402, %dma_start3A_426] : memref<3x2x80xi32, #tpu.memory_space<vmem>> -> memref<1x1x80xi32, #tpu.memory_space<vmem>>
        %dma_start3A_428 = tpu.memref_squeeze %dma_start3A_427 : memref<1x1x80xi32, #tpu.memory_space<vmem>> -> memref<80xi32, #tpu.memory_space<vmem>>
        %dma_start3A_429 = arith.constant 0 : i32
        %dma_start3A_430 = arith.constant 0 : i32
        %dma_start3A_431 = tpu.memref_slice %arg12[%dma_start3A_429, %dma_start3A_430] : memref<10240x128xf32, #tpu.memory_space<vmem_shared>> -> memref<10240x128xf32, #tpu.memory_space<vmem_shared>>
        tpu.enqueue_indirect_dma source(%arg11 : memref<80x128xf32, #tpu.memory_space<vmem>>) target(%dma_start3A_431 : memref<10240x128xf32, #tpu.memory_space<vmem_shared>>) offsets(%dma_start3A_428 : memref<80xi32, #tpu.memory_space<vmem>>) semaphore(%run_scoped3A_425 : memref<!tpu.dma_semaphore, #tpu.memory_space<semaphore_mem>>) {add = true}
        %dma_wait3A_432 = arith.constant 0 : i32
        %dma_wait3A_433 = tpu.memref_slice %arg8[%run_scoped3A_401, %run_scoped3A_402, %dma_wait3A_432] : memref<3x2x80xi32, #tpu.memory_space<vmem>> -> memref<1x1x80xi32, #tpu.memory_space<vmem>>
        %dma_wait3A_434 = tpu.memref_squeeze %dma_wait3A_433 : memref<1x1x80xi32, #tpu.memory_space<vmem>> -> memref<80xi32, #tpu.memory_space<vmem>>
        %dma_wait3A_435 = arith.constant 0 : i32
        %dma_wait3A_436 = arith.constant 0 : i32
        %dma_wait3A_437 = tpu.memref_slice %arg12[%dma_wait3A_435, %dma_wait3A_436] : memref<10240x128xf32, #tpu.memory_space<vmem_shared>> -> memref<10240x128xf32, #tpu.memory_space<vmem_shared>>
        tpu.wait_indirect_dma semaphore(%run_scoped3A_425 : memref<!tpu.dma_semaphore, #tpu.memory_space<semaphore_mem>>) src(%arg11 : memref<80x128xf32, #tpu.memory_space<vmem>>) dst(%dma_wait3A_437 : memref<10240x128xf32, #tpu.memory_space<vmem_shared>>)
        tpu.yield
      }) : () -> ()
      %add3A_403 = arith.constant 3 : i32
      %add3A_404 = arith.addi %mul3A_205, %add3A_403 : i32
      %add3A_405 = arith.constant 2 : i32
      %add3A_406 = arith.addi %add3A_404, %add3A_405 : i32
      %dma_start3A_407 = arith.constant 0 : i32
      %dma_start3A_408 = arith.constant 0 : i32
      %dma_start3A_409 = arith.constant 0 : i32
      %dma_start3A_410 = tpu.memref_slice %arg4[%add3A, %add3A_406, %dma_start3A_407, %dma_start3A_408, %dma_start3A_409] : memref<32x42x3x2x80xi32, #tpu.memory_space<hbm>> -> memref<1x1x3x2x80xi32, #tpu.memory_space<hbm>>
      %dma_start3A_411 = tpu.memref_squeeze %dma_start3A_410 : memref<1x1x3x2x80xi32, #tpu.memory_space<hbm>> -> memref<3x2x80xi32, #tpu.memory_space<hbm>>
      %dma_start3A_412 = arith.constant 0 : i32
      %dma_start3A_413 = arith.constant 0 : i32
      %dma_start3A_414 = arith.constant 0 : i32
      %dma_start3A_415 = tpu.memref_slice %arg4[%add3A, %add3A_406, %dma_start3A_412, %dma_start3A_413, %dma_start3A_414] : memref<32x42x3x2x80xi32, #tpu.memory_space<hbm>> -> memref<1x1x3x2x80xi32, #tpu.memory_space<hbm>>
      %dma_start3A_416 = tpu.memref_squeeze %dma_start3A_415 : memref<1x1x3x2x80xi32, #tpu.memory_space<hbm>> -> memref<3x2x80xi32, #tpu.memory_space<hbm>>
      tpu.enqueue_dma source(%dma_start3A_416 : memref<3x2x80xi32, #tpu.memory_space<hbm>>) target(%arg8 : memref<3x2x80xi32, #tpu.memory_space<vmem>>) target_semaphore(%arg15 : memref<!tpu.dma_semaphore, #tpu.memory_space<semaphore_mem>>)
      %dma_start3A_417 = arith.constant 1 : i32
      %dma_start3A_418 = arith.constant 0 : i32
      %dma_start3A_419 = arith.constant 0 : i32
      %dma_start3A_420 = tpu.memref_slice %arg6[%dma_start3A_417, %dma_start3A_418, %dma_start3A_419] : memref<3x2x80xi32, #tpu.memory_space<vmem>> -> memref<1x1x80xi32, #tpu.memory_space<vmem>>
      %dma_start3A_421 = tpu.memref_squeeze %dma_start3A_420 : memref<1x1x80xi32, #tpu.memory_space<vmem>> -> memref<80xi32, #tpu.memory_space<vmem>>
      %dma_start3A_422 = arith.constant 0 : i32
      %dma_start3A_423 = arith.constant 0 : i32
      %dma_start3A_424 = tpu.memref_slice %arg2[%dma_start3A_422, %dma_start3A_423] : memref<10240x128xf32, #tpu.memory_space<hbm>> -> memref<10240x128xf32, #tpu.memory_space<hbm>>
      tpu.enqueue_indirect_dma source(%dma_start3A_424 : memref<10240x128xf32, #tpu.memory_space<hbm>>) target(%arg10 : memref<80x128xf32, #tpu.memory_space<vmem>>) offsets(%dma_start3A_421 : memref<80xi32, #tpu.memory_space<vmem>>) semaphore(%arg17 : memref<!tpu.dma_semaphore, #tpu.memory_space<semaphore_mem>>)
    }
    %scan3A_64 = arith.constant 13 : i32
    %dma_wait3A_65 = arith.constant 0 : i32
    %dma_wait3A_66 = arith.constant 0 : i32
    %dma_wait3A_67 = tpu.memref_slice %arg2[%dma_wait3A_65, %dma_wait3A_66] : memref<10240x128xf32, #tpu.memory_space<hbm>> -> memref<80x128xf32, #tpu.memory_space<hbm>>
    %dma_wait3A_68 = arith.constant 0 : i32
    %dma_wait3A_69 = arith.constant 0 : i32
    %dma_wait3A_70 = tpu.memref_slice %arg2[%dma_wait3A_68, %dma_wait3A_69] : memref<10240x128xf32, #tpu.memory_space<hbm>> -> memref<80x128xf32, #tpu.memory_space<hbm>>
    tpu.wait_dma2 semaphore(%arg16 : memref<!tpu.dma_semaphore, #tpu.memory_space<semaphore_mem>>) src(%dma_wait3A_70 : memref<80x128xf32, #tpu.memory_space<hbm>>) dst(%arg9 : memref<80x128xf32, #tpu.memory_space<vmem>>)
    %run_scoped3A = arith.constant 0 : i32
    %run_scoped3A_71 = arith.constant 1 : i32
    "tpu.region"() ({
      %run_scoped3A_199 = tpu.sem_alloc : memref<!tpu.dma_semaphore, #tpu.memory_space<semaphore_mem>>
      %dma_start3A_200 = arith.constant 0 : i32
      %dma_start3A_201 = tpu.memref_slice %arg6[%run_scoped3A, %run_scoped3A_71, %dma_start3A_200] : memref<3x2x80xi32, #tpu.memory_space<vmem>> -> memref<1x1x80xi32, #tpu.memory_space<vmem>>
      %dma_start3A_202 = tpu.memref_squeeze %dma_start3A_201 : memref<1x1x80xi32, #tpu.memory_space<vmem>> -> memref<80xi32, #tpu.memory_space<vmem>>
      %dma_start3A_203 = arith.constant 0 : i32
      %dma_start3A_204 = arith.constant 0 : i32
      %dma_start3A_205 = tpu.memref_slice %arg12[%dma_start3A_203, %dma_start3A_204] : memref<10240x128xf32, #tpu.memory_space<vmem_shared>> -> memref<10240x128xf32, #tpu.memory_space<vmem_shared>>
      tpu.enqueue_indirect_dma source(%arg9 : memref<80x128xf32, #tpu.memory_space<vmem>>) target(%dma_start3A_205 : memref<10240x128xf32, #tpu.memory_space<vmem_shared>>) offsets(%dma_start3A_202 : memref<80xi32, #tpu.memory_space<vmem>>) semaphore(%run_scoped3A_199 : memref<!tpu.dma_semaphore, #tpu.memory_space<semaphore_mem>>) {add = true}
      %dma_wait3A_206 = arith.constant 0 : i32
      %dma_wait3A_207 = tpu.memref_slice %arg6[%run_scoped3A, %run_scoped3A_71, %dma_wait3A_206] : memref<3x2x80xi32, #tpu.memory_space<vmem>> -> memref<1x1x80xi32, #tpu.memory_space<vmem>>
      %dma_wait3A_208 = tpu.memref_squeeze %dma_wait3A_207 : memref<1x1x80xi32, #tpu.memory_space<vmem>> -> memref<80xi32, #tpu.memory_space<vmem>>
      %dma_wait3A_209 = arith.constant 0 : i32
      %dma_wait3A_210 = arith.constant 0 : i32
      %dma_wait3A_211 = tpu.memref_slice %arg12[%dma_wait3A_209, %dma_wait3A_210] : memref<10240x128xf32, #tpu.memory_space<vmem_shared>> -> memref<10240x128xf32, #tpu.memory_space<vmem_shared>>
      tpu.wait_indirect_dma semaphore(%run_scoped3A_199 : memref<!tpu.dma_semaphore, #tpu.memory_space<semaphore_mem>>) src(%arg9 : memref<80x128xf32, #tpu.memory_space<vmem>>) dst(%dma_wait3A_211 : memref<10240x128xf32, #tpu.memory_space<vmem_shared>>)
      tpu.yield
    }) : () -> ()
    %dma_start3A_72 = arith.constant 2 : i32
    %dma_start3A_73 = arith.constant 0 : i32
    %dma_start3A_74 = arith.constant 0 : i32
    %dma_start3A_75 = tpu.memref_slice %arg6[%dma_start3A_72, %dma_start3A_73, %dma_start3A_74] : memref<3x2x80xi32, #tpu.memory_space<vmem>> -> memref<1x1x80xi32, #tpu.memory_space<vmem>>
    %dma_start3A_76 = tpu.memref_squeeze %dma_start3A_75 : memref<1x1x80xi32, #tpu.memory_space<vmem>> -> memref<80xi32, #tpu.memory_space<vmem>>
    %dma_start3A_77 = arith.constant 0 : i32
    %dma_start3A_78 = arith.constant 0 : i32
    %dma_start3A_79 = tpu.memref_slice %arg2[%dma_start3A_77, %dma_start3A_78] : memref<10240x128xf32, #tpu.memory_space<hbm>> -> memref<10240x128xf32, #tpu.memory_space<hbm>>
    tpu.enqueue_indirect_dma source(%dma_start3A_79 : memref<10240x128xf32, #tpu.memory_space<hbm>>) target(%arg11 : memref<80x128xf32, #tpu.memory_space<vmem>>) offsets(%dma_start3A_76 : memref<80xi32, #tpu.memory_space<vmem>>) semaphore(%arg18 : memref<!tpu.dma_semaphore, #tpu.memory_space<semaphore_mem>>)
    %dma_wait3A_80 = arith.constant 0 : i32
    %dma_wait3A_81 = arith.constant 0 : i32
    %dma_wait3A_82 = tpu.memref_slice %arg2[%dma_wait3A_80, %dma_wait3A_81] : memref<10240x128xf32, #tpu.memory_space<hbm>> -> memref<80x128xf32, #tpu.memory_space<hbm>>
    %dma_wait3A_83 = arith.constant 0 : i32
    %dma_wait3A_84 = arith.constant 0 : i32
    %dma_wait3A_85 = tpu.memref_slice %arg2[%dma_wait3A_83, %dma_wait3A_84] : memref<10240x128xf32, #tpu.memory_space<hbm>> -> memref<80x128xf32, #tpu.memory_space<hbm>>
    tpu.wait_dma2 semaphore(%arg17 : memref<!tpu.dma_semaphore, #tpu.memory_space<semaphore_mem>>) src(%dma_wait3A_85 : memref<80x128xf32, #tpu.memory_space<hbm>>) dst(%arg10 : memref<80x128xf32, #tpu.memory_space<vmem>>)
    %run_scoped3A_86 = arith.constant 1 : i32
    %run_scoped3A_87 = arith.constant 1 : i32
    "tpu.region"() ({
      %run_scoped3A_199 = tpu.sem_alloc : memref<!tpu.dma_semaphore, #tpu.memory_space<semaphore_mem>>
      %dma_start3A_200 = arith.constant 0 : i32
      %dma_start3A_201 = tpu.memref_slice %arg6[%run_scoped3A_86, %run_scoped3A_87, %dma_start3A_200] : memref<3x2x80xi32, #tpu.memory_space<vmem>> -> memref<1x1x80xi32, #tpu.memory_space<vmem>>
      %dma_start3A_202 = tpu.memref_squeeze %dma_start3A_201 : memref<1x1x80xi32, #tpu.memory_space<vmem>> -> memref<80xi32, #tpu.memory_space<vmem>>
      %dma_start3A_203 = arith.constant 0 : i32
      %dma_start3A_204 = arith.constant 0 : i32
      %dma_start3A_205 = tpu.memref_slice %arg12[%dma_start3A_203, %dma_start3A_204] : memref<10240x128xf32, #tpu.memory_space<vmem_shared>> -> memref<10240x128xf32, #tpu.memory_space<vmem_shared>>
      tpu.enqueue_indirect_dma source(%arg10 : memref<80x128xf32, #tpu.memory_space<vmem>>) target(%dma_start3A_205 : memref<10240x128xf32, #tpu.memory_space<vmem_shared>>) offsets(%dma_start3A_202 : memref<80xi32, #tpu.memory_space<vmem>>) semaphore(%run_scoped3A_199 : memref<!tpu.dma_semaphore, #tpu.memory_space<semaphore_mem>>) {add = true}
      %dma_wait3A_206 = arith.constant 0 : i32
      %dma_wait3A_207 = tpu.memref_slice %arg6[%run_scoped3A_86, %run_scoped3A_87, %dma_wait3A_206] : memref<3x2x80xi32, #tpu.memory_space<vmem>> -> memref<1x1x80xi32, #tpu.memory_space<vmem>>
      %dma_wait3A_208 = tpu.memref_squeeze %dma_wait3A_207 : memref<1x1x80xi32, #tpu.memory_space<vmem>> -> memref<80xi32, #tpu.memory_space<vmem>>
      %dma_wait3A_209 = arith.constant 0 : i32
      %dma_wait3A_210 = arith.constant 0 : i32
      %dma_wait3A_211 = tpu.memref_slice %arg12[%dma_wait3A_209, %dma_wait3A_210] : memref<10240x128xf32, #tpu.memory_space<vmem_shared>> -> memref<10240x128xf32, #tpu.memory_space<vmem_shared>>
      tpu.wait_indirect_dma semaphore(%run_scoped3A_199 : memref<!tpu.dma_semaphore, #tpu.memory_space<semaphore_mem>>) src(%arg10 : memref<80x128xf32, #tpu.memory_space<vmem>>) dst(%dma_wait3A_211 : memref<10240x128xf32, #tpu.memory_space<vmem_shared>>)
      tpu.yield
    }) : () -> ()
    %dma_wait3A_88 = arith.constant 0 : i32
    %dma_wait3A_89 = arith.constant 0 : i32
    %dma_wait3A_90 = arith.constant 0 : i32
    %dma_wait3A_91 = arith.constant 0 : i32
    %dma_wait3A_92 = tpu.memref_slice %arg4[%add3A, %dma_wait3A_88, %dma_wait3A_89, %dma_wait3A_90, %dma_wait3A_91] : memref<32x42x3x2x80xi32, #tpu.memory_space<hbm>> -> memref<1x1x3x2x80xi32, #tpu.memory_space<hbm>>
    %dma_wait3A_93 = tpu.memref_squeeze %dma_wait3A_92 : memref<1x1x3x2x80xi32, #tpu.memory_space<hbm>> -> memref<3x2x80xi32, #tpu.memory_space<hbm>>
    %dma_wait3A_94 = arith.constant 0 : i32
    %dma_wait3A_95 = arith.constant 0 : i32
    %dma_wait3A_96 = arith.constant 0 : i32
    %dma_wait3A_97 = tpu.memref_slice %arg4[%add3A, %dma_wait3A_88, %dma_wait3A_94, %dma_wait3A_95, %dma_wait3A_96] : memref<32x42x3x2x80xi32, #tpu.memory_space<hbm>> -> memref<1x1x3x2x80xi32, #tpu.memory_space<hbm>>
    %dma_wait3A_98 = tpu.memref_squeeze %dma_wait3A_97 : memref<1x1x3x2x80xi32, #tpu.memory_space<hbm>> -> memref<3x2x80xi32, #tpu.memory_space<hbm>>
    tpu.wait_dma2 semaphore(%arg14 : memref<!tpu.dma_semaphore, #tpu.memory_space<semaphore_mem>>) src(%dma_wait3A_98 : memref<3x2x80xi32, #tpu.memory_space<hbm>>) dst(%arg7 : memref<3x2x80xi32, #tpu.memory_space<vmem>>)
    %dma_start3A_99 = arith.constant 0 : i32
    %dma_start3A_100 = arith.constant 0 : i32
    %dma_start3A_101 = arith.constant 0 : i32
    %dma_start3A_102 = tpu.memref_slice %arg7[%dma_start3A_99, %dma_start3A_100, %dma_start3A_101] : memref<3x2x80xi32, #tpu.memory_space<vmem>> -> memref<1x1x80xi32, #tpu.memory_space<vmem>>
    %dma_start3A_103 = tpu.memref_squeeze %dma_start3A_102 : memref<1x1x80xi32, #tpu.memory_space<vmem>> -> memref<80xi32, #tpu.memory_space<vmem>>
    %dma_start3A_104 = arith.constant 0 : i32
    %dma_start3A_105 = arith.constant 0 : i32
    %dma_start3A_106 = tpu.memref_slice %arg2[%dma_start3A_104, %dma_start3A_105] : memref<10240x128xf32, #tpu.memory_space<hbm>> -> memref<10240x128xf32, #tpu.memory_space<hbm>>
    tpu.enqueue_indirect_dma source(%dma_start3A_106 : memref<10240x128xf32, #tpu.memory_space<hbm>>) target(%arg9 : memref<80x128xf32, #tpu.memory_space<vmem>>) offsets(%dma_start3A_103 : memref<80xi32, #tpu.memory_space<vmem>>) semaphore(%arg16 : memref<!tpu.dma_semaphore, #tpu.memory_space<semaphore_mem>>)
    %dma_wait3A_107 = arith.constant 0 : i32
    %dma_wait3A_108 = arith.constant 0 : i32
    %dma_wait3A_109 = tpu.memref_slice %arg2[%dma_wait3A_107, %dma_wait3A_108] : memref<10240x128xf32, #tpu.memory_space<hbm>> -> memref<80x128xf32, #tpu.memory_space<hbm>>
    %dma_wait3A_110 = arith.constant 0 : i32
    %dma_wait3A_111 = arith.constant 0 : i32
    %dma_wait3A_112 = tpu.memref_slice %arg2[%dma_wait3A_110, %dma_wait3A_111] : memref<10240x128xf32, #tpu.memory_space<hbm>> -> memref<80x128xf32, #tpu.memory_space<hbm>>
    tpu.wait_dma2 semaphore(%arg18 : memref<!tpu.dma_semaphore, #tpu.memory_space<semaphore_mem>>) src(%dma_wait3A_112 : memref<80x128xf32, #tpu.memory_space<hbm>>) dst(%arg11 : memref<80x128xf32, #tpu.memory_space<vmem>>)
    %run_scoped3A_113 = arith.constant 2 : i32
    %run_scoped3A_114 = arith.constant 1 : i32
    "tpu.region"() ({
      %run_scoped3A_199 = tpu.sem_alloc : memref<!tpu.dma_semaphore, #tpu.memory_space<semaphore_mem>>
      %dma_start3A_200 = arith.constant 0 : i32
      %dma_start3A_201 = tpu.memref_slice %arg6[%run_scoped3A_113, %run_scoped3A_114, %dma_start3A_200] : memref<3x2x80xi32, #tpu.memory_space<vmem>> -> memref<1x1x80xi32, #tpu.memory_space<vmem>>
      %dma_start3A_202 = tpu.memref_squeeze %dma_start3A_201 : memref<1x1x80xi32, #tpu.memory_space<vmem>> -> memref<80xi32, #tpu.memory_space<vmem>>
      %dma_start3A_203 = arith.constant 0 : i32
      %dma_start3A_204 = arith.constant 0 : i32
      %dma_start3A_205 = tpu.memref_slice %arg12[%dma_start3A_203, %dma_start3A_204] : memref<10240x128xf32, #tpu.memory_space<vmem_shared>> -> memref<10240x128xf32, #tpu.memory_space<vmem_shared>>
      tpu.enqueue_indirect_dma source(%arg11 : memref<80x128xf32, #tpu.memory_space<vmem>>) target(%dma_start3A_205 : memref<10240x128xf32, #tpu.memory_space<vmem_shared>>) offsets(%dma_start3A_202 : memref<80xi32, #tpu.memory_space<vmem>>) semaphore(%run_scoped3A_199 : memref<!tpu.dma_semaphore, #tpu.memory_space<semaphore_mem>>) {add = true}
      %dma_wait3A_206 = arith.constant 0 : i32
      %dma_wait3A_207 = tpu.memref_slice %arg6[%run_scoped3A_113, %run_scoped3A_114, %dma_wait3A_206] : memref<3x2x80xi32, #tpu.memory_space<vmem>> -> memref<1x1x80xi32, #tpu.memory_space<vmem>>
      %dma_wait3A_208 = tpu.memref_squeeze %dma_wait3A_207 : memref<1x1x80xi32, #tpu.memory_space<vmem>> -> memref<80xi32, #tpu.memory_space<vmem>>
      %dma_wait3A_209 = arith.constant 0 : i32
      %dma_wait3A_210 = arith.constant 0 : i32
      %dma_wait3A_211 = tpu.memref_slice %arg12[%dma_wait3A_209, %dma_wait3A_210] : memref<10240x128xf32, #tpu.memory_space<vmem_shared>> -> memref<10240x128xf32, #tpu.memory_space<vmem_shared>>
      tpu.wait_indirect_dma semaphore(%run_scoped3A_199 : memref<!tpu.dma_semaphore, #tpu.memory_space<semaphore_mem>>) src(%arg11 : memref<80x128xf32, #tpu.memory_space<vmem>>) dst(%dma_wait3A_211 : memref<10240x128xf32, #tpu.memory_space<vmem_shared>>)
      tpu.yield
    }) : () -> ()
    %dma_start3A_115 = arith.constant 1 : i32
    %dma_start3A_116 = arith.constant 0 : i32
    %dma_start3A_117 = arith.constant 0 : i32
    %dma_start3A_118 = tpu.memref_slice %arg7[%dma_start3A_115, %dma_start3A_116, %dma_start3A_117] : memref<3x2x80xi32, #tpu.memory_space<vmem>> -> memref<1x1x80xi32, #tpu.memory_space<vmem>>
    %dma_start3A_119 = tpu.memref_squeeze %dma_start3A_118 : memref<1x1x80xi32, #tpu.memory_space<vmem>> -> memref<80xi32, #tpu.memory_space<vmem>>
    %dma_start3A_120 = arith.constant 0 : i32
    %dma_start3A_121 = arith.constant 0 : i32
    %dma_start3A_122 = tpu.memref_slice %arg2[%dma_start3A_120, %dma_start3A_121] : memref<10240x128xf32, #tpu.memory_space<hbm>> -> memref<10240x128xf32, #tpu.memory_space<hbm>>
    tpu.enqueue_indirect_dma source(%dma_start3A_122 : memref<10240x128xf32, #tpu.memory_space<hbm>>) target(%arg10 : memref<80x128xf32, #tpu.memory_space<vmem>>) offsets(%dma_start3A_119 : memref<80xi32, #tpu.memory_space<vmem>>) semaphore(%arg17 : memref<!tpu.dma_semaphore, #tpu.memory_space<semaphore_mem>>)
    %dma_wait3A_123 = arith.constant 0 : i32
    %dma_wait3A_124 = arith.constant 0 : i32
    %dma_wait3A_125 = tpu.memref_slice %arg2[%dma_wait3A_123, %dma_wait3A_124] : memref<10240x128xf32, #tpu.memory_space<hbm>> -> memref<80x128xf32, #tpu.memory_space<hbm>>
    %dma_wait3A_126 = arith.constant 0 : i32
    %dma_wait3A_127 = arith.constant 0 : i32
    %dma_wait3A_128 = tpu.memref_slice %arg2[%dma_wait3A_126, %dma_wait3A_127] : memref<10240x128xf32, #tpu.memory_space<hbm>> -> memref<80x128xf32, #tpu.memory_space<hbm>>
    tpu.wait_dma2 semaphore(%arg16 : memref<!tpu.dma_semaphore, #tpu.memory_space<semaphore_mem>>) src(%dma_wait3A_128 : memref<80x128xf32, #tpu.memory_space<hbm>>) dst(%arg9 : memref<80x128xf32, #tpu.memory_space<vmem>>)
    %run_scoped3A_129 = arith.constant 0 : i32
    %run_scoped3A_130 = arith.constant 1 : i32
    "tpu.region"() ({
      %run_scoped3A_199 = tpu.sem_alloc : memref<!tpu.dma_semaphore, #tpu.memory_space<semaphore_mem>>
      %dma_start3A_200 = arith.constant 0 : i32
      %dma_start3A_201 = tpu.memref_slice %arg7[%run_scoped3A_129, %run_scoped3A_130, %dma_start3A_200] : memref<3x2x80xi32, #tpu.memory_space<vmem>> -> memref<1x1x80xi32, #tpu.memory_space<vmem>>
      %dma_start3A_202 = tpu.memref_squeeze %dma_start3A_201 : memref<1x1x80xi32, #tpu.memory_space<vmem>> -> memref<80xi32, #tpu.memory_space<vmem>>
      %dma_start3A_203 = arith.constant 0 : i32
      %dma_start3A_204 = arith.constant 0 : i32
      %dma_start3A_205 = tpu.memref_slice %arg12[%dma_start3A_203, %dma_start3A_204] : memref<10240x128xf32, #tpu.memory_space<vmem_shared>> -> memref<10240x128xf32, #tpu.memory_space<vmem_shared>>
      tpu.enqueue_indirect_dma source(%arg9 : memref<80x128xf32, #tpu.memory_space<vmem>>) target(%dma_start3A_205 : memref<10240x128xf32, #tpu.memory_space<vmem_shared>>) offsets(%dma_start3A_202 : memref<80xi32, #tpu.memory_space<vmem>>) semaphore(%run_scoped3A_199 : memref<!tpu.dma_semaphore, #tpu.memory_space<semaphore_mem>>) {add = true}
      %dma_wait3A_206 = arith.constant 0 : i32
      %dma_wait3A_207 = tpu.memref_slice %arg7[%run_scoped3A_129, %run_scoped3A_130, %dma_wait3A_206] : memref<3x2x80xi32, #tpu.memory_space<vmem>> -> memref<1x1x80xi32, #tpu.memory_space<vmem>>
      %dma_wait3A_208 = tpu.memref_squeeze %dma_wait3A_207 : memref<1x1x80xi32, #tpu.memory_space<vmem>> -> memref<80xi32, #tpu.memory_space<vmem>>
      %dma_wait3A_209 = arith.constant 0 : i32
      %dma_wait3A_210 = arith.constant 0 : i32
      %dma_wait3A_211 = tpu.memref_slice %arg12[%dma_wait3A_209, %dma_wait3A_210] : memref<10240x128xf32, #tpu.memory_space<vmem_shared>> -> memref<10240x128xf32, #tpu.memory_space<vmem_shared>>
      tpu.wait_indirect_dma semaphore(%run_scoped3A_199 : memref<!tpu.dma_semaphore, #tpu.memory_space<semaphore_mem>>) src(%arg9 : memref<80x128xf32, #tpu.memory_space<vmem>>) dst(%dma_wait3A_211 : memref<10240x128xf32, #tpu.memory_space<vmem_shared>>)
      tpu.yield
    }) : () -> ()
    %dma_start3A_131 = arith.constant 2 : i32
    %dma_start3A_132 = arith.constant 0 : i32
    %dma_start3A_133 = arith.constant 0 : i32
    %dma_start3A_134 = tpu.memref_slice %arg7[%dma_start3A_131, %dma_start3A_132, %dma_start3A_133] : memref<3x2x80xi32, #tpu.memory_space<vmem>> -> memref<1x1x80xi32, #tpu.memory_space<vmem>>
    %dma_start3A_135 = tpu.memref_squeeze %dma_start3A_134 : memref<1x1x80xi32, #tpu.memory_space<vmem>> -> memref<80xi32, #tpu.memory_space<vmem>>
    %dma_start3A_136 = arith.constant 0 : i32
    %dma_start3A_137 = arith.constant 0 : i32
    %dma_start3A_138 = tpu.memref_slice %arg2[%dma_start3A_136, %dma_start3A_137] : memref<10240x128xf32, #tpu.memory_space<hbm>> -> memref<10240x128xf32, #tpu.memory_space<hbm>>
    tpu.enqueue_indirect_dma source(%dma_start3A_138 : memref<10240x128xf32, #tpu.memory_space<hbm>>) target(%arg11 : memref<80x128xf32, #tpu.memory_space<vmem>>) offsets(%dma_start3A_135 : memref<80xi32, #tpu.memory_space<vmem>>) semaphore(%arg18 : memref<!tpu.dma_semaphore, #tpu.memory_space<semaphore_mem>>)
    %dma_wait3A_139 = arith.constant 0 : i32
    %dma_wait3A_140 = arith.constant 0 : i32
    %dma_wait3A_141 = tpu.memref_slice %arg2[%dma_wait3A_139, %dma_wait3A_140] : memref<10240x128xf32, #tpu.memory_space<hbm>> -> memref<80x128xf32, #tpu.memory_space<hbm>>
    %dma_wait3A_142 = arith.constant 0 : i32
    %dma_wait3A_143 = arith.constant 0 : i32
    %dma_wait3A_144 = tpu.memref_slice %arg2[%dma_wait3A_142, %dma_wait3A_143] : memref<10240x128xf32, #tpu.memory_space<hbm>> -> memref<80x128xf32, #tpu.memory_space<hbm>>
    tpu.wait_dma2 semaphore(%arg17 : memref<!tpu.dma_semaphore, #tpu.memory_space<semaphore_mem>>) src(%dma_wait3A_144 : memref<80x128xf32, #tpu.memory_space<hbm>>) dst(%arg10 : memref<80x128xf32, #tpu.memory_space<vmem>>)
    %run_scoped3A_145 = arith.constant 1 : i32
    %run_scoped3A_146 = arith.constant 1 : i32
    "tpu.region"() ({
      %run_scoped3A_199 = tpu.sem_alloc : memref<!tpu.dma_semaphore, #tpu.memory_space<semaphore_mem>>
      %dma_start3A_200 = arith.constant 0 : i32
      %dma_start3A_201 = tpu.memref_slice %arg7[%run_scoped3A_145, %run_scoped3A_146, %dma_start3A_200] : memref<3x2x80xi32, #tpu.memory_space<vmem>> -> memref<1x1x80xi32, #tpu.memory_space<vmem>>
      %dma_start3A_202 = tpu.memref_squeeze %dma_start3A_201 : memref<1x1x80xi32, #tpu.memory_space<vmem>> -> memref<80xi32, #tpu.memory_space<vmem>>
      %dma_start3A_203 = arith.constant 0 : i32
      %dma_start3A_204 = arith.constant 0 : i32
      %dma_start3A_205 = tpu.memref_slice %arg12[%dma_start3A_203, %dma_start3A_204] : memref<10240x128xf32, #tpu.memory_space<vmem_shared>> -> memref<10240x128xf32, #tpu.memory_space<vmem_shared>>
      tpu.enqueue_indirect_dma source(%arg10 : memref<80x128xf32, #tpu.memory_space<vmem>>) target(%dma_start3A_205 : memref<10240x128xf32, #tpu.memory_space<vmem_shared>>) offsets(%dma_start3A_202 : memref<80xi32, #tpu.memory_space<vmem>>) semaphore(%run_scoped3A_199 : memref<!tpu.dma_semaphore, #tpu.memory_space<semaphore_mem>>) {add = true}
      %dma_wait3A_206 = arith.constant 0 : i32
      %dma_wait3A_207 = tpu.memref_slice %arg7[%run_scoped3A_145, %run_scoped3A_146, %dma_wait3A_206] : memref<3x2x80xi32, #tpu.memory_space<vmem>> -> memref<1x1x80xi32, #tpu.memory_space<vmem>>
      %dma_wait3A_208 = tpu.memref_squeeze %dma_wait3A_207 : memref<1x1x80xi32, #tpu.memory_space<vmem>> -> memref<80xi32, #tpu.memory_space<vmem>>
      %dma_wait3A_209 = arith.constant 0 : i32
      %dma_wait3A_210 = arith.constant 0 : i32
      %dma_wait3A_211 = tpu.memref_slice %arg12[%dma_wait3A_209, %dma_wait3A_210] : memref<10240x128xf32, #tpu.memory_space<vmem_shared>> -> memref<10240x128xf32, #tpu.memory_space<vmem_shared>>
      tpu.wait_indirect_dma semaphore(%run_scoped3A_199 : memref<!tpu.dma_semaphore, #tpu.memory_space<semaphore_mem>>) src(%arg10 : memref<80x128xf32, #tpu.memory_space<vmem>>) dst(%dma_wait3A_211 : memref<10240x128xf32, #tpu.memory_space<vmem_shared>>)
      tpu.yield
    }) : () -> ()
    %dma_wait3A_147 = arith.constant 0 : i32
    %dma_wait3A_148 = arith.constant 0 : i32
    %dma_wait3A_149 = arith.constant 0 : i32
    %dma_wait3A_150 = arith.constant 0 : i32
    %dma_wait3A_151 = tpu.memref_slice %arg4[%add3A, %dma_wait3A_147, %dma_wait3A_148, %dma_wait3A_149, %dma_wait3A_150] : memref<32x42x3x2x80xi32, #tpu.memory_space<hbm>> -> memref<1x1x3x2x80xi32, #tpu.memory_space<hbm>>
    %dma_wait3A_152 = tpu.memref_squeeze %dma_wait3A_151 : memref<1x1x3x2x80xi32, #tpu.memory_space<hbm>> -> memref<3x2x80xi32, #tpu.memory_space<hbm>>
    %dma_wait3A_153 = arith.constant 0 : i32
    %dma_wait3A_154 = arith.constant 0 : i32
    %dma_wait3A_155 = arith.constant 0 : i32
    %dma_wait3A_156 = tpu.memref_slice %arg4[%add3A, %dma_wait3A_147, %dma_wait3A_153, %dma_wait3A_154, %dma_wait3A_155] : memref<32x42x3x2x80xi32, #tpu.memory_space<hbm>> -> memref<1x1x3x2x80xi32, #tpu.memory_space<hbm>>
    %dma_wait3A_157 = tpu.memref_squeeze %dma_wait3A_156 : memref<1x1x3x2x80xi32, #tpu.memory_space<hbm>> -> memref<3x2x80xi32, #tpu.memory_space<hbm>>
    tpu.wait_dma2 semaphore(%arg15 : memref<!tpu.dma_semaphore, #tpu.memory_space<semaphore_mem>>) src(%dma_wait3A_157 : memref<3x2x80xi32, #tpu.memory_space<hbm>>) dst(%arg8 : memref<3x2x80xi32, #tpu.memory_space<vmem>>)
    %dma_start3A_158 = arith.constant 0 : i32
    %dma_start3A_159 = arith.constant 0 : i32
    %dma_start3A_160 = arith.constant 0 : i32
    %dma_start3A_161 = tpu.memref_slice %arg8[%dma_start3A_158, %dma_start3A_159, %dma_start3A_160] : memref<3x2x80xi32, #tpu.memory_space<vmem>> -> memref<1x1x80xi32, #tpu.memory_space<vmem>>
    %dma_start3A_162 = tpu.memref_squeeze %dma_start3A_161 : memref<1x1x80xi32, #tpu.memory_space<vmem>> -> memref<80xi32, #tpu.memory_space<vmem>>
    %dma_start3A_163 = arith.constant 0 : i32
    %dma_start3A_164 = arith.constant 0 : i32
    %dma_start3A_165 = tpu.memref_slice %arg2[%dma_start3A_163, %dma_start3A_164] : memref<10240x128xf32, #tpu.memory_space<hbm>> -> memref<10240x128xf32, #tpu.memory_space<hbm>>
    tpu.enqueue_indirect_dma source(%dma_start3A_165 : memref<10240x128xf32, #tpu.memory_space<hbm>>) target(%arg9 : memref<80x128xf32, #tpu.memory_space<vmem>>) offsets(%dma_start3A_162 : memref<80xi32, #tpu.memory_space<vmem>>) semaphore(%arg16 : memref<!tpu.dma_semaphore, #tpu.memory_space<semaphore_mem>>)
    %dma_wait3A_166 = arith.constant 0 : i32
    %dma_wait3A_167 = arith.constant 0 : i32
    %dma_wait3A_168 = tpu.memref_slice %arg2[%dma_wait3A_166, %dma_wait3A_167] : memref<10240x128xf32, #tpu.memory_space<hbm>> -> memref<80x128xf32, #tpu.memory_space<hbm>>
    %dma_wait3A_169 = arith.constant 0 : i32
    %dma_wait3A_170 = arith.constant 0 : i32
    %dma_wait3A_171 = tpu.memref_slice %arg2[%dma_wait3A_169, %dma_wait3A_170] : memref<10240x128xf32, #tpu.memory_space<hbm>> -> memref<80x128xf32, #tpu.memory_space<hbm>>
    tpu.wait_dma2 semaphore(%arg18 : memref<!tpu.dma_semaphore, #tpu.memory_space<semaphore_mem>>) src(%dma_wait3A_171 : memref<80x128xf32, #tpu.memory_space<hbm>>) dst(%arg11 : memref<80x128xf32, #tpu.memory_space<vmem>>)
    %run_scoped3A_172 = arith.constant 2 : i32
    %run_scoped3A_173 = arith.constant 1 : i32
    "tpu.region"() ({
      %run_scoped3A_199 = tpu.sem_alloc : memref<!tpu.dma_semaphore, #tpu.memory_space<semaphore_mem>>
      %dma_start3A_200 = arith.constant 0 : i32
      %dma_start3A_201 = tpu.memref_slice %arg7[%run_scoped3A_172, %run_scoped3A_173, %dma_start3A_200] : memref<3x2x80xi32, #tpu.memory_space<vmem>> -> memref<1x1x80xi32, #tpu.memory_space<vmem>>
      %dma_start3A_202 = tpu.memref_squeeze %dma_start3A_201 : memref<1x1x80xi32, #tpu.memory_space<vmem>> -> memref<80xi32, #tpu.memory_space<vmem>>
      %dma_start3A_203 = arith.constant 0 : i32
      %dma_start3A_204 = arith.constant 0 : i32
      %dma_start3A_205 = tpu.memref_slice %arg12[%dma_start3A_203, %dma_start3A_204] : memref<10240x128xf32, #tpu.memory_space<vmem_shared>> -> memref<10240x128xf32, #tpu.memory_space<vmem_shared>>
      tpu.enqueue_indirect_dma source(%arg11 : memref<80x128xf32, #tpu.memory_space<vmem>>) target(%dma_start3A_205 : memref<10240x128xf32, #tpu.memory_space<vmem_shared>>) offsets(%dma_start3A_202 : memref<80xi32, #tpu.memory_space<vmem>>) semaphore(%run_scoped3A_199 : memref<!tpu.dma_semaphore, #tpu.memory_space<semaphore_mem>>) {add = true}
      %dma_wait3A_206 = arith.constant 0 : i32
      %dma_wait3A_207 = tpu.memref_slice %arg7[%run_scoped3A_172, %run_scoped3A_173, %dma_wait3A_206] : memref<3x2x80xi32, #tpu.memory_space<vmem>> -> memref<1x1x80xi32, #tpu.memory_space<vmem>>
      %dma_wait3A_208 = tpu.memref_squeeze %dma_wait3A_207 : memref<1x1x80xi32, #tpu.memory_space<vmem>> -> memref<80xi32, #tpu.memory_space<vmem>>
      %dma_wait3A_209 = arith.constant 0 : i32
      %dma_wait3A_210 = arith.constant 0 : i32
      %dma_wait3A_211 = tpu.memref_slice %arg12[%dma_wait3A_209, %dma_wait3A_210] : memref<10240x128xf32, #tpu.memory_space<vmem_shared>> -> memref<10240x128xf32, #tpu.memory_space<vmem_shared>>
      tpu.wait_indirect_dma semaphore(%run_scoped3A_199 : memref<!tpu.dma_semaphore, #tpu.memory_space<semaphore_mem>>) src(%arg11 : memref<80x128xf32, #tpu.memory_space<vmem>>) dst(%dma_wait3A_211 : memref<10240x128xf32, #tpu.memory_space<vmem_shared>>)
      tpu.yield
    }) : () -> ()
    %dma_start3A_174 = arith.constant 1 : i32
    %dma_start3A_175 = arith.constant 0 : i32
    %dma_start3A_176 = arith.constant 0 : i32
    %dma_start3A_177 = tpu.memref_slice %arg8[%dma_start3A_174, %dma_start3A_175, %dma_start3A_176] : memref<3x2x80xi32, #tpu.memory_space<vmem>> -> memref<1x1x80xi32, #tpu.memory_space<vmem>>
    %dma_start3A_178 = tpu.memref_squeeze %dma_start3A_177 : memref<1x1x80xi32, #tpu.memory_space<vmem>> -> memref<80xi32, #tpu.memory_space<vmem>>
    %dma_start3A_179 = arith.constant 0 : i32
    %dma_start3A_180 = arith.constant 0 : i32
    %dma_start3A_181 = tpu.memref_slice %arg2[%dma_start3A_179, %dma_start3A_180] : memref<10240x128xf32, #tpu.memory_space<hbm>> -> memref<10240x128xf32, #tpu.memory_space<hbm>>
    tpu.enqueue_indirect_dma source(%dma_start3A_181 : memref<10240x128xf32, #tpu.memory_space<hbm>>) target(%arg10 : memref<80x128xf32, #tpu.memory_space<vmem>>) offsets(%dma_start3A_178 : memref<80xi32, #tpu.memory_space<vmem>>) semaphore(%arg17 : memref<!tpu.dma_semaphore, #tpu.memory_space<semaphore_mem>>)
    %dma_wait3A_182 = arith.constant 0 : i32
    %dma_wait3A_183 = arith.constant 0 : i32
    %dma_wait3A_184 = tpu.memref_slice %arg2[%dma_wait3A_182, %dma_wait3A_183] : memref<10240x128xf32, #tpu.memory_space<hbm>> -> memref<80x128xf32, #tpu.memory_space<hbm>>
    %dma_wait3A_185 = arith.constant 0 : i32
    %dma_wait3A_186 = arith.constant 0 : i32
    %dma_wait3A_187 = tpu.memref_slice %arg2[%dma_wait3A_185, %dma_wait3A_186] : memref<10240x128xf32, #tpu.memory_space<hbm>> -> memref<80x128xf32, #tpu.memory_space<hbm>>
    tpu.wait_dma2 semaphore(%arg16 : memref<!tpu.dma_semaphore, #tpu.memory_space<semaphore_mem>>) src(%dma_wait3A_187 : memref<80x128xf32, #tpu.memory_space<hbm>>) dst(%arg9 : memref<80x128xf32, #tpu.memory_space<vmem>>)
    %run_scoped3A_188 = arith.constant 0 : i32
    %run_scoped3A_189 = arith.constant 1 : i32
    "tpu.region"() ({
      %run_scoped3A_199 = tpu.sem_alloc : memref<!tpu.dma_semaphore, #tpu.memory_space<semaphore_mem>>
      %dma_start3A_200 = arith.constant 0 : i32
      %dma_start3A_201 = tpu.memref_slice %arg8[%run_scoped3A_188, %run_scoped3A_189, %dma_start3A_200] : memref<3x2x80xi32, #tpu.memory_space<vmem>> -> memref<1x1x80xi32, #tpu.memory_space<vmem>>
      %dma_start3A_202 = tpu.memref_squeeze %dma_start3A_201 : memref<1x1x80xi32, #tpu.memory_space<vmem>> -> memref<80xi32, #tpu.memory_space<vmem>>
      %dma_start3A_203 = arith.constant 0 : i32
      %dma_start3A_204 = arith.constant 0 : i32
      %dma_start3A_205 = tpu.memref_slice %arg12[%dma_start3A_203, %dma_start3A_204] : memref<10240x128xf32, #tpu.memory_space<vmem_shared>> -> memref<10240x128xf32, #tpu.memory_space<vmem_shared>>
      tpu.enqueue_indirect_dma source(%arg9 : memref<80x128xf32, #tpu.memory_space<vmem>>) target(%dma_start3A_205 : memref<10240x128xf32, #tpu.memory_space<vmem_shared>>) offsets(%dma_start3A_202 : memref<80xi32, #tpu.memory_space<vmem>>) semaphore(%run_scoped3A_199 : memref<!tpu.dma_semaphore, #tpu.memory_space<semaphore_mem>>) {add = true}
      %dma_wait3A_206 = arith.constant 0 : i32
      %dma_wait3A_207 = tpu.memref_slice %arg8[%run_scoped3A_188, %run_scoped3A_189, %dma_wait3A_206] : memref<3x2x80xi32, #tpu.memory_space<vmem>> -> memref<1x1x80xi32, #tpu.memory_space<vmem>>
      %dma_wait3A_208 = tpu.memref_squeeze %dma_wait3A_207 : memref<1x1x80xi32, #tpu.memory_space<vmem>> -> memref<80xi32, #tpu.memory_space<vmem>>
      %dma_wait3A_209 = arith.constant 0 : i32
      %dma_wait3A_210 = arith.constant 0 : i32
      %dma_wait3A_211 = tpu.memref_slice %arg12[%dma_wait3A_209, %dma_wait3A_210] : memref<10240x128xf32, #tpu.memory_space<vmem_shared>> -> memref<10240x128xf32, #tpu.memory_space<vmem_shared>>
      tpu.wait_indirect_dma semaphore(%run_scoped3A_199 : memref<!tpu.dma_semaphore, #tpu.memory_space<semaphore_mem>>) src(%arg9 : memref<80x128xf32, #tpu.memory_space<vmem>>) dst(%dma_wait3A_211 : memref<10240x128xf32, #tpu.memory_space<vmem_shared>>)
      tpu.yield
    }) : () -> ()
    %dma_wait3A_190 = arith.constant 0 : i32
    %dma_wait3A_191 = arith.constant 0 : i32
    %dma_wait3A_192 = tpu.memref_slice %arg2[%dma_wait3A_190, %dma_wait3A_191] : memref<10240x128xf32, #tpu.memory_space<hbm>> -> memref<80x128xf32, #tpu.memory_space<hbm>>
    %dma_wait3A_193 = arith.constant 0 : i32
    %dma_wait3A_194 = arith.constant 0 : i32
    %dma_wait3A_195 = tpu.memref_slice %arg2[%dma_wait3A_193, %dma_wait3A_194] : memref<10240x128xf32, #tpu.memory_space<hbm>> -> memref<80x128xf32, #tpu.memory_space<hbm>>
    tpu.wait_dma2 semaphore(%arg17 : memref<!tpu.dma_semaphore, #tpu.memory_space<semaphore_mem>>) src(%dma_wait3A_195 : memref<80x128xf32, #tpu.memory_space<hbm>>) dst(%arg10 : memref<80x128xf32, #tpu.memory_space<vmem>>)
    %run_scoped3A_196 = arith.constant 1 : i32
    %run_scoped3A_197 = arith.constant 1 : i32
    "tpu.region"() ({
      %run_scoped3A_199 = tpu.sem_alloc : memref<!tpu.dma_semaphore, #tpu.memory_space<semaphore_mem>>
      %dma_start3A_200 = arith.constant 0 : i32
      %dma_start3A_201 = tpu.memref_slice %arg8[%run_scoped3A_196, %run_scoped3A_197, %dma_start3A_200] : memref<3x2x80xi32, #tpu.memory_space<vmem>> -> memref<1x1x80xi32, #tpu.memory_space<vmem>>
      %dma_start3A_202 = tpu.memref_squeeze %dma_start3A_201 : memref<1x1x80xi32, #tpu.memory_space<vmem>> -> memref<80xi32, #tpu.memory_space<vmem>>
      %dma_start3A_203 = arith.constant 0 : i32
      %dma_start3A_204 = arith.constant 0 : i32
      %dma_start3A_205 = tpu.memref_slice %arg12[%dma_start3A_203, %dma_start3A_204] : memref<10240x128xf32, #tpu.memory_space<vmem_shared>> -> memref<10240x128xf32, #tpu.memory_space<vmem_shared>>
      tpu.enqueue_indirect_dma source(%arg10 : memref<80x128xf32, #tpu.memory_space<vmem>>) target(%dma_start3A_205 : memref<10240x128xf32, #tpu.memory_space<vmem_shared>>) offsets(%dma_start3A_202 : memref<80xi32, #tpu.memory_space<vmem>>) semaphore(%run_scoped3A_199 : memref<!tpu.dma_semaphore, #tpu.memory_space<semaphore_mem>>) {add = true}
      %dma_wait3A_206 = arith.constant 0 : i32
      %dma_wait3A_207 = tpu.memref_slice %arg8[%run_scoped3A_196, %run_scoped3A_197, %dma_wait3A_206] : memref<3x2x80xi32, #tpu.memory_space<vmem>> -> memref<1x1x80xi32, #tpu.memory_space<vmem>>
      %dma_wait3A_208 = tpu.memref_squeeze %dma_wait3A_207 : memref<1x1x80xi32, #tpu.memory_space<vmem>> -> memref<80xi32, #tpu.memory_space<vmem>>
      %dma_wait3A_209 = arith.constant 0 : i32
      %dma_wait3A_210 = arith.constant 0 : i32
      %dma_wait3A_211 = tpu.memref_slice %arg12[%dma_wait3A_209, %dma_wait3A_210] : memref<10240x128xf32, #tpu.memory_space<vmem_shared>> -> memref<10240x128xf32, #tpu.memory_space<vmem_shared>>
      tpu.wait_indirect_dma semaphore(%run_scoped3A_199 : memref<!tpu.dma_semaphore, #tpu.memory_space<semaphore_mem>>) src(%arg10 : memref<80x128xf32, #tpu.memory_space<vmem>>) dst(%dma_wait3A_211 : memref<10240x128xf32, #tpu.memory_space<vmem_shared>>)
      tpu.yield
    }) : () -> ()
    %barrier3A_198 = arith.constant 0 : index
    tpu.barrier barrier_id(%barrier3A_198)
    "tpu.region"() ({
      %run_scoped3A_199 = tpu.sem_alloc : memref<!tpu.dma_semaphore, #tpu.memory_space<semaphore_mem>>
      %dma_start3A_200 = arith.constant 0 : i32
      %dma_start3A_201 = tpu.memref_slice %arg5[%arg0, %mul3A_2, %dma_start3A_200] : memref<2x10240x128xf32, #tpu.memory_space<hbm>> -> memref<1x640x128xf32, #tpu.memory_space<hbm>>
      %dma_start3A_202 = tpu.memref_squeeze %dma_start3A_201 : memref<1x640x128xf32, #tpu.memory_space<hbm>> -> memref<640x128xf32, #tpu.memory_space<hbm>>
      %dma_start3A_203 = arith.constant 0 : i32
      %dma_start3A_204 = tpu.memref_slice %arg12[%mul3A_2, %dma_start3A_203] : memref<10240x128xf32, #tpu.memory_space<vmem_shared>> -> memref<640x128xf32, #tpu.memory_space<vmem_shared>>
      tpu.enqueue_dma source(%dma_start3A_204 : memref<640x128xf32, #tpu.memory_space<vmem_shared>>) target(%dma_start3A_202 : memref<640x128xf32, #tpu.memory_space<hbm>>) target_semaphore(%run_scoped3A_199 : memref<!tpu.dma_semaphore, #tpu.memory_space<semaphore_mem>>)
      %dma_wait3A_205 = arith.constant 0 : i32
      %dma_wait3A_206 = tpu.memref_slice %arg5[%arg0, %mul3A_2, %dma_wait3A_205] : memref<2x10240x128xf32, #tpu.memory_space<hbm>> -> memref<1x640x128xf32, #tpu.memory_space<hbm>>
      %dma_wait3A_207 = tpu.memref_squeeze %dma_wait3A_206 : memref<1x640x128xf32, #tpu.memory_space<hbm>> -> memref<640x128xf32, #tpu.memory_space<hbm>>
      %dma_wait3A_208 = arith.constant 0 : i32
      %dma_wait3A_209 = tpu.memref_slice %arg12[%mul3A_2, %dma_wait3A_208] : memref<10240x128xf32, #tpu.memory_space<vmem_shared>> -> memref<640x128xf32, #tpu.memory_space<vmem_shared>>
      tpu.wait_dma2 semaphore(%run_scoped3A_199 : memref<!tpu.dma_semaphore, #tpu.memory_space<semaphore_mem>>) src(%dma_wait3A_209 : memref<640x128xf32, #tpu.memory_space<vmem_shared>>) dst(%dma_wait3A_207 : memref<640x128xf32, #tpu.memory_space<hbm>>)
      tpu.yield
    }) : () -> ()
    return
  }
}

#map = affine_map<(d0, d1) -> (0, 0)>
#map1 = affine_map<(d0, d1) -> (0, 0, 0, 0, 0)>
#map2 = affine_map<(d0, d1) -> (0, 0, 0)>
module attributes {stable_mosaic.version = 14 : i64} {
  func.func @_sc_msg(%arg0: i32, %arg1: i32, %arg2: memref<10240x128xf32, #tpu.memory_space<hbm>>, %arg3: memref<10240x128xf32, #tpu.memory_space<hbm>>, %arg4: memref<32x42x3x2x80xi32, #tpu.memory_space<hbm>>, %arg5: memref<2x10240x128xf32, #tpu.memory_space<hbm>>, %arg6: memref<3x2x80xi32, #tpu.memory_space<vmem>>, %arg7: memref<3x2x80xi32, #tpu.memory_space<vmem>>, %arg8: memref<3x2x80xi32, #tpu.memory_space<vmem>>, %arg9: memref<80x128xf32, #tpu.memory_space<vmem>>, %arg10: memref<80x128xf32, #tpu.memory_space<vmem>>, %arg11: memref<80x128xf32, #tpu.memory_space<vmem>>, %arg12: memref<10240x128xf32, #tpu.memory_space<vmem_shared>>, %arg13: memref<!tpu.dma_semaphore, #tpu.memory_space<semaphore_mem>>, %arg14: memref<!tpu.dma_semaphore, #tpu.memory_space<semaphore_mem>>, %arg15: memref<!tpu.dma_semaphore, #tpu.memory_space<semaphore_mem>>, %arg16: memref<!tpu.dma_semaphore, #tpu.memory_space<semaphore_mem>>, %arg17: memref<!tpu.dma_semaphore, #tpu.memory_space<semaphore_mem>>, %arg18: memref<!tpu.dma_semaphore, #tpu.memory_space<semaphore_mem>>) attributes {dimension_semantics = [#tpu.dimension_semantics<core_parallel>, #tpu.dimension_semantics<subcore_parallel>], iteration_bounds = array<i64: 2, 16>, scalar_prefetch = 0 : i64, scratch_operands = 13 : i64, tpu.core_type = #tpu.core_type<sc_vector_subcore>, window_params = [{transform_indices = #map}, {transform_indices = #map}, {transform_indices = #map1}, {transform_indices = #map2}]} {
    %mul3A = arith.constant 16 : i32
    %mul3A_0 = arith.muli %arg0, %mul3A : i32
    %add3A = arith.addi %mul3A_0, %arg1 : i32
    %mul3A_1 = arith.constant 640 : i32
    %mul3A_2 = arith.muli %arg1, %mul3A_1 : i32
    "tpu.region"() ({
      %run_scoped3A_199 = tpu.sem_alloc : memref<!tpu.dma_semaphore, #tpu.memory_space<semaphore_mem>>
      %dma_start3A_200 = arith.constant 0 : i32
      %dma_start3A_201 = tpu.memref_slice %arg12[%mul3A_2, %dma_start3A_200] : memref<10240x128xf32, #tpu.memory_space<vmem_shared>> -> memref<640x128xf32, #tpu.memory_space<vmem_shared>>
      %dma_start3A_202 = arith.constant 0 : i32
      %dma_start3A_203 = tpu.memref_slice %arg3[%mul3A_2, %dma_start3A_202] : memref<10240x128xf32, #tpu.memory_space<hbm>> -> memref<640x128xf32, #tpu.memory_space<hbm>>
      tpu.enqueue_dma source(%dma_start3A_203 : memref<640x128xf32, #tpu.memory_space<hbm>>) target(%dma_start3A_201 : memref<640x128xf32, #tpu.memory_space<vmem_shared>>) target_semaphore(%run_scoped3A_199 : memref<!tpu.dma_semaphore, #tpu.memory_space<semaphore_mem>>)
      %dma_wait3A_204 = arith.constant 0 : i32
      %dma_wait3A_205 = tpu.memref_slice %arg12[%mul3A_2, %dma_wait3A_204] : memref<10240x128xf32, #tpu.memory_space<vmem_shared>> -> memref<640x128xf32, #tpu.memory_space<vmem_shared>>
      %dma_wait3A_206 = arith.constant 0 : i32
      %dma_wait3A_207 = tpu.memref_slice %arg3[%mul3A_2, %dma_wait3A_206] : memref<10240x128xf32, #tpu.memory_space<hbm>> -> memref<640x128xf32, #tpu.memory_space<hbm>>
      tpu.wait_dma2 semaphore(%run_scoped3A_199 : memref<!tpu.dma_semaphore, #tpu.memory_space<semaphore_mem>>) src(%dma_wait3A_207 : memref<640x128xf32, #tpu.memory_space<hbm>>) dst(%dma_wait3A_205 : memref<640x128xf32, #tpu.memory_space<vmem_shared>>)
      tpu.yield
    }) : () -> ()
    %barrier3A = arith.constant 0 : index
    tpu.barrier barrier_id(%barrier3A)
    %dma_start3A = arith.constant 0 : i32
    %dma_start3A_3 = arith.constant 0 : i32
    %dma_start3A_4 = arith.constant 0 : i32
    %dma_start3A_5 = arith.constant 0 : i32
    %dma_start3A_6 = tpu.memref_slice %arg4[%add3A, %dma_start3A, %dma_start3A_3, %dma_start3A_4, %dma_start3A_5] : memref<32x42x3x2x80xi32, #tpu.memory_space<hbm>> -> memref<1x1x3x2x80xi32, #tpu.memory_space<hbm>>
    %dma_start3A_7 = tpu.memref_squeeze %dma_start3A_6 : memref<1x1x3x2x80xi32, #tpu.memory_space<hbm>> -> memref<3x2x80xi32, #tpu.memory_space<hbm>>
    %dma_start3A_8 = arith.constant 0 : i32
    %dma_start3A_9 = arith.constant 0 : i32
    %dma_start3A_10 = arith.constant 0 : i32
    %dma_start3A_11 = tpu.memref_slice %arg4[%add3A, %dma_start3A, %dma_start3A_8, %dma_start3A_9, %dma_start3A_10] : memref<32x42x3x2x80xi32, #tpu.memory_space<hbm>> -> memref<1x1x3x2x80xi32, #tpu.memory_space<hbm>>
    %dma_start3A_12 = tpu.memref_squeeze %dma_start3A_11 : memref<1x1x3x2x80xi32, #tpu.memory_space<hbm>> -> memref<3x2x80xi32, #tpu.memory_space<hbm>>
    tpu.enqueue_dma source(%dma_start3A_12 : memref<3x2x80xi32, #tpu.memory_space<hbm>>) target(%arg6 : memref<3x2x80xi32, #tpu.memory_space<vmem>>) target_semaphore(%arg13 : memref<!tpu.dma_semaphore, #tpu.memory_space<semaphore_mem>>)
    %dma_start3A_13 = arith.constant 1 : i32
    %dma_start3A_14 = arith.constant 0 : i32
    %dma_start3A_15 = arith.constant 0 : i32
    %dma_start3A_16 = arith.constant 0 : i32
    %dma_start3A_17 = tpu.memref_slice %arg4[%add3A, %dma_start3A_13, %dma_start3A_14, %dma_start3A_15, %dma_start3A_16] : memref<32x42x3x2x80xi32, #tpu.memory_space<hbm>> -> memref<1x1x3x2x80xi32, #tpu.memory_space<hbm>>
    %dma_start3A_18 = tpu.memref_squeeze %dma_start3A_17 : memref<1x1x3x2x80xi32, #tpu.memory_space<hbm>> -> memref<3x2x80xi32, #tpu.memory_space<hbm>>
    %dma_start3A_19 = arith.constant 0 : i32
    %dma_start3A_20 = arith.constant 0 : i32
    %dma_start3A_21 = arith.constant 0 : i32
    %dma_start3A_22 = tpu.memref_slice %arg4[%add3A, %dma_start3A_13, %dma_start3A_19, %dma_start3A_20, %dma_start3A_21] : memref<32x42x3x2x80xi32, #tpu.memory_space<hbm>> -> memref<1x1x3x2x80xi32, #tpu.memory_space<hbm>>
    %dma_start3A_23 = tpu.memref_squeeze %dma_start3A_22 : memref<1x1x3x2x80xi32, #tpu.memory_space<hbm>> -> memref<3x2x80xi32, #tpu.memory_space<hbm>>
    tpu.enqueue_dma source(%dma_start3A_23 : memref<3x2x80xi32, #tpu.memory_space<hbm>>) target(%arg7 : memref<3x2x80xi32, #tpu.memory_space<vmem>>) target_semaphore(%arg14 : memref<!tpu.dma_semaphore, #tpu.memory_space<semaphore_mem>>)
    %dma_start3A_24 = arith.constant 2 : i32
    %dma_start3A_25 = arith.constant 0 : i32
    %dma_start3A_26 = arith.constant 0 : i32
    %dma_start3A_27 = arith.constant 0 : i32
    %dma_start3A_28 = tpu.memref_slice %arg4[%add3A, %dma_start3A_24, %dma_start3A_25, %dma_start3A_26, %dma_start3A_27] : memref<32x42x3x2x80xi32, #tpu.memory_space<hbm>> -> memref<1x1x3x2x80xi32, #tpu.memory_space<hbm>>
    %dma_start3A_29 = tpu.memref_squeeze %dma_start3A_28 : memref<1x1x3x2x80xi32, #tpu.memory_space<hbm>> -> memref<3x2x80xi32, #tpu.memory_space<hbm>>
    %dma_start3A_30 = arith.constant 0 : i32
    %dma_start3A_31 = arith.constant 0 : i32
    %dma_start3A_32 = arith.constant 0 : i32
    %dma_start3A_33 = tpu.memref_slice %arg4[%add3A, %dma_start3A_24, %dma_start3A_30, %dma_start3A_31, %dma_start3A_32] : memref<32x42x3x2x80xi32, #tpu.memory_space<hbm>> -> memref<1x1x3x2x80xi32, #tpu.memory_space<hbm>>
    %dma_start3A_34 = tpu.memref_squeeze %dma_start3A_33 : memref<1x1x3x2x80xi32, #tpu.memory_space<hbm>> -> memref<3x2x80xi32, #tpu.memory_space<hbm>>
    tpu.enqueue_dma source(%dma_start3A_34 : memref<3x2x80xi32, #tpu.memory_space<hbm>>) target(%arg8 : memref<3x2x80xi32, #tpu.memory_space<vmem>>) target_semaphore(%arg15 : memref<!tpu.dma_semaphore, #tpu.memory_space<semaphore_mem>>)
    %dma_wait3A = arith.constant 0 : i32
    %dma_wait3A_35 = arith.constant 0 : i32
    %dma_wait3A_36 = arith.constant 0 : i32
    %dma_wait3A_37 = arith.constant 0 : i32
    %dma_wait3A_38 = tpu.memref_slice %arg4[%add3A, %dma_wait3A, %dma_wait3A_35, %dma_wait3A_36, %dma_wait3A_37] : memref<32x42x3x2x80xi32, #tpu.memory_space<hbm>> -> memref<1x1x3x2x80xi32, #tpu.memory_space<hbm>>
    %dma_wait3A_39 = tpu.memref_squeeze %dma_wait3A_38 : memref<1x1x3x2x80xi32, #tpu.memory_space<hbm>> -> memref<3x2x80xi32, #tpu.memory_space<hbm>>
    %dma_wait3A_40 = arith.constant 0 : i32
    %dma_wait3A_41 = arith.constant 0 : i32
    %dma_wait3A_42 = arith.constant 0 : i32
    %dma_wait3A_43 = tpu.memref_slice %arg4[%add3A, %dma_wait3A, %dma_wait3A_40, %dma_wait3A_41, %dma_wait3A_42] : memref<32x42x3x2x80xi32, #tpu.memory_space<hbm>> -> memref<1x1x3x2x80xi32, #tpu.memory_space<hbm>>
    %dma_wait3A_44 = tpu.memref_squeeze %dma_wait3A_43 : memref<1x1x3x2x80xi32, #tpu.memory_space<hbm>> -> memref<3x2x80xi32, #tpu.memory_space<hbm>>
    tpu.wait_dma2 semaphore(%arg13 : memref<!tpu.dma_semaphore, #tpu.memory_space<semaphore_mem>>) src(%dma_wait3A_44 : memref<3x2x80xi32, #tpu.memory_space<hbm>>) dst(%arg6 : memref<3x2x80xi32, #tpu.memory_space<vmem>>)
    %dma_start3A_45 = arith.constant 0 : i32
    %dma_start3A_46 = arith.constant 0 : i32
    %dma_start3A_47 = arith.constant 0 : i32
    %dma_start3A_48 = tpu.memref_slice %arg6[%dma_start3A_45, %dma_start3A_46, %dma_start3A_47] : memref<3x2x80xi32, #tpu.memory_space<vmem>> -> memref<1x1x80xi32, #tpu.memory_space<vmem>>
    %dma_start3A_49 = tpu.memref_squeeze %dma_start3A_48 : memref<1x1x80xi32, #tpu.memory_space<vmem>> -> memref<80xi32, #tpu.memory_space<vmem>>
    %dma_start3A_50 = arith.constant 0 : i32
    %dma_start3A_51 = arith.constant 0 : i32
    %dma_start3A_52 = tpu.memref_slice %arg2[%dma_start3A_50, %dma_start3A_51] : memref<10240x128xf32, #tpu.memory_space<hbm>> -> memref<10240x128xf32, #tpu.memory_space<hbm>>
    tpu.enqueue_indirect_dma source(%dma_start3A_52 : memref<10240x128xf32, #tpu.memory_space<hbm>>) target(%arg9 : memref<80x128xf32, #tpu.memory_space<vmem>>) offsets(%dma_start3A_49 : memref<80xi32, #tpu.memory_space<vmem>>) semaphore(%arg16 : memref<!tpu.dma_semaphore, #tpu.memory_space<semaphore_mem>>)
    %dma_start3A_53 = arith.constant 1 : i32
    %dma_start3A_54 = arith.constant 0 : i32
    %dma_start3A_55 = arith.constant 0 : i32
    %dma_start3A_56 = tpu.memref_slice %arg6[%dma_start3A_53, %dma_start3A_54, %dma_start3A_55] : memref<3x2x80xi32, #tpu.memory_space<vmem>> -> memref<1x1x80xi32, #tpu.memory_space<vmem>>
    %dma_start3A_57 = tpu.memref_squeeze %dma_start3A_56 : memref<1x1x80xi32, #tpu.memory_space<vmem>> -> memref<80xi32, #tpu.memory_space<vmem>>
    %dma_start3A_58 = arith.constant 0 : i32
    %dma_start3A_59 = arith.constant 0 : i32
    %dma_start3A_60 = tpu.memref_slice %arg2[%dma_start3A_58, %dma_start3A_59] : memref<10240x128xf32, #tpu.memory_space<hbm>> -> memref<10240x128xf32, #tpu.memory_space<hbm>>
    tpu.enqueue_indirect_dma source(%dma_start3A_60 : memref<10240x128xf32, #tpu.memory_space<hbm>>) target(%arg10 : memref<80x128xf32, #tpu.memory_space<vmem>>) offsets(%dma_start3A_57 : memref<80xi32, #tpu.memory_space<vmem>>) semaphore(%arg17 : memref<!tpu.dma_semaphore, #tpu.memory_space<semaphore_mem>>)
    %scan3A = arith.constant 0 : i32
    %scan3A_61 = arith.constant 13 : i32
    %scan3A_62 = arith.addi %scan3A, %scan3A_61 : i32
    %scan3A_63 = arith.constant 1 : i32
    scf.for %scan3A_199 = %scan3A to %scan3A_62 step %scan3A_63  : i32 {
      %mul3A_200 = arith.constant 1 : i32
      %mul3A_201 = arith.muli %scan3A_199, %mul3A_200 : i32
      %add3A_202 = arith.constant 0 : i32
      %add3A_203 = arith.addi %add3A_202, %mul3A_201 : i32
      %mul3A_204 = arith.constant 3 : i32
      %mul3A_205 = arith.muli %add3A_203, %mul3A_204 : i32
      %dma_wait3A_206 = arith.constant 0 : i32
      %dma_wait3A_207 = arith.constant 0 : i32
      %dma_wait3A_208 = tpu.memref_slice %arg2[%dma_wait3A_206, %dma_wait3A_207] : memref<10240x128xf32, #tpu.memory_space<hbm>> -> memref<80x128xf32, #tpu.memory_space<hbm>>
      %dma_wait3A_209 = arith.constant 0 : i32
      %dma_wait3A_210 = arith.constant 0 : i32
      %dma_wait3A_211 = tpu.memref_slice %arg2[%dma_wait3A_209, %dma_wait3A_210] : memref<10240x128xf32, #tpu.memory_space<hbm>> -> memref<80x128xf32, #tpu.memory_space<hbm>>
      tpu.wait_dma2 semaphore(%arg16 : memref<!tpu.dma_semaphore, #tpu.memory_space<semaphore_mem>>) src(%dma_wait3A_211 : memref<80x128xf32, #tpu.memory_space<hbm>>) dst(%arg9 : memref<80x128xf32, #tpu.memory_space<vmem>>)
      %run_scoped3A_212 = arith.constant 0 : i32
      %run_scoped3A_213 = arith.constant 1 : i32
      "tpu.region"() ({
        %run_scoped3A_425 = tpu.sem_alloc : memref<!tpu.dma_semaphore, #tpu.memory_space<semaphore_mem>>
        %dma_start3A_426 = arith.constant 0 : i32
        %dma_start3A_427 = tpu.memref_slice %arg6[%run_scoped3A_212, %run_scoped3A_213, %dma_start3A_426] : memref<3x2x80xi32, #tpu.memory_space<vmem>> -> memref<1x1x80xi32, #tpu.memory_space<vmem>>
        %dma_start3A_428 = tpu.memref_squeeze %dma_start3A_427 : memref<1x1x80xi32, #tpu.memory_space<vmem>> -> memref<80xi32, #tpu.memory_space<vmem>>
        %dma_start3A_429 = arith.constant 0 : i32
        %dma_start3A_430 = arith.constant 0 : i32
        %dma_start3A_431 = tpu.memref_slice %arg12[%dma_start3A_429, %dma_start3A_430] : memref<10240x128xf32, #tpu.memory_space<vmem_shared>> -> memref<10240x128xf32, #tpu.memory_space<vmem_shared>>
        tpu.enqueue_indirect_dma source(%arg9 : memref<80x128xf32, #tpu.memory_space<vmem>>) target(%dma_start3A_431 : memref<10240x128xf32, #tpu.memory_space<vmem_shared>>) offsets(%dma_start3A_428 : memref<80xi32, #tpu.memory_space<vmem>>) semaphore(%run_scoped3A_425 : memref<!tpu.dma_semaphore, #tpu.memory_space<semaphore_mem>>) {add = true}
        %dma_wait3A_432 = arith.constant 0 : i32
        %dma_wait3A_433 = tpu.memref_slice %arg6[%run_scoped3A_212, %run_scoped3A_213, %dma_wait3A_432] : memref<3x2x80xi32, #tpu.memory_space<vmem>> -> memref<1x1x80xi32, #tpu.memory_space<vmem>>
        %dma_wait3A_434 = tpu.memref_squeeze %dma_wait3A_433 : memref<1x1x80xi32, #tpu.memory_space<vmem>> -> memref<80xi32, #tpu.memory_space<vmem>>
        %dma_wait3A_435 = arith.constant 0 : i32
        %dma_wait3A_436 = arith.constant 0 : i32
        %dma_wait3A_437 = tpu.memref_slice %arg12[%dma_wait3A_435, %dma_wait3A_436] : memref<10240x128xf32, #tpu.memory_space<vmem_shared>> -> memref<10240x128xf32, #tpu.memory_space<vmem_shared>>
        tpu.wait_indirect_dma semaphore(%run_scoped3A_425 : memref<!tpu.dma_semaphore, #tpu.memory_space<semaphore_mem>>) src(%arg9 : memref<80x128xf32, #tpu.memory_space<vmem>>) dst(%dma_wait3A_437 : memref<10240x128xf32, #tpu.memory_space<vmem_shared>>)
        tpu.yield
      }) : () -> ()
      %dma_start3A_214 = arith.constant 2 : i32
      %dma_start3A_215 = arith.constant 0 : i32
      %dma_start3A_216 = arith.constant 0 : i32
      %dma_start3A_217 = tpu.memref_slice %arg6[%dma_start3A_214, %dma_start3A_215, %dma_start3A_216] : memref<3x2x80xi32, #tpu.memory_space<vmem>> -> memref<1x1x80xi32, #tpu.memory_space<vmem>>
      %dma_start3A_218 = tpu.memref_squeeze %dma_start3A_217 : memref<1x1x80xi32, #tpu.memory_space<vmem>> -> memref<80xi32, #tpu.memory_space<vmem>>
      %dma_start3A_219 = arith.constant 0 : i32
      %dma_start3A_220 = arith.constant 0 : i32
      %dma_start3A_221 = tpu.memref_slice %arg2[%dma_start3A_219, %dma_start3A_220] : memref<10240x128xf32, #tpu.memory_space<hbm>> -> memref<10240x128xf32, #tpu.memory_space<hbm>>
      tpu.enqueue_indirect_dma source(%dma_start3A_221 : memref<10240x128xf32, #tpu.memory_space<hbm>>) target(%arg11 : memref<80x128xf32, #tpu.memory_space<vmem>>) offsets(%dma_start3A_218 : memref<80xi32, #tpu.memory_space<vmem>>) semaphore(%arg18 : memref<!tpu.dma_semaphore, #tpu.memory_space<semaphore_mem>>)
      %dma_wait3A_222 = arith.constant 0 : i32
      %dma_wait3A_223 = arith.constant 0 : i32
      %dma_wait3A_224 = tpu.memref_slice %arg2[%dma_wait3A_222, %dma_wait3A_223] : memref<10240x128xf32, #tpu.memory_space<hbm>> -> memref<80x128xf32, #tpu.memory_space<hbm>>
      %dma_wait3A_225 = arith.constant 0 : i32
      %dma_wait3A_226 = arith.constant 0 : i32
      %dma_wait3A_227 = tpu.memref_slice %arg2[%dma_wait3A_225, %dma_wait3A_226] : memref<10240x128xf32, #tpu.memory_space<hbm>> -> memref<80x128xf32, #tpu.memory_space<hbm>>
      tpu.wait_dma2 semaphore(%arg17 : memref<!tpu.dma_semaphore, #tpu.memory_space<semaphore_mem>>) src(%dma_wait3A_227 : memref<80x128xf32, #tpu.memory_space<hbm>>) dst(%arg10 : memref<80x128xf32, #tpu.memory_space<vmem>>)
      %run_scoped3A_228 = arith.constant 1 : i32
      %run_scoped3A_229 = arith.constant 1 : i32
      "tpu.region"() ({
        %run_scoped3A_425 = tpu.sem_alloc : memref<!tpu.dma_semaphore, #tpu.memory_space<semaphore_mem>>
        %dma_start3A_426 = arith.constant 0 : i32
        %dma_start3A_427 = tpu.memref_slice %arg6[%run_scoped3A_228, %run_scoped3A_229, %dma_start3A_426] : memref<3x2x80xi32, #tpu.memory_space<vmem>> -> memref<1x1x80xi32, #tpu.memory_space<vmem>>
        %dma_start3A_428 = tpu.memref_squeeze %dma_start3A_427 : memref<1x1x80xi32, #tpu.memory_space<vmem>> -> memref<80xi32, #tpu.memory_space<vmem>>
        %dma_start3A_429 = arith.constant 0 : i32
        %dma_start3A_430 = arith.constant 0 : i32
        %dma_start3A_431 = tpu.memref_slice %arg12[%dma_start3A_429, %dma_start3A_430] : memref<10240x128xf32, #tpu.memory_space<vmem_shared>> -> memref<10240x128xf32, #tpu.memory_space<vmem_shared>>
        tpu.enqueue_indirect_dma source(%arg10 : memref<80x128xf32, #tpu.memory_space<vmem>>) target(%dma_start3A_431 : memref<10240x128xf32, #tpu.memory_space<vmem_shared>>) offsets(%dma_start3A_428 : memref<80xi32, #tpu.memory_space<vmem>>) semaphore(%run_scoped3A_425 : memref<!tpu.dma_semaphore, #tpu.memory_space<semaphore_mem>>) {add = true}
        %dma_wait3A_432 = arith.constant 0 : i32
        %dma_wait3A_433 = tpu.memref_slice %arg6[%run_scoped3A_228, %run_scoped3A_229, %dma_wait3A_432] : memref<3x2x80xi32, #tpu.memory_space<vmem>> -> memref<1x1x80xi32, #tpu.memory_space<vmem>>
        %dma_wait3A_434 = tpu.memref_squeeze %dma_wait3A_433 : memref<1x1x80xi32, #tpu.memory_space<vmem>> -> memref<80xi32, #tpu.memory_space<vmem>>
        %dma_wait3A_435 = arith.constant 0 : i32
        %dma_wait3A_436 = arith.constant 0 : i32
        %dma_wait3A_437 = tpu.memref_slice %arg12[%dma_wait3A_435, %dma_wait3A_436] : memref<10240x128xf32, #tpu.memory_space<vmem_shared>> -> memref<10240x128xf32, #tpu.memory_space<vmem_shared>>
        tpu.wait_indirect_dma semaphore(%run_scoped3A_425 : memref<!tpu.dma_semaphore, #tpu.memory_space<semaphore_mem>>) src(%arg10 : memref<80x128xf32, #tpu.memory_space<vmem>>) dst(%dma_wait3A_437 : memref<10240x128xf32, #tpu.memory_space<vmem_shared>>)
        tpu.yield
      }) : () -> ()
      %dma_wait3A_230 = arith.constant 0 : i32
      %dma_wait3A_231 = arith.constant 0 : i32
      %dma_wait3A_232 = arith.constant 0 : i32
      %dma_wait3A_233 = arith.constant 0 : i32
      %dma_wait3A_234 = tpu.memref_slice %arg4[%add3A, %dma_wait3A_230, %dma_wait3A_231, %dma_wait3A_232, %dma_wait3A_233] : memref<32x42x3x2x80xi32, #tpu.memory_space<hbm>> -> memref<1x1x3x2x80xi32, #tpu.memory_space<hbm>>
      %dma_wait3A_235 = tpu.memref_squeeze %dma_wait3A_234 : memref<1x1x3x2x80xi32, #tpu.memory_space<hbm>> -> memref<3x2x80xi32, #tpu.memory_space<hbm>>
      %dma_wait3A_236 = arith.constant 0 : i32
      %dma_wait3A_237 = arith.constant 0 : i32
      %dma_wait3A_238 = arith.constant 0 : i32
      %dma_wait3A_239 = tpu.memref_slice %arg4[%add3A, %dma_wait3A_230, %dma_wait3A_236, %dma_wait3A_237, %dma_wait3A_238] : memref<32x42x3x2x80xi32, #tpu.memory_space<hbm>> -> memref<1x1x3x2x80xi32, #tpu.memory_space<hbm>>
      %dma_wait3A_240 = tpu.memref_squeeze %dma_wait3A_239 : memref<1x1x3x2x80xi32, #tpu.memory_space<hbm>> -> memref<3x2x80xi32, #tpu.memory_space<hbm>>
      tpu.wait_dma2 semaphore(%arg14 : memref<!tpu.dma_semaphore, #tpu.memory_space<semaphore_mem>>) src(%dma_wait3A_240 : memref<3x2x80xi32, #tpu.memory_space<hbm>>) dst(%arg7 : memref<3x2x80xi32, #tpu.memory_space<vmem>>)
      %dma_start3A_241 = arith.constant 0 : i32
      %dma_start3A_242 = arith.constant 0 : i32
      %dma_start3A_243 = arith.constant 0 : i32
      %dma_start3A_244 = tpu.memref_slice %arg7[%dma_start3A_241, %dma_start3A_242, %dma_start3A_243] : memref<3x2x80xi32, #tpu.memory_space<vmem>> -> memref<1x1x80xi32, #tpu.memory_space<vmem>>
      %dma_start3A_245 = tpu.memref_squeeze %dma_start3A_244 : memref<1x1x80xi32, #tpu.memory_space<vmem>> -> memref<80xi32, #tpu.memory_space<vmem>>
      %dma_start3A_246 = arith.constant 0 : i32
      %dma_start3A_247 = arith.constant 0 : i32
      %dma_start3A_248 = tpu.memref_slice %arg2[%dma_start3A_246, %dma_start3A_247] : memref<10240x128xf32, #tpu.memory_space<hbm>> -> memref<10240x128xf32, #tpu.memory_space<hbm>>
      tpu.enqueue_indirect_dma source(%dma_start3A_248 : memref<10240x128xf32, #tpu.memory_space<hbm>>) target(%arg9 : memref<80x128xf32, #tpu.memory_space<vmem>>) offsets(%dma_start3A_245 : memref<80xi32, #tpu.memory_space<vmem>>) semaphore(%arg16 : memref<!tpu.dma_semaphore, #tpu.memory_space<semaphore_mem>>)
      %dma_wait3A_249 = arith.constant 0 : i32
      %dma_wait3A_250 = arith.constant 0 : i32
      %dma_wait3A_251 = tpu.memref_slice %arg2[%dma_wait3A_249, %dma_wait3A_250] : memref<10240x128xf32, #tpu.memory_space<hbm>> -> memref<80x128xf32, #tpu.memory_space<hbm>>
      %dma_wait3A_252 = arith.constant 0 : i32
      %dma_wait3A_253 = arith.constant 0 : i32
      %dma_wait3A_254 = tpu.memref_slice %arg2[%dma_wait3A_252, %dma_wait3A_253] : memref<10240x128xf32, #tpu.memory_space<hbm>> -> memref<80x128xf32, #tpu.memory_space<hbm>>
      tpu.wait_dma2 semaphore(%arg18 : memref<!tpu.dma_semaphore, #tpu.memory_space<semaphore_mem>>) src(%dma_wait3A_254 : memref<80x128xf32, #tpu.memory_space<hbm>>) dst(%arg11 : memref<80x128xf32, #tpu.memory_space<vmem>>)
      %run_scoped3A_255 = arith.constant 2 : i32
      %run_scoped3A_256 = arith.constant 1 : i32
      "tpu.region"() ({
        %run_scoped3A_425 = tpu.sem_alloc : memref<!tpu.dma_semaphore, #tpu.memory_space<semaphore_mem>>
        %dma_start3A_426 = arith.constant 0 : i32
        %dma_start3A_427 = tpu.memref_slice %arg6[%run_scoped3A_255, %run_scoped3A_256, %dma_start3A_426] : memref<3x2x80xi32, #tpu.memory_space<vmem>> -> memref<1x1x80xi32, #tpu.memory_space<vmem>>
        %dma_start3A_428 = tpu.memref_squeeze %dma_start3A_427 : memref<1x1x80xi32, #tpu.memory_space<vmem>> -> memref<80xi32, #tpu.memory_space<vmem>>
        %dma_start3A_429 = arith.constant 0 : i32
        %dma_start3A_430 = arith.constant 0 : i32
        %dma_start3A_431 = tpu.memref_slice %arg12[%dma_start3A_429, %dma_start3A_430] : memref<10240x128xf32, #tpu.memory_space<vmem_shared>> -> memref<10240x128xf32, #tpu.memory_space<vmem_shared>>
        tpu.enqueue_indirect_dma source(%arg11 : memref<80x128xf32, #tpu.memory_space<vmem>>) target(%dma_start3A_431 : memref<10240x128xf32, #tpu.memory_space<vmem_shared>>) offsets(%dma_start3A_428 : memref<80xi32, #tpu.memory_space<vmem>>) semaphore(%run_scoped3A_425 : memref<!tpu.dma_semaphore, #tpu.memory_space<semaphore_mem>>) {add = true}
        %dma_wait3A_432 = arith.constant 0 : i32
        %dma_wait3A_433 = tpu.memref_slice %arg6[%run_scoped3A_255, %run_scoped3A_256, %dma_wait3A_432] : memref<3x2x80xi32, #tpu.memory_space<vmem>> -> memref<1x1x80xi32, #tpu.memory_space<vmem>>
        %dma_wait3A_434 = tpu.memref_squeeze %dma_wait3A_433 : memref<1x1x80xi32, #tpu.memory_space<vmem>> -> memref<80xi32, #tpu.memory_space<vmem>>
        %dma_wait3A_435 = arith.constant 0 : i32
        %dma_wait3A_436 = arith.constant 0 : i32
        %dma_wait3A_437 = tpu.memref_slice %arg12[%dma_wait3A_435, %dma_wait3A_436] : memref<10240x128xf32, #tpu.memory_space<vmem_shared>> -> memref<10240x128xf32, #tpu.memory_space<vmem_shared>>
        tpu.wait_indirect_dma semaphore(%run_scoped3A_425 : memref<!tpu.dma_semaphore, #tpu.memory_space<semaphore_mem>>) src(%arg11 : memref<80x128xf32, #tpu.memory_space<vmem>>) dst(%dma_wait3A_437 : memref<10240x128xf32, #tpu.memory_space<vmem_shared>>)
        tpu.yield
      }) : () -> ()
      %add3A_257 = arith.constant 3 : i32
      %add3A_258 = arith.addi %mul3A_205, %add3A_257 : i32
      %add3A_259 = arith.constant 0 : i32
      %add3A_260 = arith.addi %add3A_258, %add3A_259 : i32
      %dma_start3A_261 = arith.constant 0 : i32
      %dma_start3A_262 = arith.constant 0 : i32
      %dma_start3A_263 = arith.constant 0 : i32
      %dma_start3A_264 = tpu.memref_slice %arg4[%add3A, %add3A_260, %dma_start3A_261, %dma_start3A_262, %dma_start3A_263] : memref<32x42x3x2x80xi32, #tpu.memory_space<hbm>> -> memref<1x1x3x2x80xi32, #tpu.memory_space<hbm>>
      %dma_start3A_265 = tpu.memref_squeeze %dma_start3A_264 : memref<1x1x3x2x80xi32, #tpu.memory_space<hbm>> -> memref<3x2x80xi32, #tpu.memory_space<hbm>>
      %dma_start3A_266 = arith.constant 0 : i32
      %dma_start3A_267 = arith.constant 0 : i32
      %dma_start3A_268 = arith.constant 0 : i32
      %dma_start3A_269 = tpu.memref_slice %arg4[%add3A, %add3A_260, %dma_start3A_266, %dma_start3A_267, %dma_start3A_268] : memref<32x42x3x2x80xi32, #tpu.memory_space<hbm>> -> memref<1x1x3x2x80xi32, #tpu.memory_space<hbm>>
      %dma_start3A_270 = tpu.memref_squeeze %dma_start3A_269 : memref<1x1x3x2x80xi32, #tpu.memory_space<hbm>> -> memref<3x2x80xi32, #tpu.memory_space<hbm>>
      tpu.enqueue_dma source(%dma_start3A_270 : memref<3x2x80xi32, #tpu.memory_space<hbm>>) target(%arg6 : memref<3x2x80xi32, #tpu.memory_space<vmem>>) target_semaphore(%arg13 : memref<!tpu.dma_semaphore, #tpu.memory_space<semaphore_mem>>)
      %dma_start3A_271 = arith.constant 1 : i32
      %dma_start3A_272 = arith.constant 0 : i32
      %dma_start3A_273 = arith.constant 0 : i32
      %dma_start3A_274 = tpu.memref_slice %arg7[%dma_start3A_271, %dma_start3A_272, %dma_start3A_273] : memref<3x2x80xi32, #tpu.memory_space<vmem>> -> memref<1x1x80xi32, #tpu.memory_space<vmem>>
      %dma_start3A_275 = tpu.memref_squeeze %dma_start3A_274 : memref<1x1x80xi32, #tpu.memory_space<vmem>> -> memref<80xi32, #tpu.memory_space<vmem>>
      %dma_start3A_276 = arith.constant 0 : i32
      %dma_start3A_277 = arith.constant 0 : i32
      %dma_start3A_278 = tpu.memref_slice %arg2[%dma_start3A_276, %dma_start3A_277] : memref<10240x128xf32, #tpu.memory_space<hbm>> -> memref<10240x128xf32, #tpu.memory_space<hbm>>
      tpu.enqueue_indirect_dma source(%dma_start3A_278 : memref<10240x128xf32, #tpu.memory_space<hbm>>) target(%arg10 : memref<80x128xf32, #tpu.memory_space<vmem>>) offsets(%dma_start3A_275 : memref<80xi32, #tpu.memory_space<vmem>>) semaphore(%arg17 : memref<!tpu.dma_semaphore, #tpu.memory_space<semaphore_mem>>)
      %dma_wait3A_279 = arith.constant 0 : i32
      %dma_wait3A_280 = arith.constant 0 : i32
      %dma_wait3A_281 = tpu.memref_slice %arg2[%dma_wait3A_279, %dma_wait3A_280] : memref<10240x128xf32, #tpu.memory_space<hbm>> -> memref<80x128xf32, #tpu.memory_space<hbm>>
      %dma_wait3A_282 = arith.constant 0 : i32
      %dma_wait3A_283 = arith.constant 0 : i32
      %dma_wait3A_284 = tpu.memref_slice %arg2[%dma_wait3A_282, %dma_wait3A_283] : memref<10240x128xf32, #tpu.memory_space<hbm>> -> memref<80x128xf32, #tpu.memory_space<hbm>>
      tpu.wait_dma2 semaphore(%arg16 : memref<!tpu.dma_semaphore, #tpu.memory_space<semaphore_mem>>) src(%dma_wait3A_284 : memref<80x128xf32, #tpu.memory_space<hbm>>) dst(%arg9 : memref<80x128xf32, #tpu.memory_space<vmem>>)
      %run_scoped3A_285 = arith.constant 0 : i32
      %run_scoped3A_286 = arith.constant 1 : i32
      "tpu.region"() ({
        %run_scoped3A_425 = tpu.sem_alloc : memref<!tpu.dma_semaphore, #tpu.memory_space<semaphore_mem>>
        %dma_start3A_426 = arith.constant 0 : i32
        %dma_start3A_427 = tpu.memref_slice %arg7[%run_scoped3A_285, %run_scoped3A_286, %dma_start3A_426] : memref<3x2x80xi32, #tpu.memory_space<vmem>> -> memref<1x1x80xi32, #tpu.memory_space<vmem>>
        %dma_start3A_428 = tpu.memref_squeeze %dma_start3A_427 : memref<1x1x80xi32, #tpu.memory_space<vmem>> -> memref<80xi32, #tpu.memory_space<vmem>>
        %dma_start3A_429 = arith.constant 0 : i32
        %dma_start3A_430 = arith.constant 0 : i32
        %dma_start3A_431 = tpu.memref_slice %arg12[%dma_start3A_429, %dma_start3A_430] : memref<10240x128xf32, #tpu.memory_space<vmem_shared>> -> memref<10240x128xf32, #tpu.memory_space<vmem_shared>>
        tpu.enqueue_indirect_dma source(%arg9 : memref<80x128xf32, #tpu.memory_space<vmem>>) target(%dma_start3A_431 : memref<10240x128xf32, #tpu.memory_space<vmem_shared>>) offsets(%dma_start3A_428 : memref<80xi32, #tpu.memory_space<vmem>>) semaphore(%run_scoped3A_425 : memref<!tpu.dma_semaphore, #tpu.memory_space<semaphore_mem>>) {add = true}
        %dma_wait3A_432 = arith.constant 0 : i32
        %dma_wait3A_433 = tpu.memref_slice %arg7[%run_scoped3A_285, %run_scoped3A_286, %dma_wait3A_432] : memref<3x2x80xi32, #tpu.memory_space<vmem>> -> memref<1x1x80xi32, #tpu.memory_space<vmem>>
        %dma_wait3A_434 = tpu.memref_squeeze %dma_wait3A_433 : memref<1x1x80xi32, #tpu.memory_space<vmem>> -> memref<80xi32, #tpu.memory_space<vmem>>
        %dma_wait3A_435 = arith.constant 0 : i32
        %dma_wait3A_436 = arith.constant 0 : i32
        %dma_wait3A_437 = tpu.memref_slice %arg12[%dma_wait3A_435, %dma_wait3A_436] : memref<10240x128xf32, #tpu.memory_space<vmem_shared>> -> memref<10240x128xf32, #tpu.memory_space<vmem_shared>>
        tpu.wait_indirect_dma semaphore(%run_scoped3A_425 : memref<!tpu.dma_semaphore, #tpu.memory_space<semaphore_mem>>) src(%arg9 : memref<80x128xf32, #tpu.memory_space<vmem>>) dst(%dma_wait3A_437 : memref<10240x128xf32, #tpu.memory_space<vmem_shared>>)
        tpu.yield
      }) : () -> ()
      %dma_start3A_287 = arith.constant 2 : i32
      %dma_start3A_288 = arith.constant 0 : i32
      %dma_start3A_289 = arith.constant 0 : i32
      %dma_start3A_290 = tpu.memref_slice %arg7[%dma_start3A_287, %dma_start3A_288, %dma_start3A_289] : memref<3x2x80xi32, #tpu.memory_space<vmem>> -> memref<1x1x80xi32, #tpu.memory_space<vmem>>
      %dma_start3A_291 = tpu.memref_squeeze %dma_start3A_290 : memref<1x1x80xi32, #tpu.memory_space<vmem>> -> memref<80xi32, #tpu.memory_space<vmem>>
      %dma_start3A_292 = arith.constant 0 : i32
      %dma_start3A_293 = arith.constant 0 : i32
      %dma_start3A_294 = tpu.memref_slice %arg2[%dma_start3A_292, %dma_start3A_293] : memref<10240x128xf32, #tpu.memory_space<hbm>> -> memref<10240x128xf32, #tpu.memory_space<hbm>>
      tpu.enqueue_indirect_dma source(%dma_start3A_294 : memref<10240x128xf32, #tpu.memory_space<hbm>>) target(%arg11 : memref<80x128xf32, #tpu.memory_space<vmem>>) offsets(%dma_start3A_291 : memref<80xi32, #tpu.memory_space<vmem>>) semaphore(%arg18 : memref<!tpu.dma_semaphore, #tpu.memory_space<semaphore_mem>>)
      %dma_wait3A_295 = arith.constant 0 : i32
      %dma_wait3A_296 = arith.constant 0 : i32
      %dma_wait3A_297 = tpu.memref_slice %arg2[%dma_wait3A_295, %dma_wait3A_296] : memref<10240x128xf32, #tpu.memory_space<hbm>> -> memref<80x128xf32, #tpu.memory_space<hbm>>
      %dma_wait3A_298 = arith.constant 0 : i32
      %dma_wait3A_299 = arith.constant 0 : i32
      %dma_wait3A_300 = tpu.memref_slice %arg2[%dma_wait3A_298, %dma_wait3A_299] : memref<10240x128xf32, #tpu.memory_space<hbm>> -> memref<80x128xf32, #tpu.memory_space<hbm>>
      tpu.wait_dma2 semaphore(%arg17 : memref<!tpu.dma_semaphore, #tpu.memory_space<semaphore_mem>>) src(%dma_wait3A_300 : memref<80x128xf32, #tpu.memory_space<hbm>>) dst(%arg10 : memref<80x128xf32, #tpu.memory_space<vmem>>)
      %run_scoped3A_301 = arith.constant 1 : i32
      %run_scoped3A_302 = arith.constant 1 : i32
      "tpu.region"() ({
        %run_scoped3A_425 = tpu.sem_alloc : memref<!tpu.dma_semaphore, #tpu.memory_space<semaphore_mem>>
        %dma_start3A_426 = arith.constant 0 : i32
        %dma_start3A_427 = tpu.memref_slice %arg7[%run_scoped3A_301, %run_scoped3A_302, %dma_start3A_426] : memref<3x2x80xi32, #tpu.memory_space<vmem>> -> memref<1x1x80xi32, #tpu.memory_space<vmem>>
        %dma_start3A_428 = tpu.memref_squeeze %dma_start3A_427 : memref<1x1x80xi32, #tpu.memory_space<vmem>> -> memref<80xi32, #tpu.memory_space<vmem>>
        %dma_start3A_429 = arith.constant 0 : i32
        %dma_start3A_430 = arith.constant 0 : i32
        %dma_start3A_431 = tpu.memref_slice %arg12[%dma_start3A_429, %dma_start3A_430] : memref<10240x128xf32, #tpu.memory_space<vmem_shared>> -> memref<10240x128xf32, #tpu.memory_space<vmem_shared>>
        tpu.enqueue_indirect_dma source(%arg10 : memref<80x128xf32, #tpu.memory_space<vmem>>) target(%dma_start3A_431 : memref<10240x128xf32, #tpu.memory_space<vmem_shared>>) offsets(%dma_start3A_428 : memref<80xi32, #tpu.memory_space<vmem>>) semaphore(%run_scoped3A_425 : memref<!tpu.dma_semaphore, #tpu.memory_space<semaphore_mem>>) {add = true}
        %dma_wait3A_432 = arith.constant 0 : i32
        %dma_wait3A_433 = tpu.memref_slice %arg7[%run_scoped3A_301, %run_scoped3A_302, %dma_wait3A_432] : memref<3x2x80xi32, #tpu.memory_space<vmem>> -> memref<1x1x80xi32, #tpu.memory_space<vmem>>
        %dma_wait3A_434 = tpu.memref_squeeze %dma_wait3A_433 : memref<1x1x80xi32, #tpu.memory_space<vmem>> -> memref<80xi32, #tpu.memory_space<vmem>>
        %dma_wait3A_435 = arith.constant 0 : i32
        %dma_wait3A_436 = arith.constant 0 : i32
        %dma_wait3A_437 = tpu.memref_slice %arg12[%dma_wait3A_435, %dma_wait3A_436] : memref<10240x128xf32, #tpu.memory_space<vmem_shared>> -> memref<10240x128xf32, #tpu.memory_space<vmem_shared>>
        tpu.wait_indirect_dma semaphore(%run_scoped3A_425 : memref<!tpu.dma_semaphore, #tpu.memory_space<semaphore_mem>>) src(%arg10 : memref<80x128xf32, #tpu.memory_space<vmem>>) dst(%dma_wait3A_437 : memref<10240x128xf32, #tpu.memory_space<vmem_shared>>)
        tpu.yield
      }) : () -> ()
      %dma_wait3A_303 = arith.constant 0 : i32
      %dma_wait3A_304 = arith.constant 0 : i32
      %dma_wait3A_305 = arith.constant 0 : i32
      %dma_wait3A_306 = arith.constant 0 : i32
      %dma_wait3A_307 = tpu.memref_slice %arg4[%add3A, %dma_wait3A_303, %dma_wait3A_304, %dma_wait3A_305, %dma_wait3A_306] : memref<32x42x3x2x80xi32, #tpu.memory_space<hbm>> -> memref<1x1x3x2x80xi32, #tpu.memory_space<hbm>>
      %dma_wait3A_308 = tpu.memref_squeeze %dma_wait3A_307 : memref<1x1x3x2x80xi32, #tpu.memory_space<hbm>> -> memref<3x2x80xi32, #tpu.memory_space<hbm>>
      %dma_wait3A_309 = arith.constant 0 : i32
      %dma_wait3A_310 = arith.constant 0 : i32
      %dma_wait3A_311 = arith.constant 0 : i32
      %dma_wait3A_312 = tpu.memref_slice %arg4[%add3A, %dma_wait3A_303, %dma_wait3A_309, %dma_wait3A_310, %dma_wait3A_311] : memref<32x42x3x2x80xi32, #tpu.memory_space<hbm>> -> memref<1x1x3x2x80xi32, #tpu.memory_space<hbm>>
      %dma_wait3A_313 = tpu.memref_squeeze %dma_wait3A_312 : memref<1x1x3x2x80xi32, #tpu.memory_space<hbm>> -> memref<3x2x80xi32, #tpu.memory_space<hbm>>
      tpu.wait_dma2 semaphore(%arg15 : memref<!tpu.dma_semaphore, #tpu.memory_space<semaphore_mem>>) src(%dma_wait3A_313 : memref<3x2x80xi32, #tpu.memory_space<hbm>>) dst(%arg8 : memref<3x2x80xi32, #tpu.memory_space<vmem>>)
      %dma_start3A_314 = arith.constant 0 : i32
      %dma_start3A_315 = arith.constant 0 : i32
      %dma_start3A_316 = arith.constant 0 : i32
      %dma_start3A_317 = tpu.memref_slice %arg8[%dma_start3A_314, %dma_start3A_315, %dma_start3A_316] : memref<3x2x80xi32, #tpu.memory_space<vmem>> -> memref<1x1x80xi32, #tpu.memory_space<vmem>>
      %dma_start3A_318 = tpu.memref_squeeze %dma_start3A_317 : memref<1x1x80xi32, #tpu.memory_space<vmem>> -> memref<80xi32, #tpu.memory_space<vmem>>
      %dma_start3A_319 = arith.constant 0 : i32
      %dma_start3A_320 = arith.constant 0 : i32
      %dma_start3A_321 = tpu.memref_slice %arg2[%dma_start3A_319, %dma_start3A_320] : memref<10240x128xf32, #tpu.memory_space<hbm>> -> memref<10240x128xf32, #tpu.memory_space<hbm>>
      tpu.enqueue_indirect_dma source(%dma_start3A_321 : memref<10240x128xf32, #tpu.memory_space<hbm>>) target(%arg9 : memref<80x128xf32, #tpu.memory_space<vmem>>) offsets(%dma_start3A_318 : memref<80xi32, #tpu.memory_space<vmem>>) semaphore(%arg16 : memref<!tpu.dma_semaphore, #tpu.memory_space<semaphore_mem>>)
      %dma_wait3A_322 = arith.constant 0 : i32
      %dma_wait3A_323 = arith.constant 0 : i32
      %dma_wait3A_324 = tpu.memref_slice %arg2[%dma_wait3A_322, %dma_wait3A_323] : memref<10240x128xf32, #tpu.memory_space<hbm>> -> memref<80x128xf32, #tpu.memory_space<hbm>>
      %dma_wait3A_325 = arith.constant 0 : i32
      %dma_wait3A_326 = arith.constant 0 : i32
      %dma_wait3A_327 = tpu.memref_slice %arg2[%dma_wait3A_325, %dma_wait3A_326] : memref<10240x128xf32, #tpu.memory_space<hbm>> -> memref<80x128xf32, #tpu.memory_space<hbm>>
      tpu.wait_dma2 semaphore(%arg18 : memref<!tpu.dma_semaphore, #tpu.memory_space<semaphore_mem>>) src(%dma_wait3A_327 : memref<80x128xf32, #tpu.memory_space<hbm>>) dst(%arg11 : memref<80x128xf32, #tpu.memory_space<vmem>>)
      %run_scoped3A_328 = arith.constant 2 : i32
      %run_scoped3A_329 = arith.constant 1 : i32
      "tpu.region"() ({
        %run_scoped3A_425 = tpu.sem_alloc : memref<!tpu.dma_semaphore, #tpu.memory_space<semaphore_mem>>
        %dma_start3A_426 = arith.constant 0 : i32
        %dma_start3A_427 = tpu.memref_slice %arg7[%run_scoped3A_328, %run_scoped3A_329, %dma_start3A_426] : memref<3x2x80xi32, #tpu.memory_space<vmem>> -> memref<1x1x80xi32, #tpu.memory_space<vmem>>
        %dma_start3A_428 = tpu.memref_squeeze %dma_start3A_427 : memref<1x1x80xi32, #tpu.memory_space<vmem>> -> memref<80xi32, #tpu.memory_space<vmem>>
        %dma_start3A_429 = arith.constant 0 : i32
        %dma_start3A_430 = arith.constant 0 : i32
        %dma_start3A_431 = tpu.memref_slice %arg12[%dma_start3A_429, %dma_start3A_430] : memref<10240x128xf32, #tpu.memory_space<vmem_shared>> -> memref<10240x128xf32, #tpu.memory_space<vmem_shared>>
        tpu.enqueue_indirect_dma source(%arg11 : memref<80x128xf32, #tpu.memory_space<vmem>>) target(%dma_start3A_431 : memref<10240x128xf32, #tpu.memory_space<vmem_shared>>) offsets(%dma_start3A_428 : memref<80xi32, #tpu.memory_space<vmem>>) semaphore(%run_scoped3A_425 : memref<!tpu.dma_semaphore, #tpu.memory_space<semaphore_mem>>) {add = true}
        %dma_wait3A_432 = arith.constant 0 : i32
        %dma_wait3A_433 = tpu.memref_slice %arg7[%run_scoped3A_328, %run_scoped3A_329, %dma_wait3A_432] : memref<3x2x80xi32, #tpu.memory_space<vmem>> -> memref<1x1x80xi32, #tpu.memory_space<vmem>>
        %dma_wait3A_434 = tpu.memref_squeeze %dma_wait3A_433 : memref<1x1x80xi32, #tpu.memory_space<vmem>> -> memref<80xi32, #tpu.memory_space<vmem>>
        %dma_wait3A_435 = arith.constant 0 : i32
        %dma_wait3A_436 = arith.constant 0 : i32
        %dma_wait3A_437 = tpu.memref_slice %arg12[%dma_wait3A_435, %dma_wait3A_436] : memref<10240x128xf32, #tpu.memory_space<vmem_shared>> -> memref<10240x128xf32, #tpu.memory_space<vmem_shared>>
        tpu.wait_indirect_dma semaphore(%run_scoped3A_425 : memref<!tpu.dma_semaphore, #tpu.memory_space<semaphore_mem>>) src(%arg11 : memref<80x128xf32, #tpu.memory_space<vmem>>) dst(%dma_wait3A_437 : memref<10240x128xf32, #tpu.memory_space<vmem_shared>>)
        tpu.yield
      }) : () -> ()
      %add3A_330 = arith.constant 3 : i32
      %add3A_331 = arith.addi %mul3A_205, %add3A_330 : i32
      %add3A_332 = arith.constant 1 : i32
      %add3A_333 = arith.addi %add3A_331, %add3A_332 : i32
      %dma_start3A_334 = arith.constant 0 : i32
      %dma_start3A_335 = arith.constant 0 : i32
      %dma_start3A_336 = arith.constant 0 : i32
      %dma_start3A_337 = tpu.memref_slice %arg4[%add3A, %add3A_333, %dma_start3A_334, %dma_start3A_335, %dma_start3A_336] : memref<32x42x3x2x80xi32, #tpu.memory_space<hbm>> -> memref<1x1x3x2x80xi32, #tpu.memory_space<hbm>>
      %dma_start3A_338 = tpu.memref_squeeze %dma_start3A_337 : memref<1x1x3x2x80xi32, #tpu.memory_space<hbm>> -> memref<3x2x80xi32, #tpu.memory_space<hbm>>
      %dma_start3A_339 = arith.constant 0 : i32
      %dma_start3A_340 = arith.constant 0 : i32
      %dma_start3A_341 = arith.constant 0 : i32
      %dma_start3A_342 = tpu.memref_slice %arg4[%add3A, %add3A_333, %dma_start3A_339, %dma_start3A_340, %dma_start3A_341] : memref<32x42x3x2x80xi32, #tpu.memory_space<hbm>> -> memref<1x1x3x2x80xi32, #tpu.memory_space<hbm>>
      %dma_start3A_343 = tpu.memref_squeeze %dma_start3A_342 : memref<1x1x3x2x80xi32, #tpu.memory_space<hbm>> -> memref<3x2x80xi32, #tpu.memory_space<hbm>>
      tpu.enqueue_dma source(%dma_start3A_343 : memref<3x2x80xi32, #tpu.memory_space<hbm>>) target(%arg7 : memref<3x2x80xi32, #tpu.memory_space<vmem>>) target_semaphore(%arg14 : memref<!tpu.dma_semaphore, #tpu.memory_space<semaphore_mem>>)
      %dma_start3A_344 = arith.constant 1 : i32
      %dma_start3A_345 = arith.constant 0 : i32
      %dma_start3A_346 = arith.constant 0 : i32
      %dma_start3A_347 = tpu.memref_slice %arg8[%dma_start3A_344, %dma_start3A_345, %dma_start3A_346] : memref<3x2x80xi32, #tpu.memory_space<vmem>> -> memref<1x1x80xi32, #tpu.memory_space<vmem>>
      %dma_start3A_348 = tpu.memref_squeeze %dma_start3A_347 : memref<1x1x80xi32, #tpu.memory_space<vmem>> -> memref<80xi32, #tpu.memory_space<vmem>>
      %dma_start3A_349 = arith.constant 0 : i32
      %dma_start3A_350 = arith.constant 0 : i32
      %dma_start3A_351 = tpu.memref_slice %arg2[%dma_start3A_349, %dma_start3A_350] : memref<10240x128xf32, #tpu.memory_space<hbm>> -> memref<10240x128xf32, #tpu.memory_space<hbm>>
      tpu.enqueue_indirect_dma source(%dma_start3A_351 : memref<10240x128xf32, #tpu.memory_space<hbm>>) target(%arg10 : memref<80x128xf32, #tpu.memory_space<vmem>>) offsets(%dma_start3A_348 : memref<80xi32, #tpu.memory_space<vmem>>) semaphore(%arg17 : memref<!tpu.dma_semaphore, #tpu.memory_space<semaphore_mem>>)
      %dma_wait3A_352 = arith.constant 0 : i32
      %dma_wait3A_353 = arith.constant 0 : i32
      %dma_wait3A_354 = tpu.memref_slice %arg2[%dma_wait3A_352, %dma_wait3A_353] : memref<10240x128xf32, #tpu.memory_space<hbm>> -> memref<80x128xf32, #tpu.memory_space<hbm>>
      %dma_wait3A_355 = arith.constant 0 : i32
      %dma_wait3A_356 = arith.constant 0 : i32
      %dma_wait3A_357 = tpu.memref_slice %arg2[%dma_wait3A_355, %dma_wait3A_356] : memref<10240x128xf32, #tpu.memory_space<hbm>> -> memref<80x128xf32, #tpu.memory_space<hbm>>
      tpu.wait_dma2 semaphore(%arg16 : memref<!tpu.dma_semaphore, #tpu.memory_space<semaphore_mem>>) src(%dma_wait3A_357 : memref<80x128xf32, #tpu.memory_space<hbm>>) dst(%arg9 : memref<80x128xf32, #tpu.memory_space<vmem>>)
      %run_scoped3A_358 = arith.constant 0 : i32
      %run_scoped3A_359 = arith.constant 1 : i32
      "tpu.region"() ({
        %run_scoped3A_425 = tpu.sem_alloc : memref<!tpu.dma_semaphore, #tpu.memory_space<semaphore_mem>>
        %dma_start3A_426 = arith.constant 0 : i32
        %dma_start3A_427 = tpu.memref_slice %arg8[%run_scoped3A_358, %run_scoped3A_359, %dma_start3A_426] : memref<3x2x80xi32, #tpu.memory_space<vmem>> -> memref<1x1x80xi32, #tpu.memory_space<vmem>>
        %dma_start3A_428 = tpu.memref_squeeze %dma_start3A_427 : memref<1x1x80xi32, #tpu.memory_space<vmem>> -> memref<80xi32, #tpu.memory_space<vmem>>
        %dma_start3A_429 = arith.constant 0 : i32
        %dma_start3A_430 = arith.constant 0 : i32
        %dma_start3A_431 = tpu.memref_slice %arg12[%dma_start3A_429, %dma_start3A_430] : memref<10240x128xf32, #tpu.memory_space<vmem_shared>> -> memref<10240x128xf32, #tpu.memory_space<vmem_shared>>
        tpu.enqueue_indirect_dma source(%arg9 : memref<80x128xf32, #tpu.memory_space<vmem>>) target(%dma_start3A_431 : memref<10240x128xf32, #tpu.memory_space<vmem_shared>>) offsets(%dma_start3A_428 : memref<80xi32, #tpu.memory_space<vmem>>) semaphore(%run_scoped3A_425 : memref<!tpu.dma_semaphore, #tpu.memory_space<semaphore_mem>>) {add = true}
        %dma_wait3A_432 = arith.constant 0 : i32
        %dma_wait3A_433 = tpu.memref_slice %arg8[%run_scoped3A_358, %run_scoped3A_359, %dma_wait3A_432] : memref<3x2x80xi32, #tpu.memory_space<vmem>> -> memref<1x1x80xi32, #tpu.memory_space<vmem>>
        %dma_wait3A_434 = tpu.memref_squeeze %dma_wait3A_433 : memref<1x1x80xi32, #tpu.memory_space<vmem>> -> memref<80xi32, #tpu.memory_space<vmem>>
        %dma_wait3A_435 = arith.constant 0 : i32
        %dma_wait3A_436 = arith.constant 0 : i32
        %dma_wait3A_437 = tpu.memref_slice %arg12[%dma_wait3A_435, %dma_wait3A_436] : memref<10240x128xf32, #tpu.memory_space<vmem_shared>> -> memref<10240x128xf32, #tpu.memory_space<vmem_shared>>
        tpu.wait_indirect_dma semaphore(%run_scoped3A_425 : memref<!tpu.dma_semaphore, #tpu.memory_space<semaphore_mem>>) src(%arg9 : memref<80x128xf32, #tpu.memory_space<vmem>>) dst(%dma_wait3A_437 : memref<10240x128xf32, #tpu.memory_space<vmem_shared>>)
        tpu.yield
      }) : () -> ()
      %dma_start3A_360 = arith.constant 2 : i32
      %dma_start3A_361 = arith.constant 0 : i32
      %dma_start3A_362 = arith.constant 0 : i32
      %dma_start3A_363 = tpu.memref_slice %arg8[%dma_start3A_360, %dma_start3A_361, %dma_start3A_362] : memref<3x2x80xi32, #tpu.memory_space<vmem>> -> memref<1x1x80xi32, #tpu.memory_space<vmem>>
      %dma_start3A_364 = tpu.memref_squeeze %dma_start3A_363 : memref<1x1x80xi32, #tpu.memory_space<vmem>> -> memref<80xi32, #tpu.memory_space<vmem>>
      %dma_start3A_365 = arith.constant 0 : i32
      %dma_start3A_366 = arith.constant 0 : i32
      %dma_start3A_367 = tpu.memref_slice %arg2[%dma_start3A_365, %dma_start3A_366] : memref<10240x128xf32, #tpu.memory_space<hbm>> -> memref<10240x128xf32, #tpu.memory_space<hbm>>
      tpu.enqueue_indirect_dma source(%dma_start3A_367 : memref<10240x128xf32, #tpu.memory_space<hbm>>) target(%arg11 : memref<80x128xf32, #tpu.memory_space<vmem>>) offsets(%dma_start3A_364 : memref<80xi32, #tpu.memory_space<vmem>>) semaphore(%arg18 : memref<!tpu.dma_semaphore, #tpu.memory_space<semaphore_mem>>)
      %dma_wait3A_368 = arith.constant 0 : i32
      %dma_wait3A_369 = arith.constant 0 : i32
      %dma_wait3A_370 = tpu.memref_slice %arg2[%dma_wait3A_368, %dma_wait3A_369] : memref<10240x128xf32, #tpu.memory_space<hbm>> -> memref<80x128xf32, #tpu.memory_space<hbm>>
      %dma_wait3A_371 = arith.constant 0 : i32
      %dma_wait3A_372 = arith.constant 0 : i32
      %dma_wait3A_373 = tpu.memref_slice %arg2[%dma_wait3A_371, %dma_wait3A_372] : memref<10240x128xf32, #tpu.memory_space<hbm>> -> memref<80x128xf32, #tpu.memory_space<hbm>>
      tpu.wait_dma2 semaphore(%arg17 : memref<!tpu.dma_semaphore, #tpu.memory_space<semaphore_mem>>) src(%dma_wait3A_373 : memref<80x128xf32, #tpu.memory_space<hbm>>) dst(%arg10 : memref<80x128xf32, #tpu.memory_space<vmem>>)
      %run_scoped3A_374 = arith.constant 1 : i32
      %run_scoped3A_375 = arith.constant 1 : i32
      "tpu.region"() ({
        %run_scoped3A_425 = tpu.sem_alloc : memref<!tpu.dma_semaphore, #tpu.memory_space<semaphore_mem>>
        %dma_start3A_426 = arith.constant 0 : i32
        %dma_start3A_427 = tpu.memref_slice %arg8[%run_scoped3A_374, %run_scoped3A_375, %dma_start3A_426] : memref<3x2x80xi32, #tpu.memory_space<vmem>> -> memref<1x1x80xi32, #tpu.memory_space<vmem>>
        %dma_start3A_428 = tpu.memref_squeeze %dma_start3A_427 : memref<1x1x80xi32, #tpu.memory_space<vmem>> -> memref<80xi32, #tpu.memory_space<vmem>>
        %dma_start3A_429 = arith.constant 0 : i32
        %dma_start3A_430 = arith.constant 0 : i32
        %dma_start3A_431 = tpu.memref_slice %arg12[%dma_start3A_429, %dma_start3A_430] : memref<10240x128xf32, #tpu.memory_space<vmem_shared>> -> memref<10240x128xf32, #tpu.memory_space<vmem_shared>>
        tpu.enqueue_indirect_dma source(%arg10 : memref<80x128xf32, #tpu.memory_space<vmem>>) target(%dma_start3A_431 : memref<10240x128xf32, #tpu.memory_space<vmem_shared>>) offsets(%dma_start3A_428 : memref<80xi32, #tpu.memory_space<vmem>>) semaphore(%run_scoped3A_425 : memref<!tpu.dma_semaphore, #tpu.memory_space<semaphore_mem>>) {add = true}
        %dma_wait3A_432 = arith.constant 0 : i32
        %dma_wait3A_433 = tpu.memref_slice %arg8[%run_scoped3A_374, %run_scoped3A_375, %dma_wait3A_432] : memref<3x2x80xi32, #tpu.memory_space<vmem>> -> memref<1x1x80xi32, #tpu.memory_space<vmem>>
        %dma_wait3A_434 = tpu.memref_squeeze %dma_wait3A_433 : memref<1x1x80xi32, #tpu.memory_space<vmem>> -> memref<80xi32, #tpu.memory_space<vmem>>
        %dma_wait3A_435 = arith.constant 0 : i32
        %dma_wait3A_436 = arith.constant 0 : i32
        %dma_wait3A_437 = tpu.memref_slice %arg12[%dma_wait3A_435, %dma_wait3A_436] : memref<10240x128xf32, #tpu.memory_space<vmem_shared>> -> memref<10240x128xf32, #tpu.memory_space<vmem_shared>>
        tpu.wait_indirect_dma semaphore(%run_scoped3A_425 : memref<!tpu.dma_semaphore, #tpu.memory_space<semaphore_mem>>) src(%arg10 : memref<80x128xf32, #tpu.memory_space<vmem>>) dst(%dma_wait3A_437 : memref<10240x128xf32, #tpu.memory_space<vmem_shared>>)
        tpu.yield
      }) : () -> ()
      %dma_wait3A_376 = arith.constant 0 : i32
      %dma_wait3A_377 = arith.constant 0 : i32
      %dma_wait3A_378 = arith.constant 0 : i32
      %dma_wait3A_379 = arith.constant 0 : i32
      %dma_wait3A_380 = tpu.memref_slice %arg4[%add3A, %dma_wait3A_376, %dma_wait3A_377, %dma_wait3A_378, %dma_wait3A_379] : memref<32x42x3x2x80xi32, #tpu.memory_space<hbm>> -> memref<1x1x3x2x80xi32, #tpu.memory_space<hbm>>
      %dma_wait3A_381 = tpu.memref_squeeze %dma_wait3A_380 : memref<1x1x3x2x80xi32, #tpu.memory_space<hbm>> -> memref<3x2x80xi32, #tpu.memory_space<hbm>>
      %dma_wait3A_382 = arith.constant 0 : i32
      %dma_wait3A_383 = arith.constant 0 : i32
      %dma_wait3A_384 = arith.constant 0 : i32
      %dma_wait3A_385 = tpu.memref_slice %arg4[%add3A, %dma_wait3A_376, %dma_wait3A_382, %dma_wait3A_383, %dma_wait3A_384] : memref<32x42x3x2x80xi32, #tpu.memory_space<hbm>> -> memref<1x1x3x2x80xi32, #tpu.memory_space<hbm>>
      %dma_wait3A_386 = tpu.memref_squeeze %dma_wait3A_385 : memref<1x1x3x2x80xi32, #tpu.memory_space<hbm>> -> memref<3x2x80xi32, #tpu.memory_space<hbm>>
      tpu.wait_dma2 semaphore(%arg13 : memref<!tpu.dma_semaphore, #tpu.memory_space<semaphore_mem>>) src(%dma_wait3A_386 : memref<3x2x80xi32, #tpu.memory_space<hbm>>) dst(%arg6 : memref<3x2x80xi32, #tpu.memory_space<vmem>>)
      %dma_start3A_387 = arith.constant 0 : i32
      %dma_start3A_388 = arith.constant 0 : i32
      %dma_start3A_389 = arith.constant 0 : i32
      %dma_start3A_390 = tpu.memref_slice %arg6[%dma_start3A_387, %dma_start3A_388, %dma_start3A_389] : memref<3x2x80xi32, #tpu.memory_space<vmem>> -> memref<1x1x80xi32, #tpu.memory_space<vmem>>
      %dma_start3A_391 = tpu.memref_squeeze %dma_start3A_390 : memref<1x1x80xi32, #tpu.memory_space<vmem>> -> memref<80xi32, #tpu.memory_space<vmem>>
      %dma_start3A_392 = arith.constant 0 : i32
      %dma_start3A_393 = arith.constant 0 : i32
      %dma_start3A_394 = tpu.memref_slice %arg2[%dma_start3A_392, %dma_start3A_393] : memref<10240x128xf32, #tpu.memory_space<hbm>> -> memref<10240x128xf32, #tpu.memory_space<hbm>>
      tpu.enqueue_indirect_dma source(%dma_start3A_394 : memref<10240x128xf32, #tpu.memory_space<hbm>>) target(%arg9 : memref<80x128xf32, #tpu.memory_space<vmem>>) offsets(%dma_start3A_391 : memref<80xi32, #tpu.memory_space<vmem>>) semaphore(%arg16 : memref<!tpu.dma_semaphore, #tpu.memory_space<semaphore_mem>>)
      %dma_wait3A_395 = arith.constant 0 : i32
      %dma_wait3A_396 = arith.constant 0 : i32
      %dma_wait3A_397 = tpu.memref_slice %arg2[%dma_wait3A_395, %dma_wait3A_396] : memref<10240x128xf32, #tpu.memory_space<hbm>> -> memref<80x128xf32, #tpu.memory_space<hbm>>
      %dma_wait3A_398 = arith.constant 0 : i32
      %dma_wait3A_399 = arith.constant 0 : i32
      %dma_wait3A_400 = tpu.memref_slice %arg2[%dma_wait3A_398, %dma_wait3A_399] : memref<10240x128xf32, #tpu.memory_space<hbm>> -> memref<80x128xf32, #tpu.memory_space<hbm>>
      tpu.wait_dma2 semaphore(%arg18 : memref<!tpu.dma_semaphore, #tpu.memory_space<semaphore_mem>>) src(%dma_wait3A_400 : memref<80x128xf32, #tpu.memory_space<hbm>>) dst(%arg11 : memref<80x128xf32, #tpu.memory_space<vmem>>)
      %run_scoped3A_401 = arith.constant 2 : i32
      %run_scoped3A_402 = arith.constant 1 : i32
      "tpu.region"() ({
        %run_scoped3A_425 = tpu.sem_alloc : memref<!tpu.dma_semaphore, #tpu.memory_space<semaphore_mem>>
        %dma_start3A_426 = arith.constant 0 : i32
        %dma_start3A_427 = tpu.memref_slice %arg8[%run_scoped3A_401, %run_scoped3A_402, %dma_start3A_426] : memref<3x2x80xi32, #tpu.memory_space<vmem>> -> memref<1x1x80xi32, #tpu.memory_space<vmem>>
        %dma_start3A_428 = tpu.memref_squeeze %dma_start3A_427 : memref<1x1x80xi32, #tpu.memory_space<vmem>> -> memref<80xi32, #tpu.memory_space<vmem>>
        %dma_start3A_429 = arith.constant 0 : i32
        %dma_start3A_430 = arith.constant 0 : i32
        %dma_start3A_431 = tpu.memref_slice %arg12[%dma_start3A_429, %dma_start3A_430] : memref<10240x128xf32, #tpu.memory_space<vmem_shared>> -> memref<10240x128xf32, #tpu.memory_space<vmem_shared>>
        tpu.enqueue_indirect_dma source(%arg11 : memref<80x128xf32, #tpu.memory_space<vmem>>) target(%dma_start3A_431 : memref<10240x128xf32, #tpu.memory_space<vmem_shared>>) offsets(%dma_start3A_428 : memref<80xi32, #tpu.memory_space<vmem>>) semaphore(%run_scoped3A_425 : memref<!tpu.dma_semaphore, #tpu.memory_space<semaphore_mem>>) {add = true}
        %dma_wait3A_432 = arith.constant 0 : i32
        %dma_wait3A_433 = tpu.memref_slice %arg8[%run_scoped3A_401, %run_scoped3A_402, %dma_wait3A_432] : memref<3x2x80xi32, #tpu.memory_space<vmem>> -> memref<1x1x80xi32, #tpu.memory_space<vmem>>
        %dma_wait3A_434 = tpu.memref_squeeze %dma_wait3A_433 : memref<1x1x80xi32, #tpu.memory_space<vmem>> -> memref<80xi32, #tpu.memory_space<vmem>>
        %dma_wait3A_435 = arith.constant 0 : i32
        %dma_wait3A_436 = arith.constant 0 : i32
        %dma_wait3A_437 = tpu.memref_slice %arg12[%dma_wait3A_435, %dma_wait3A_436] : memref<10240x128xf32, #tpu.memory_space<vmem_shared>> -> memref<10240x128xf32, #tpu.memory_space<vmem_shared>>
        tpu.wait_indirect_dma semaphore(%run_scoped3A_425 : memref<!tpu.dma_semaphore, #tpu.memory_space<semaphore_mem>>) src(%arg11 : memref<80x128xf32, #tpu.memory_space<vmem>>) dst(%dma_wait3A_437 : memref<10240x128xf32, #tpu.memory_space<vmem_shared>>)
        tpu.yield
      }) : () -> ()
      %add3A_403 = arith.constant 3 : i32
      %add3A_404 = arith.addi %mul3A_205, %add3A_403 : i32
      %add3A_405 = arith.constant 2 : i32
      %add3A_406 = arith.addi %add3A_404, %add3A_405 : i32
      %dma_start3A_407 = arith.constant 0 : i32
      %dma_start3A_408 = arith.constant 0 : i32
      %dma_start3A_409 = arith.constant 0 : i32
      %dma_start3A_410 = tpu.memref_slice %arg4[%add3A, %add3A_406, %dma_start3A_407, %dma_start3A_408, %dma_start3A_409] : memref<32x42x3x2x80xi32, #tpu.memory_space<hbm>> -> memref<1x1x3x2x80xi32, #tpu.memory_space<hbm>>
      %dma_start3A_411 = tpu.memref_squeeze %dma_start3A_410 : memref<1x1x3x2x80xi32, #tpu.memory_space<hbm>> -> memref<3x2x80xi32, #tpu.memory_space<hbm>>
      %dma_start3A_412 = arith.constant 0 : i32
      %dma_start3A_413 = arith.constant 0 : i32
      %dma_start3A_414 = arith.constant 0 : i32
      %dma_start3A_415 = tpu.memref_slice %arg4[%add3A, %add3A_406, %dma_start3A_412, %dma_start3A_413, %dma_start3A_414] : memref<32x42x3x2x80xi32, #tpu.memory_space<hbm>> -> memref<1x1x3x2x80xi32, #tpu.memory_space<hbm>>
      %dma_start3A_416 = tpu.memref_squeeze %dma_start3A_415 : memref<1x1x3x2x80xi32, #tpu.memory_space<hbm>> -> memref<3x2x80xi32, #tpu.memory_space<hbm>>
      tpu.enqueue_dma source(%dma_start3A_416 : memref<3x2x80xi32, #tpu.memory_space<hbm>>) target(%arg8 : memref<3x2x80xi32, #tpu.memory_space<vmem>>) target_semaphore(%arg15 : memref<!tpu.dma_semaphore, #tpu.memory_space<semaphore_mem>>)
      %dma_start3A_417 = arith.constant 1 : i32
      %dma_start3A_418 = arith.constant 0 : i32
      %dma_start3A_419 = arith.constant 0 : i32
      %dma_start3A_420 = tpu.memref_slice %arg6[%dma_start3A_417, %dma_start3A_418, %dma_start3A_419] : memref<3x2x80xi32, #tpu.memory_space<vmem>> -> memref<1x1x80xi32, #tpu.memory_space<vmem>>
      %dma_start3A_421 = tpu.memref_squeeze %dma_start3A_420 : memref<1x1x80xi32, #tpu.memory_space<vmem>> -> memref<80xi32, #tpu.memory_space<vmem>>
      %dma_start3A_422 = arith.constant 0 : i32
      %dma_start3A_423 = arith.constant 0 : i32
      %dma_start3A_424 = tpu.memref_slice %arg2[%dma_start3A_422, %dma_start3A_423] : memref<10240x128xf32, #tpu.memory_space<hbm>> -> memref<10240x128xf32, #tpu.memory_space<hbm>>
      tpu.enqueue_indirect_dma source(%dma_start3A_424 : memref<10240x128xf32, #tpu.memory_space<hbm>>) target(%arg10 : memref<80x128xf32, #tpu.memory_space<vmem>>) offsets(%dma_start3A_421 : memref<80xi32, #tpu.memory_space<vmem>>) semaphore(%arg17 : memref<!tpu.dma_semaphore, #tpu.memory_space<semaphore_mem>>)
    }
    %scan3A_64 = arith.constant 13 : i32
    %dma_wait3A_65 = arith.constant 0 : i32
    %dma_wait3A_66 = arith.constant 0 : i32
    %dma_wait3A_67 = tpu.memref_slice %arg2[%dma_wait3A_65, %dma_wait3A_66] : memref<10240x128xf32, #tpu.memory_space<hbm>> -> memref<80x128xf32, #tpu.memory_space<hbm>>
    %dma_wait3A_68 = arith.constant 0 : i32
    %dma_wait3A_69 = arith.constant 0 : i32
    %dma_wait3A_70 = tpu.memref_slice %arg2[%dma_wait3A_68, %dma_wait3A_69] : memref<10240x128xf32, #tpu.memory_space<hbm>> -> memref<80x128xf32, #tpu.memory_space<hbm>>
    tpu.wait_dma2 semaphore(%arg16 : memref<!tpu.dma_semaphore, #tpu.memory_space<semaphore_mem>>) src(%dma_wait3A_70 : memref<80x128xf32, #tpu.memory_space<hbm>>) dst(%arg9 : memref<80x128xf32, #tpu.memory_space<vmem>>)
    %run_scoped3A = arith.constant 0 : i32
    %run_scoped3A_71 = arith.constant 1 : i32
    "tpu.region"() ({
      %run_scoped3A_199 = tpu.sem_alloc : memref<!tpu.dma_semaphore, #tpu.memory_space<semaphore_mem>>
      %dma_start3A_200 = arith.constant 0 : i32
      %dma_start3A_201 = tpu.memref_slice %arg6[%run_scoped3A, %run_scoped3A_71, %dma_start3A_200] : memref<3x2x80xi32, #tpu.memory_space<vmem>> -> memref<1x1x80xi32, #tpu.memory_space<vmem>>
      %dma_start3A_202 = tpu.memref_squeeze %dma_start3A_201 : memref<1x1x80xi32, #tpu.memory_space<vmem>> -> memref<80xi32, #tpu.memory_space<vmem>>
      %dma_start3A_203 = arith.constant 0 : i32
      %dma_start3A_204 = arith.constant 0 : i32
      %dma_start3A_205 = tpu.memref_slice %arg12[%dma_start3A_203, %dma_start3A_204] : memref<10240x128xf32, #tpu.memory_space<vmem_shared>> -> memref<10240x128xf32, #tpu.memory_space<vmem_shared>>
      tpu.enqueue_indirect_dma source(%arg9 : memref<80x128xf32, #tpu.memory_space<vmem>>) target(%dma_start3A_205 : memref<10240x128xf32, #tpu.memory_space<vmem_shared>>) offsets(%dma_start3A_202 : memref<80xi32, #tpu.memory_space<vmem>>) semaphore(%run_scoped3A_199 : memref<!tpu.dma_semaphore, #tpu.memory_space<semaphore_mem>>) {add = true}
      %dma_wait3A_206 = arith.constant 0 : i32
      %dma_wait3A_207 = tpu.memref_slice %arg6[%run_scoped3A, %run_scoped3A_71, %dma_wait3A_206] : memref<3x2x80xi32, #tpu.memory_space<vmem>> -> memref<1x1x80xi32, #tpu.memory_space<vmem>>
      %dma_wait3A_208 = tpu.memref_squeeze %dma_wait3A_207 : memref<1x1x80xi32, #tpu.memory_space<vmem>> -> memref<80xi32, #tpu.memory_space<vmem>>
      %dma_wait3A_209 = arith.constant 0 : i32
      %dma_wait3A_210 = arith.constant 0 : i32
      %dma_wait3A_211 = tpu.memref_slice %arg12[%dma_wait3A_209, %dma_wait3A_210] : memref<10240x128xf32, #tpu.memory_space<vmem_shared>> -> memref<10240x128xf32, #tpu.memory_space<vmem_shared>>
      tpu.wait_indirect_dma semaphore(%run_scoped3A_199 : memref<!tpu.dma_semaphore, #tpu.memory_space<semaphore_mem>>) src(%arg9 : memref<80x128xf32, #tpu.memory_space<vmem>>) dst(%dma_wait3A_211 : memref<10240x128xf32, #tpu.memory_space<vmem_shared>>)
      tpu.yield
    }) : () -> ()
    %dma_start3A_72 = arith.constant 2 : i32
    %dma_start3A_73 = arith.constant 0 : i32
    %dma_start3A_74 = arith.constant 0 : i32
    %dma_start3A_75 = tpu.memref_slice %arg6[%dma_start3A_72, %dma_start3A_73, %dma_start3A_74] : memref<3x2x80xi32, #tpu.memory_space<vmem>> -> memref<1x1x80xi32, #tpu.memory_space<vmem>>
    %dma_start3A_76 = tpu.memref_squeeze %dma_start3A_75 : memref<1x1x80xi32, #tpu.memory_space<vmem>> -> memref<80xi32, #tpu.memory_space<vmem>>
    %dma_start3A_77 = arith.constant 0 : i32
    %dma_start3A_78 = arith.constant 0 : i32
    %dma_start3A_79 = tpu.memref_slice %arg2[%dma_start3A_77, %dma_start3A_78] : memref<10240x128xf32, #tpu.memory_space<hbm>> -> memref<10240x128xf32, #tpu.memory_space<hbm>>
    tpu.enqueue_indirect_dma source(%dma_start3A_79 : memref<10240x128xf32, #tpu.memory_space<hbm>>) target(%arg11 : memref<80x128xf32, #tpu.memory_space<vmem>>) offsets(%dma_start3A_76 : memref<80xi32, #tpu.memory_space<vmem>>) semaphore(%arg18 : memref<!tpu.dma_semaphore, #tpu.memory_space<semaphore_mem>>)
    %dma_wait3A_80 = arith.constant 0 : i32
    %dma_wait3A_81 = arith.constant 0 : i32
    %dma_wait3A_82 = tpu.memref_slice %arg2[%dma_wait3A_80, %dma_wait3A_81] : memref<10240x128xf32, #tpu.memory_space<hbm>> -> memref<80x128xf32, #tpu.memory_space<hbm>>
    %dma_wait3A_83 = arith.constant 0 : i32
    %dma_wait3A_84 = arith.constant 0 : i32
    %dma_wait3A_85 = tpu.memref_slice %arg2[%dma_wait3A_83, %dma_wait3A_84] : memref<10240x128xf32, #tpu.memory_space<hbm>> -> memref<80x128xf32, #tpu.memory_space<hbm>>
    tpu.wait_dma2 semaphore(%arg17 : memref<!tpu.dma_semaphore, #tpu.memory_space<semaphore_mem>>) src(%dma_wait3A_85 : memref<80x128xf32, #tpu.memory_space<hbm>>) dst(%arg10 : memref<80x128xf32, #tpu.memory_space<vmem>>)
    %run_scoped3A_86 = arith.constant 1 : i32
    %run_scoped3A_87 = arith.constant 1 : i32
    "tpu.region"() ({
      %run_scoped3A_199 = tpu.sem_alloc : memref<!tpu.dma_semaphore, #tpu.memory_space<semaphore_mem>>
      %dma_start3A_200 = arith.constant 0 : i32
      %dma_start3A_201 = tpu.memref_slice %arg6[%run_scoped3A_86, %run_scoped3A_87, %dma_start3A_200] : memref<3x2x80xi32, #tpu.memory_space<vmem>> -> memref<1x1x80xi32, #tpu.memory_space<vmem>>
      %dma_start3A_202 = tpu.memref_squeeze %dma_start3A_201 : memref<1x1x80xi32, #tpu.memory_space<vmem>> -> memref<80xi32, #tpu.memory_space<vmem>>
      %dma_start3A_203 = arith.constant 0 : i32
      %dma_start3A_204 = arith.constant 0 : i32
      %dma_start3A_205 = tpu.memref_slice %arg12[%dma_start3A_203, %dma_start3A_204] : memref<10240x128xf32, #tpu.memory_space<vmem_shared>> -> memref<10240x128xf32, #tpu.memory_space<vmem_shared>>
      tpu.enqueue_indirect_dma source(%arg10 : memref<80x128xf32, #tpu.memory_space<vmem>>) target(%dma_start3A_205 : memref<10240x128xf32, #tpu.memory_space<vmem_shared>>) offsets(%dma_start3A_202 : memref<80xi32, #tpu.memory_space<vmem>>) semaphore(%run_scoped3A_199 : memref<!tpu.dma_semaphore, #tpu.memory_space<semaphore_mem>>) {add = true}
      %dma_wait3A_206 = arith.constant 0 : i32
      %dma_wait3A_207 = tpu.memref_slice %arg6[%run_scoped3A_86, %run_scoped3A_87, %dma_wait3A_206] : memref<3x2x80xi32, #tpu.memory_space<vmem>> -> memref<1x1x80xi32, #tpu.memory_space<vmem>>
      %dma_wait3A_208 = tpu.memref_squeeze %dma_wait3A_207 : memref<1x1x80xi32, #tpu.memory_space<vmem>> -> memref<80xi32, #tpu.memory_space<vmem>>
      %dma_wait3A_209 = arith.constant 0 : i32
      %dma_wait3A_210 = arith.constant 0 : i32
      %dma_wait3A_211 = tpu.memref_slice %arg12[%dma_wait3A_209, %dma_wait3A_210] : memref<10240x128xf32, #tpu.memory_space<vmem_shared>> -> memref<10240x128xf32, #tpu.memory_space<vmem_shared>>
      tpu.wait_indirect_dma semaphore(%run_scoped3A_199 : memref<!tpu.dma_semaphore, #tpu.memory_space<semaphore_mem>>) src(%arg10 : memref<80x128xf32, #tpu.memory_space<vmem>>) dst(%dma_wait3A_211 : memref<10240x128xf32, #tpu.memory_space<vmem_shared>>)
      tpu.yield
    }) : () -> ()
    %dma_wait3A_88 = arith.constant 0 : i32
    %dma_wait3A_89 = arith.constant 0 : i32
    %dma_wait3A_90 = arith.constant 0 : i32
    %dma_wait3A_91 = arith.constant 0 : i32
    %dma_wait3A_92 = tpu.memref_slice %arg4[%add3A, %dma_wait3A_88, %dma_wait3A_89, %dma_wait3A_90, %dma_wait3A_91] : memref<32x42x3x2x80xi32, #tpu.memory_space<hbm>> -> memref<1x1x3x2x80xi32, #tpu.memory_space<hbm>>
    %dma_wait3A_93 = tpu.memref_squeeze %dma_wait3A_92 : memref<1x1x3x2x80xi32, #tpu.memory_space<hbm>> -> memref<3x2x80xi32, #tpu.memory_space<hbm>>
    %dma_wait3A_94 = arith.constant 0 : i32
    %dma_wait3A_95 = arith.constant 0 : i32
    %dma_wait3A_96 = arith.constant 0 : i32
    %dma_wait3A_97 = tpu.memref_slice %arg4[%add3A, %dma_wait3A_88, %dma_wait3A_94, %dma_wait3A_95, %dma_wait3A_96] : memref<32x42x3x2x80xi32, #tpu.memory_space<hbm>> -> memref<1x1x3x2x80xi32, #tpu.memory_space<hbm>>
    %dma_wait3A_98 = tpu.memref_squeeze %dma_wait3A_97 : memref<1x1x3x2x80xi32, #tpu.memory_space<hbm>> -> memref<3x2x80xi32, #tpu.memory_space<hbm>>
    tpu.wait_dma2 semaphore(%arg14 : memref<!tpu.dma_semaphore, #tpu.memory_space<semaphore_mem>>) src(%dma_wait3A_98 : memref<3x2x80xi32, #tpu.memory_space<hbm>>) dst(%arg7 : memref<3x2x80xi32, #tpu.memory_space<vmem>>)
    %dma_start3A_99 = arith.constant 0 : i32
    %dma_start3A_100 = arith.constant 0 : i32
    %dma_start3A_101 = arith.constant 0 : i32
    %dma_start3A_102 = tpu.memref_slice %arg7[%dma_start3A_99, %dma_start3A_100, %dma_start3A_101] : memref<3x2x80xi32, #tpu.memory_space<vmem>> -> memref<1x1x80xi32, #tpu.memory_space<vmem>>
    %dma_start3A_103 = tpu.memref_squeeze %dma_start3A_102 : memref<1x1x80xi32, #tpu.memory_space<vmem>> -> memref<80xi32, #tpu.memory_space<vmem>>
    %dma_start3A_104 = arith.constant 0 : i32
    %dma_start3A_105 = arith.constant 0 : i32
    %dma_start3A_106 = tpu.memref_slice %arg2[%dma_start3A_104, %dma_start3A_105] : memref<10240x128xf32, #tpu.memory_space<hbm>> -> memref<10240x128xf32, #tpu.memory_space<hbm>>
    tpu.enqueue_indirect_dma source(%dma_start3A_106 : memref<10240x128xf32, #tpu.memory_space<hbm>>) target(%arg9 : memref<80x128xf32, #tpu.memory_space<vmem>>) offsets(%dma_start3A_103 : memref<80xi32, #tpu.memory_space<vmem>>) semaphore(%arg16 : memref<!tpu.dma_semaphore, #tpu.memory_space<semaphore_mem>>)
    %dma_wait3A_107 = arith.constant 0 : i32
    %dma_wait3A_108 = arith.constant 0 : i32
    %dma_wait3A_109 = tpu.memref_slice %arg2[%dma_wait3A_107, %dma_wait3A_108] : memref<10240x128xf32, #tpu.memory_space<hbm>> -> memref<80x128xf32, #tpu.memory_space<hbm>>
    %dma_wait3A_110 = arith.constant 0 : i32
    %dma_wait3A_111 = arith.constant 0 : i32
    %dma_wait3A_112 = tpu.memref_slice %arg2[%dma_wait3A_110, %dma_wait3A_111] : memref<10240x128xf32, #tpu.memory_space<hbm>> -> memref<80x128xf32, #tpu.memory_space<hbm>>
    tpu.wait_dma2 semaphore(%arg18 : memref<!tpu.dma_semaphore, #tpu.memory_space<semaphore_mem>>) src(%dma_wait3A_112 : memref<80x128xf32, #tpu.memory_space<hbm>>) dst(%arg11 : memref<80x128xf32, #tpu.memory_space<vmem>>)
    %run_scoped3A_113 = arith.constant 2 : i32
    %run_scoped3A_114 = arith.constant 1 : i32
    "tpu.region"() ({
      %run_scoped3A_199 = tpu.sem_alloc : memref<!tpu.dma_semaphore, #tpu.memory_space<semaphore_mem>>
      %dma_start3A_200 = arith.constant 0 : i32
      %dma_start3A_201 = tpu.memref_slice %arg6[%run_scoped3A_113, %run_scoped3A_114, %dma_start3A_200] : memref<3x2x80xi32, #tpu.memory_space<vmem>> -> memref<1x1x80xi32, #tpu.memory_space<vmem>>
      %dma_start3A_202 = tpu.memref_squeeze %dma_start3A_201 : memref<1x1x80xi32, #tpu.memory_space<vmem>> -> memref<80xi32, #tpu.memory_space<vmem>>
      %dma_start3A_203 = arith.constant 0 : i32
      %dma_start3A_204 = arith.constant 0 : i32
      %dma_start3A_205 = tpu.memref_slice %arg12[%dma_start3A_203, %dma_start3A_204] : memref<10240x128xf32, #tpu.memory_space<vmem_shared>> -> memref<10240x128xf32, #tpu.memory_space<vmem_shared>>
      tpu.enqueue_indirect_dma source(%arg11 : memref<80x128xf32, #tpu.memory_space<vmem>>) target(%dma_start3A_205 : memref<10240x128xf32, #tpu.memory_space<vmem_shared>>) offsets(%dma_start3A_202 : memref<80xi32, #tpu.memory_space<vmem>>) semaphore(%run_scoped3A_199 : memref<!tpu.dma_semaphore, #tpu.memory_space<semaphore_mem>>) {add = true}
      %dma_wait3A_206 = arith.constant 0 : i32
      %dma_wait3A_207 = tpu.memref_slice %arg6[%run_scoped3A_113, %run_scoped3A_114, %dma_wait3A_206] : memref<3x2x80xi32, #tpu.memory_space<vmem>> -> memref<1x1x80xi32, #tpu.memory_space<vmem>>
      %dma_wait3A_208 = tpu.memref_squeeze %dma_wait3A_207 : memref<1x1x80xi32, #tpu.memory_space<vmem>> -> memref<80xi32, #tpu.memory_space<vmem>>
      %dma_wait3A_209 = arith.constant 0 : i32
      %dma_wait3A_210 = arith.constant 0 : i32
      %dma_wait3A_211 = tpu.memref_slice %arg12[%dma_wait3A_209, %dma_wait3A_210] : memref<10240x128xf32, #tpu.memory_space<vmem_shared>> -> memref<10240x128xf32, #tpu.memory_space<vmem_shared>>
      tpu.wait_indirect_dma semaphore(%run_scoped3A_199 : memref<!tpu.dma_semaphore, #tpu.memory_space<semaphore_mem>>) src(%arg11 : memref<80x128xf32, #tpu.memory_space<vmem>>) dst(%dma_wait3A_211 : memref<10240x128xf32, #tpu.memory_space<vmem_shared>>)
      tpu.yield
    }) : () -> ()
    %dma_start3A_115 = arith.constant 1 : i32
    %dma_start3A_116 = arith.constant 0 : i32
    %dma_start3A_117 = arith.constant 0 : i32
    %dma_start3A_118 = tpu.memref_slice %arg7[%dma_start3A_115, %dma_start3A_116, %dma_start3A_117] : memref<3x2x80xi32, #tpu.memory_space<vmem>> -> memref<1x1x80xi32, #tpu.memory_space<vmem>>
    %dma_start3A_119 = tpu.memref_squeeze %dma_start3A_118 : memref<1x1x80xi32, #tpu.memory_space<vmem>> -> memref<80xi32, #tpu.memory_space<vmem>>
    %dma_start3A_120 = arith.constant 0 : i32
    %dma_start3A_121 = arith.constant 0 : i32
    %dma_start3A_122 = tpu.memref_slice %arg2[%dma_start3A_120, %dma_start3A_121] : memref<10240x128xf32, #tpu.memory_space<hbm>> -> memref<10240x128xf32, #tpu.memory_space<hbm>>
    tpu.enqueue_indirect_dma source(%dma_start3A_122 : memref<10240x128xf32, #tpu.memory_space<hbm>>) target(%arg10 : memref<80x128xf32, #tpu.memory_space<vmem>>) offsets(%dma_start3A_119 : memref<80xi32, #tpu.memory_space<vmem>>) semaphore(%arg17 : memref<!tpu.dma_semaphore, #tpu.memory_space<semaphore_mem>>)
    %dma_wait3A_123 = arith.constant 0 : i32
    %dma_wait3A_124 = arith.constant 0 : i32
    %dma_wait3A_125 = tpu.memref_slice %arg2[%dma_wait3A_123, %dma_wait3A_124] : memref<10240x128xf32, #tpu.memory_space<hbm>> -> memref<80x128xf32, #tpu.memory_space<hbm>>
    %dma_wait3A_126 = arith.constant 0 : i32
    %dma_wait3A_127 = arith.constant 0 : i32
    %dma_wait3A_128 = tpu.memref_slice %arg2[%dma_wait3A_126, %dma_wait3A_127] : memref<10240x128xf32, #tpu.memory_space<hbm>> -> memref<80x128xf32, #tpu.memory_space<hbm>>
    tpu.wait_dma2 semaphore(%arg16 : memref<!tpu.dma_semaphore, #tpu.memory_space<semaphore_mem>>) src(%dma_wait3A_128 : memref<80x128xf32, #tpu.memory_space<hbm>>) dst(%arg9 : memref<80x128xf32, #tpu.memory_space<vmem>>)
    %run_scoped3A_129 = arith.constant 0 : i32
    %run_scoped3A_130 = arith.constant 1 : i32
    "tpu.region"() ({
      %run_scoped3A_199 = tpu.sem_alloc : memref<!tpu.dma_semaphore, #tpu.memory_space<semaphore_mem>>
      %dma_start3A_200 = arith.constant 0 : i32
      %dma_start3A_201 = tpu.memref_slice %arg7[%run_scoped3A_129, %run_scoped3A_130, %dma_start3A_200] : memref<3x2x80xi32, #tpu.memory_space<vmem>> -> memref<1x1x80xi32, #tpu.memory_space<vmem>>
      %dma_start3A_202 = tpu.memref_squeeze %dma_start3A_201 : memref<1x1x80xi32, #tpu.memory_space<vmem>> -> memref<80xi32, #tpu.memory_space<vmem>>
      %dma_start3A_203 = arith.constant 0 : i32
      %dma_start3A_204 = arith.constant 0 : i32
      %dma_start3A_205 = tpu.memref_slice %arg12[%dma_start3A_203, %dma_start3A_204] : memref<10240x128xf32, #tpu.memory_space<vmem_shared>> -> memref<10240x128xf32, #tpu.memory_space<vmem_shared>>
      tpu.enqueue_indirect_dma source(%arg9 : memref<80x128xf32, #tpu.memory_space<vmem>>) target(%dma_start3A_205 : memref<10240x128xf32, #tpu.memory_space<vmem_shared>>) offsets(%dma_start3A_202 : memref<80xi32, #tpu.memory_space<vmem>>) semaphore(%run_scoped3A_199 : memref<!tpu.dma_semaphore, #tpu.memory_space<semaphore_mem>>) {add = true}
      %dma_wait3A_206 = arith.constant 0 : i32
      %dma_wait3A_207 = tpu.memref_slice %arg7[%run_scoped3A_129, %run_scoped3A_130, %dma_wait3A_206] : memref<3x2x80xi32, #tpu.memory_space<vmem>> -> memref<1x1x80xi32, #tpu.memory_space<vmem>>
      %dma_wait3A_208 = tpu.memref_squeeze %dma_wait3A_207 : memref<1x1x80xi32, #tpu.memory_space<vmem>> -> memref<80xi32, #tpu.memory_space<vmem>>
      %dma_wait3A_209 = arith.constant 0 : i32
      %dma_wait3A_210 = arith.constant 0 : i32
      %dma_wait3A_211 = tpu.memref_slice %arg12[%dma_wait3A_209, %dma_wait3A_210] : memref<10240x128xf32, #tpu.memory_space<vmem_shared>> -> memref<10240x128xf32, #tpu.memory_space<vmem_shared>>
      tpu.wait_indirect_dma semaphore(%run_scoped3A_199 : memref<!tpu.dma_semaphore, #tpu.memory_space<semaphore_mem>>) src(%arg9 : memref<80x128xf32, #tpu.memory_space<vmem>>) dst(%dma_wait3A_211 : memref<10240x128xf32, #tpu.memory_space<vmem_shared>>)
      tpu.yield
    }) : () -> ()
    %dma_start3A_131 = arith.constant 2 : i32
    %dma_start3A_132 = arith.constant 0 : i32
    %dma_start3A_133 = arith.constant 0 : i32
    %dma_start3A_134 = tpu.memref_slice %arg7[%dma_start3A_131, %dma_start3A_132, %dma_start3A_133] : memref<3x2x80xi32, #tpu.memory_space<vmem>> -> memref<1x1x80xi32, #tpu.memory_space<vmem>>
    %dma_start3A_135 = tpu.memref_squeeze %dma_start3A_134 : memref<1x1x80xi32, #tpu.memory_space<vmem>> -> memref<80xi32, #tpu.memory_space<vmem>>
    %dma_start3A_136 = arith.constant 0 : i32
    %dma_start3A_137 = arith.constant 0 : i32
    %dma_start3A_138 = tpu.memref_slice %arg2[%dma_start3A_136, %dma_start3A_137] : memref<10240x128xf32, #tpu.memory_space<hbm>> -> memref<10240x128xf32, #tpu.memory_space<hbm>>
    tpu.enqueue_indirect_dma source(%dma_start3A_138 : memref<10240x128xf32, #tpu.memory_space<hbm>>) target(%arg11 : memref<80x128xf32, #tpu.memory_space<vmem>>) offsets(%dma_start3A_135 : memref<80xi32, #tpu.memory_space<vmem>>) semaphore(%arg18 : memref<!tpu.dma_semaphore, #tpu.memory_space<semaphore_mem>>)
    %dma_wait3A_139 = arith.constant 0 : i32
    %dma_wait3A_140 = arith.constant 0 : i32
    %dma_wait3A_141 = tpu.memref_slice %arg2[%dma_wait3A_139, %dma_wait3A_140] : memref<10240x128xf32, #tpu.memory_space<hbm>> -> memref<80x128xf32, #tpu.memory_space<hbm>>
    %dma_wait3A_142 = arith.constant 0 : i32
    %dma_wait3A_143 = arith.constant 0 : i32
    %dma_wait3A_144 = tpu.memref_slice %arg2[%dma_wait3A_142, %dma_wait3A_143] : memref<10240x128xf32, #tpu.memory_space<hbm>> -> memref<80x128xf32, #tpu.memory_space<hbm>>
    tpu.wait_dma2 semaphore(%arg17 : memref<!tpu.dma_semaphore, #tpu.memory_space<semaphore_mem>>) src(%dma_wait3A_144 : memref<80x128xf32, #tpu.memory_space<hbm>>) dst(%arg10 : memref<80x128xf32, #tpu.memory_space<vmem>>)
    %run_scoped3A_145 = arith.constant 1 : i32
    %run_scoped3A_146 = arith.constant 1 : i32
    "tpu.region"() ({
      %run_scoped3A_199 = tpu.sem_alloc : memref<!tpu.dma_semaphore, #tpu.memory_space<semaphore_mem>>
      %dma_start3A_200 = arith.constant 0 : i32
      %dma_start3A_201 = tpu.memref_slice %arg7[%run_scoped3A_145, %run_scoped3A_146, %dma_start3A_200] : memref<3x2x80xi32, #tpu.memory_space<vmem>> -> memref<1x1x80xi32, #tpu.memory_space<vmem>>
      %dma_start3A_202 = tpu.memref_squeeze %dma_start3A_201 : memref<1x1x80xi32, #tpu.memory_space<vmem>> -> memref<80xi32, #tpu.memory_space<vmem>>
      %dma_start3A_203 = arith.constant 0 : i32
      %dma_start3A_204 = arith.constant 0 : i32
      %dma_start3A_205 = tpu.memref_slice %arg12[%dma_start3A_203, %dma_start3A_204] : memref<10240x128xf32, #tpu.memory_space<vmem_shared>> -> memref<10240x128xf32, #tpu.memory_space<vmem_shared>>
      tpu.enqueue_indirect_dma source(%arg10 : memref<80x128xf32, #tpu.memory_space<vmem>>) target(%dma_start3A_205 : memref<10240x128xf32, #tpu.memory_space<vmem_shared>>) offsets(%dma_start3A_202 : memref<80xi32, #tpu.memory_space<vmem>>) semaphore(%run_scoped3A_199 : memref<!tpu.dma_semaphore, #tpu.memory_space<semaphore_mem>>) {add = true}
      %dma_wait3A_206 = arith.constant 0 : i32
      %dma_wait3A_207 = tpu.memref_slice %arg7[%run_scoped3A_145, %run_scoped3A_146, %dma_wait3A_206] : memref<3x2x80xi32, #tpu.memory_space<vmem>> -> memref<1x1x80xi32, #tpu.memory_space<vmem>>
      %dma_wait3A_208 = tpu.memref_squeeze %dma_wait3A_207 : memref<1x1x80xi32, #tpu.memory_space<vmem>> -> memref<80xi32, #tpu.memory_space<vmem>>
      %dma_wait3A_209 = arith.constant 0 : i32
      %dma_wait3A_210 = arith.constant 0 : i32
      %dma_wait3A_211 = tpu.memref_slice %arg12[%dma_wait3A_209, %dma_wait3A_210] : memref<10240x128xf32, #tpu.memory_space<vmem_shared>> -> memref<10240x128xf32, #tpu.memory_space<vmem_shared>>
      tpu.wait_indirect_dma semaphore(%run_scoped3A_199 : memref<!tpu.dma_semaphore, #tpu.memory_space<semaphore_mem>>) src(%arg10 : memref<80x128xf32, #tpu.memory_space<vmem>>) dst(%dma_wait3A_211 : memref<10240x128xf32, #tpu.memory_space<vmem_shared>>)
      tpu.yield
    }) : () -> ()
    %dma_wait3A_147 = arith.constant 0 : i32
    %dma_wait3A_148 = arith.constant 0 : i32
    %dma_wait3A_149 = arith.constant 0 : i32
    %dma_wait3A_150 = arith.constant 0 : i32
    %dma_wait3A_151 = tpu.memref_slice %arg4[%add3A, %dma_wait3A_147, %dma_wait3A_148, %dma_wait3A_149, %dma_wait3A_150] : memref<32x42x3x2x80xi32, #tpu.memory_space<hbm>> -> memref<1x1x3x2x80xi32, #tpu.memory_space<hbm>>
    %dma_wait3A_152 = tpu.memref_squeeze %dma_wait3A_151 : memref<1x1x3x2x80xi32, #tpu.memory_space<hbm>> -> memref<3x2x80xi32, #tpu.memory_space<hbm>>
    %dma_wait3A_153 = arith.constant 0 : i32
    %dma_wait3A_154 = arith.constant 0 : i32
    %dma_wait3A_155 = arith.constant 0 : i32
    %dma_wait3A_156 = tpu.memref_slice %arg4[%add3A, %dma_wait3A_147, %dma_wait3A_153, %dma_wait3A_154, %dma_wait3A_155] : memref<32x42x3x2x80xi32, #tpu.memory_space<hbm>> -> memref<1x1x3x2x80xi32, #tpu.memory_space<hbm>>
    %dma_wait3A_157 = tpu.memref_squeeze %dma_wait3A_156 : memref<1x1x3x2x80xi32, #tpu.memory_space<hbm>> -> memref<3x2x80xi32, #tpu.memory_space<hbm>>
    tpu.wait_dma2 semaphore(%arg15 : memref<!tpu.dma_semaphore, #tpu.memory_space<semaphore_mem>>) src(%dma_wait3A_157 : memref<3x2x80xi32, #tpu.memory_space<hbm>>) dst(%arg8 : memref<3x2x80xi32, #tpu.memory_space<vmem>>)
    %dma_start3A_158 = arith.constant 0 : i32
    %dma_start3A_159 = arith.constant 0 : i32
    %dma_start3A_160 = arith.constant 0 : i32
    %dma_start3A_161 = tpu.memref_slice %arg8[%dma_start3A_158, %dma_start3A_159, %dma_start3A_160] : memref<3x2x80xi32, #tpu.memory_space<vmem>> -> memref<1x1x80xi32, #tpu.memory_space<vmem>>
    %dma_start3A_162 = tpu.memref_squeeze %dma_start3A_161 : memref<1x1x80xi32, #tpu.memory_space<vmem>> -> memref<80xi32, #tpu.memory_space<vmem>>
    %dma_start3A_163 = arith.constant 0 : i32
    %dma_start3A_164 = arith.constant 0 : i32
    %dma_start3A_165 = tpu.memref_slice %arg2[%dma_start3A_163, %dma_start3A_164] : memref<10240x128xf32, #tpu.memory_space<hbm>> -> memref<10240x128xf32, #tpu.memory_space<hbm>>
    tpu.enqueue_indirect_dma source(%dma_start3A_165 : memref<10240x128xf32, #tpu.memory_space<hbm>>) target(%arg9 : memref<80x128xf32, #tpu.memory_space<vmem>>) offsets(%dma_start3A_162 : memref<80xi32, #tpu.memory_space<vmem>>) semaphore(%arg16 : memref<!tpu.dma_semaphore, #tpu.memory_space<semaphore_mem>>)
    %dma_wait3A_166 = arith.constant 0 : i32
    %dma_wait3A_167 = arith.constant 0 : i32
    %dma_wait3A_168 = tpu.memref_slice %arg2[%dma_wait3A_166, %dma_wait3A_167] : memref<10240x128xf32, #tpu.memory_space<hbm>> -> memref<80x128xf32, #tpu.memory_space<hbm>>
    %dma_wait3A_169 = arith.constant 0 : i32
    %dma_wait3A_170 = arith.constant 0 : i32
    %dma_wait3A_171 = tpu.memref_slice %arg2[%dma_wait3A_169, %dma_wait3A_170] : memref<10240x128xf32, #tpu.memory_space<hbm>> -> memref<80x128xf32, #tpu.memory_space<hbm>>
    tpu.wait_dma2 semaphore(%arg18 : memref<!tpu.dma_semaphore, #tpu.memory_space<semaphore_mem>>) src(%dma_wait3A_171 : memref<80x128xf32, #tpu.memory_space<hbm>>) dst(%arg11 : memref<80x128xf32, #tpu.memory_space<vmem>>)
    %run_scoped3A_172 = arith.constant 2 : i32
    %run_scoped3A_173 = arith.constant 1 : i32
    "tpu.region"() ({
      %run_scoped3A_199 = tpu.sem_alloc : memref<!tpu.dma_semaphore, #tpu.memory_space<semaphore_mem>>
      %dma_start3A_200 = arith.constant 0 : i32
      %dma_start3A_201 = tpu.memref_slice %arg7[%run_scoped3A_172, %run_scoped3A_173, %dma_start3A_200] : memref<3x2x80xi32, #tpu.memory_space<vmem>> -> memref<1x1x80xi32, #tpu.memory_space<vmem>>
      %dma_start3A_202 = tpu.memref_squeeze %dma_start3A_201 : memref<1x1x80xi32, #tpu.memory_space<vmem>> -> memref<80xi32, #tpu.memory_space<vmem>>
      %dma_start3A_203 = arith.constant 0 : i32
      %dma_start3A_204 = arith.constant 0 : i32
      %dma_start3A_205 = tpu.memref_slice %arg12[%dma_start3A_203, %dma_start3A_204] : memref<10240x128xf32, #tpu.memory_space<vmem_shared>> -> memref<10240x128xf32, #tpu.memory_space<vmem_shared>>
      tpu.enqueue_indirect_dma source(%arg11 : memref<80x128xf32, #tpu.memory_space<vmem>>) target(%dma_start3A_205 : memref<10240x128xf32, #tpu.memory_space<vmem_shared>>) offsets(%dma_start3A_202 : memref<80xi32, #tpu.memory_space<vmem>>) semaphore(%run_scoped3A_199 : memref<!tpu.dma_semaphore, #tpu.memory_space<semaphore_mem>>) {add = true}
      %dma_wait3A_206 = arith.constant 0 : i32
      %dma_wait3A_207 = tpu.memref_slice %arg7[%run_scoped3A_172, %run_scoped3A_173, %dma_wait3A_206] : memref<3x2x80xi32, #tpu.memory_space<vmem>> -> memref<1x1x80xi32, #tpu.memory_space<vmem>>
      %dma_wait3A_208 = tpu.memref_squeeze %dma_wait3A_207 : memref<1x1x80xi32, #tpu.memory_space<vmem>> -> memref<80xi32, #tpu.memory_space<vmem>>
      %dma_wait3A_209 = arith.constant 0 : i32
      %dma_wait3A_210 = arith.constant 0 : i32
      %dma_wait3A_211 = tpu.memref_slice %arg12[%dma_wait3A_209, %dma_wait3A_210] : memref<10240x128xf32, #tpu.memory_space<vmem_shared>> -> memref<10240x128xf32, #tpu.memory_space<vmem_shared>>
      tpu.wait_indirect_dma semaphore(%run_scoped3A_199 : memref<!tpu.dma_semaphore, #tpu.memory_space<semaphore_mem>>) src(%arg11 : memref<80x128xf32, #tpu.memory_space<vmem>>) dst(%dma_wait3A_211 : memref<10240x128xf32, #tpu.memory_space<vmem_shared>>)
      tpu.yield
    }) : () -> ()
    %dma_start3A_174 = arith.constant 1 : i32
    %dma_start3A_175 = arith.constant 0 : i32
    %dma_start3A_176 = arith.constant 0 : i32
    %dma_start3A_177 = tpu.memref_slice %arg8[%dma_start3A_174, %dma_start3A_175, %dma_start3A_176] : memref<3x2x80xi32, #tpu.memory_space<vmem>> -> memref<1x1x80xi32, #tpu.memory_space<vmem>>
    %dma_start3A_178 = tpu.memref_squeeze %dma_start3A_177 : memref<1x1x80xi32, #tpu.memory_space<vmem>> -> memref<80xi32, #tpu.memory_space<vmem>>
    %dma_start3A_179 = arith.constant 0 : i32
    %dma_start3A_180 = arith.constant 0 : i32
    %dma_start3A_181 = tpu.memref_slice %arg2[%dma_start3A_179, %dma_start3A_180] : memref<10240x128xf32, #tpu.memory_space<hbm>> -> memref<10240x128xf32, #tpu.memory_space<hbm>>
    tpu.enqueue_indirect_dma source(%dma_start3A_181 : memref<10240x128xf32, #tpu.memory_space<hbm>>) target(%arg10 : memref<80x128xf32, #tpu.memory_space<vmem>>) offsets(%dma_start3A_178 : memref<80xi32, #tpu.memory_space<vmem>>) semaphore(%arg17 : memref<!tpu.dma_semaphore, #tpu.memory_space<semaphore_mem>>)
    %dma_wait3A_182 = arith.constant 0 : i32
    %dma_wait3A_183 = arith.constant 0 : i32
    %dma_wait3A_184 = tpu.memref_slice %arg2[%dma_wait3A_182, %dma_wait3A_183] : memref<10240x128xf32, #tpu.memory_space<hbm>> -> memref<80x128xf32, #tpu.memory_space<hbm>>
    %dma_wait3A_185 = arith.constant 0 : i32
    %dma_wait3A_186 = arith.constant 0 : i32
    %dma_wait3A_187 = tpu.memref_slice %arg2[%dma_wait3A_185, %dma_wait3A_186] : memref<10240x128xf32, #tpu.memory_space<hbm>> -> memref<80x128xf32, #tpu.memory_space<hbm>>
    tpu.wait_dma2 semaphore(%arg16 : memref<!tpu.dma_semaphore, #tpu.memory_space<semaphore_mem>>) src(%dma_wait3A_187 : memref<80x128xf32, #tpu.memory_space<hbm>>) dst(%arg9 : memref<80x128xf32, #tpu.memory_space<vmem>>)
    %run_scoped3A_188 = arith.constant 0 : i32
    %run_scoped3A_189 = arith.constant 1 : i32
    "tpu.region"() ({
      %run_scoped3A_199 = tpu.sem_alloc : memref<!tpu.dma_semaphore, #tpu.memory_space<semaphore_mem>>
      %dma_start3A_200 = arith.constant 0 : i32
      %dma_start3A_201 = tpu.memref_slice %arg8[%run_scoped3A_188, %run_scoped3A_189, %dma_start3A_200] : memref<3x2x80xi32, #tpu.memory_space<vmem>> -> memref<1x1x80xi32, #tpu.memory_space<vmem>>
      %dma_start3A_202 = tpu.memref_squeeze %dma_start3A_201 : memref<1x1x80xi32, #tpu.memory_space<vmem>> -> memref<80xi32, #tpu.memory_space<vmem>>
      %dma_start3A_203 = arith.constant 0 : i32
      %dma_start3A_204 = arith.constant 0 : i32
      %dma_start3A_205 = tpu.memref_slice %arg12[%dma_start3A_203, %dma_start3A_204] : memref<10240x128xf32, #tpu.memory_space<vmem_shared>> -> memref<10240x128xf32, #tpu.memory_space<vmem_shared>>
      tpu.enqueue_indirect_dma source(%arg9 : memref<80x128xf32, #tpu.memory_space<vmem>>) target(%dma_start3A_205 : memref<10240x128xf32, #tpu.memory_space<vmem_shared>>) offsets(%dma_start3A_202 : memref<80xi32, #tpu.memory_space<vmem>>) semaphore(%run_scoped3A_199 : memref<!tpu.dma_semaphore, #tpu.memory_space<semaphore_mem>>) {add = true}
      %dma_wait3A_206 = arith.constant 0 : i32
      %dma_wait3A_207 = tpu.memref_slice %arg8[%run_scoped3A_188, %run_scoped3A_189, %dma_wait3A_206] : memref<3x2x80xi32, #tpu.memory_space<vmem>> -> memref<1x1x80xi32, #tpu.memory_space<vmem>>
      %dma_wait3A_208 = tpu.memref_squeeze %dma_wait3A_207 : memref<1x1x80xi32, #tpu.memory_space<vmem>> -> memref<80xi32, #tpu.memory_space<vmem>>
      %dma_wait3A_209 = arith.constant 0 : i32
      %dma_wait3A_210 = arith.constant 0 : i32
      %dma_wait3A_211 = tpu.memref_slice %arg12[%dma_wait3A_209, %dma_wait3A_210] : memref<10240x128xf32, #tpu.memory_space<vmem_shared>> -> memref<10240x128xf32, #tpu.memory_space<vmem_shared>>
      tpu.wait_indirect_dma semaphore(%run_scoped3A_199 : memref<!tpu.dma_semaphore, #tpu.memory_space<semaphore_mem>>) src(%arg9 : memref<80x128xf32, #tpu.memory_space<vmem>>) dst(%dma_wait3A_211 : memref<10240x128xf32, #tpu.memory_space<vmem_shared>>)
      tpu.yield
    }) : () -> ()
    %dma_wait3A_190 = arith.constant 0 : i32
    %dma_wait3A_191 = arith.constant 0 : i32
    %dma_wait3A_192 = tpu.memref_slice %arg2[%dma_wait3A_190, %dma_wait3A_191] : memref<10240x128xf32, #tpu.memory_space<hbm>> -> memref<80x128xf32, #tpu.memory_space<hbm>>
    %dma_wait3A_193 = arith.constant 0 : i32
    %dma_wait3A_194 = arith.constant 0 : i32
    %dma_wait3A_195 = tpu.memref_slice %arg2[%dma_wait3A_193, %dma_wait3A_194] : memref<10240x128xf32, #tpu.memory_space<hbm>> -> memref<80x128xf32, #tpu.memory_space<hbm>>
    tpu.wait_dma2 semaphore(%arg17 : memref<!tpu.dma_semaphore, #tpu.memory_space<semaphore_mem>>) src(%dma_wait3A_195 : memref<80x128xf32, #tpu.memory_space<hbm>>) dst(%arg10 : memref<80x128xf32, #tpu.memory_space<vmem>>)
    %run_scoped3A_196 = arith.constant 1 : i32
    %run_scoped3A_197 = arith.constant 1 : i32
    "tpu.region"() ({
      %run_scoped3A_199 = tpu.sem_alloc : memref<!tpu.dma_semaphore, #tpu.memory_space<semaphore_mem>>
      %dma_start3A_200 = arith.constant 0 : i32
      %dma_start3A_201 = tpu.memref_slice %arg8[%run_scoped3A_196, %run_scoped3A_197, %dma_start3A_200] : memref<3x2x80xi32, #tpu.memory_space<vmem>> -> memref<1x1x80xi32, #tpu.memory_space<vmem>>
      %dma_start3A_202 = tpu.memref_squeeze %dma_start3A_201 : memref<1x1x80xi32, #tpu.memory_space<vmem>> -> memref<80xi32, #tpu.memory_space<vmem>>
      %dma_start3A_203 = arith.constant 0 : i32
      %dma_start3A_204 = arith.constant 0 : i32
      %dma_start3A_205 = tpu.memref_slice %arg12[%dma_start3A_203, %dma_start3A_204] : memref<10240x128xf32, #tpu.memory_space<vmem_shared>> -> memref<10240x128xf32, #tpu.memory_space<vmem_shared>>
      tpu.enqueue_indirect_dma source(%arg10 : memref<80x128xf32, #tpu.memory_space<vmem>>) target(%dma_start3A_205 : memref<10240x128xf32, #tpu.memory_space<vmem_shared>>) offsets(%dma_start3A_202 : memref<80xi32, #tpu.memory_space<vmem>>) semaphore(%run_scoped3A_199 : memref<!tpu.dma_semaphore, #tpu.memory_space<semaphore_mem>>) {add = true}
      %dma_wait3A_206 = arith.constant 0 : i32
      %dma_wait3A_207 = tpu.memref_slice %arg8[%run_scoped3A_196, %run_scoped3A_197, %dma_wait3A_206] : memref<3x2x80xi32, #tpu.memory_space<vmem>> -> memref<1x1x80xi32, #tpu.memory_space<vmem>>
      %dma_wait3A_208 = tpu.memref_squeeze %dma_wait3A_207 : memref<1x1x80xi32, #tpu.memory_space<vmem>> -> memref<80xi32, #tpu.memory_space<vmem>>
      %dma_wait3A_209 = arith.constant 0 : i32
      %dma_wait3A_210 = arith.constant 0 : i32
      %dma_wait3A_211 = tpu.memref_slice %arg12[%dma_wait3A_209, %dma_wait3A_210] : memref<10240x128xf32, #tpu.memory_space<vmem_shared>> -> memref<10240x128xf32, #tpu.memory_space<vmem_shared>>
      tpu.wait_indirect_dma semaphore(%run_scoped3A_199 : memref<!tpu.dma_semaphore, #tpu.memory_space<semaphore_mem>>) src(%arg10 : memref<80x128xf32, #tpu.memory_space<vmem>>) dst(%dma_wait3A_211 : memref<10240x128xf32, #tpu.memory_space<vmem_shared>>)
      tpu.yield
    }) : () -> ()
    %barrier3A_198 = arith.constant 0 : index
    tpu.barrier barrier_id(%barrier3A_198)
    "tpu.region"() ({
      %run_scoped3A_199 = tpu.sem_alloc : memref<!tpu.dma_semaphore, #tpu.memory_space<semaphore_mem>>
      %dma_start3A_200 = arith.constant 0 : i32
      %dma_start3A_201 = tpu.memref_slice %arg5[%arg0, %mul3A_2, %dma_start3A_200] : memref<2x10240x128xf32, #tpu.memory_space<hbm>> -> memref<1x640x128xf32, #tpu.memory_space<hbm>>
      %dma_start3A_202 = tpu.memref_squeeze %dma_start3A_201 : memref<1x640x128xf32, #tpu.memory_space<hbm>> -> memref<640x128xf32, #tpu.memory_space<hbm>>
      %dma_start3A_203 = arith.constant 0 : i32
      %dma_start3A_204 = tpu.memref_slice %arg12[%mul3A_2, %dma_start3A_203] : memref<10240x128xf32, #tpu.memory_space<vmem_shared>> -> memref<640x128xf32, #tpu.memory_space<vmem_shared>>
      tpu.enqueue_dma source(%dma_start3A_204 : memref<640x128xf32, #tpu.memory_space<vmem_shared>>) target(%dma_start3A_202 : memref<640x128xf32, #tpu.memory_space<hbm>>) target_semaphore(%run_scoped3A_199 : memref<!tpu.dma_semaphore, #tpu.memory_space<semaphore_mem>>)
      %dma_wait3A_205 = arith.constant 0 : i32
      %dma_wait3A_206 = tpu.memref_slice %arg5[%arg0, %mul3A_2, %dma_wait3A_205] : memref<2x10240x128xf32, #tpu.memory_space<hbm>> -> memref<1x640x128xf32, #tpu.memory_space<hbm>>
      %dma_wait3A_207 = tpu.memref_squeeze %dma_wait3A_206 : memref<1x640x128xf32, #tpu.memory_space<hbm>> -> memref<640x128xf32, #tpu.memory_space<hbm>>
      %dma_wait3A_208 = arith.constant 0 : i32
      %dma_wait3A_209 = tpu.memref_slice %arg12[%mul3A_2, %dma_wait3A_208] : memref<10240x128xf32, #tpu.memory_space<vmem_shared>> -> memref<640x128xf32, #tpu.memory_space<vmem_shared>>
      tpu.wait_dma2 semaphore(%run_scoped3A_199 : memref<!tpu.dma_semaphore, #tpu.memory_space<semaphore_mem>>) src(%dma_wait3A_209 : memref<640x128xf32, #tpu.memory_space<vmem_shared>>) dst(%dma_wait3A_207 : memref<640x128xf32, #tpu.memory_space<hbm>>)
      tpu.yield
    }) : () -> ()
    return
  }
}

module attributes {stable_mosaic.version = 14 : i64} {
  func.func @_tc1_body(%arg0: memref<10240x128xf32, #tpu.memory_space<vmem>>, %arg1: memref<128x128xf32, #tpu.memory_space<vmem>>, %arg2: memref<32x10240xf32, #tpu.memory_space<vmem>>, %arg3: memref<10240x128xf32, #tpu.memory_space<vmem>>, %arg4: memref<10240x128xf32, #tpu.memory_space<vmem>>, %arg5: memref<10240x1xf32, #tpu.memory_space<vmem>>) attributes {dimension_semantics = [], scalar_prefetch = 0 : i64, scratch_operands = 0 : i64, tpu.core_type = #tpu.core_type<tc>} {
    %get3A = arith.constant 0 : index
    %get3A_0 = arith.constant 0 : index
    %get3A_1 = vector.load %arg0[%get3A, %get3A_0] : memref<10240x128xf32, #tpu.memory_space<vmem>>, vector<10240x128xf32>
    %get3A_2 = arith.constant 0 : index
    %get3A_3 = arith.constant 0 : index
    %get3A_4 = vector.load %arg1[%get3A_2, %get3A_3] : memref<128x128xf32, #tpu.memory_space<vmem>>, vector<128x128xf32>
    %dot_general3A = arith.constant dense<0.000000e+00> : vector<10240x128xf32>
    %dot_general3A_5 = tpu.matmul %get3A_1, %get3A_4, %dot_general3A {dimension_numbers = #tpu.dot_dimension_numbers<[1], [0], [0], [1], [0, 0, 1, 1], [], []>, transpose_lhs_hint = false} : vector<10240x128xf32>, vector<128x128xf32>, vector<10240x128xf32> -> vector<10240x128xf32>
    %get3A_6 = arith.constant 0 : index
    %get3A_7 = arith.constant 0 : index
    %get3A_8 = vector.load %arg2[%get3A_6, %get3A_7] : memref<32x10240xf32, #tpu.memory_space<vmem>>, vector<32x10240xf32>
    %reduce_sum3A = arith.constant dense<0.000000e+00> : vector<10240xf32>
    %reduce_sum3A_9 = vector.multi_reduction <add>, %get3A_8, %reduce_sum3A [0] : vector<32x10240xf32> to vector<10240xf32>
    %broadcast_in_dim3A = vector.shape_cast %reduce_sum3A_9 : vector<10240xf32> to vector<10240x1xf32>
    %add3A = arith.constant 1.000000e+00 : f32
    %add3A_10 = vector.broadcast %add3A : f32 to vector<10240x1xf32>
    %add3A_11 = arith.addf %broadcast_in_dim3A, %add3A_10 : vector<10240x1xf32>
    %rsqrt3A = math.rsqrt %add3A_11 : vector<10240x1xf32>
    %mul3A = vector.broadcast %rsqrt3A : vector<10240x1xf32> to vector<10240x128xf32>
    %mul3A_12 = arith.mulf %dot_general3A_5, %mul3A : vector<10240x128xf32>
    %swap3A = arith.constant 0 : index
    %swap3A_13 = arith.constant 0 : index
    %swap3A_14 = vector.load %arg3[%swap3A, %swap3A_13] : memref<10240x128xf32, #tpu.memory_space<vmem>>, vector<10240x128xf32>
    tpu.vector_store %arg3[%swap3A, %swap3A_13], %mul3A_12 {strides = array<i32>} : memref<10240x128xf32, #tpu.memory_space<vmem>>, vector<10240x128xf32>,
    %mul3A_15 = arith.constant 5.000000e-01 : f32
    %mul3A_16 = vector.broadcast %mul3A_15 : f32 to vector<10240x128xf32>
    %mul3A_17 = arith.mulf %mul3A_12, %mul3A_16 : vector<10240x128xf32>
    %swap3A_18 = arith.constant 0 : index
    %swap3A_19 = arith.constant 0 : index
    %swap3A_20 = vector.load %arg4[%swap3A_18, %swap3A_19] : memref<10240x128xf32, #tpu.memory_space<vmem>>, vector<10240x128xf32>
    tpu.vector_store %arg4[%swap3A_18, %swap3A_19], %mul3A_17 {strides = array<i32>} : memref<10240x128xf32, #tpu.memory_space<vmem>>, vector<10240x128xf32>,
    %swap3A_21 = arith.constant 0 : index
    %swap3A_22 = arith.constant 0 : index
    %swap3A_23 = vector.load %arg5[%swap3A_21, %swap3A_22] : memref<10240x1xf32, #tpu.memory_space<vmem>>, vector<10240x1xf32>
    tpu.vector_store %arg5[%swap3A_21, %swap3A_22], %rsqrt3A {strides = array<i32>} : memref<10240x1xf32, #tpu.memory_space<vmem>>, vector<10240x1xf32>,
    return
  }
}

module attributes {stable_mosaic.version = 14 : i64} {
  func.func @_tc2_body(%arg0: memref<2x10240x128xf32, #tpu.memory_space<vmem>>, %arg1: memref<10240x1xf32, #tpu.memory_space<vmem>>, %arg2: memref<128xf32, #tpu.memory_space<vmem>>, %arg3: memref<128x128xf32, #tpu.memory_space<vmem>>, %arg4: memref<10240x128xf32, #tpu.memory_space<vmem>>, %arg5: memref<10240x128xf32, #tpu.memory_space<vmem>>) attributes {dimension_semantics = [], scalar_prefetch = 0 : i64, scratch_operands = 0 : i64, tpu.core_type = #tpu.core_type<tc>} {
    %get3A = arith.constant 0 : index
    %get3A_0 = arith.constant 0 : index
    %get3A_1 = vector.load %arg1[%get3A, %get3A_0] : memref<10240x1xf32, #tpu.memory_space<vmem>>, vector<10240x1xf32>
    %get3A_2 = arith.constant 0 : index
    %get3A_3 = arith.constant 0 : index
    %get3A_4 = arith.constant 0 : index
    %get3A_5 = vector.load %arg0[%get3A_2, %get3A_3, %get3A_4] : memref<2x10240x128xf32, #tpu.memory_space<vmem>>, vector<1x10240x128xf32>
    %get3A_6 = vector.shape_cast %get3A_5 : vector<1x10240x128xf32> to vector<10240x128xf32>
    %get3A_7 = arith.constant 1 : index
    %get3A_8 = arith.constant 0 : index
    %get3A_9 = arith.constant 0 : index
    %get3A_10 = vector.load %arg0[%get3A_7, %get3A_8, %get3A_9] : memref<2x10240x128xf32, #tpu.memory_space<vmem>>, vector<1x10240x128xf32>
    %get3A_11 = vector.shape_cast %get3A_10 : vector<1x10240x128xf32> to vector<10240x128xf32>
    %add3A = arith.addf %get3A_6, %get3A_11 : vector<10240x128xf32>
    %mul3A = vector.broadcast %get3A_1 : vector<10240x1xf32> to vector<10240x128xf32>
    %mul3A_12 = arith.mulf %add3A, %mul3A : vector<10240x128xf32>
    %get3A_13 = arith.constant 0 : index
    %get3A_14 = vector.load %arg2[%get3A_13] : memref<128xf32, #tpu.memory_space<vmem>>, vector<128xf32>
    %broadcast_in_dim3A = vector.shape_cast %get3A_14 : vector<128xf32> to vector<1x128xf32>
    %add3A_15 = vector.broadcast %broadcast_in_dim3A : vector<1x128xf32> to vector<10240x128xf32>
    %add3A_16 = arith.addf %mul3A_12, %add3A_15 : vector<10240x128xf32>
    %ge3A = arith.constant 0.000000e+00 : f32
    %ge3A_17 = vector.broadcast %ge3A : f32 to vector<10240x128xf32>
    %ge3A_18 = arith.cmpf oge, %add3A_16, %ge3A_17 : vector<10240x128xf32>
    %mul3A_19 = arith.constant 0.00999999977 : f32
    %mul3A_20 = vector.broadcast %mul3A_19 : f32 to vector<10240x128xf32>
    %mul3A_21 = arith.mulf %mul3A_20, %add3A_16 : vector<10240x128xf32>
    %select_n3A = arith.select %ge3A_18, %add3A_16, %mul3A_21 : vector<10240x128xi1>, vector<10240x128xf32>
    %get3A_22 = arith.constant 0 : index
    %get3A_23 = arith.constant 0 : index
    %get3A_24 = vector.load %arg3[%get3A_22, %get3A_23] : memref<128x128xf32, #tpu.memory_space<vmem>>, vector<128x128xf32>
    %dot_general3A = arith.constant dense<0.000000e+00> : vector<10240x128xf32>
    %dot_general3A_25 = tpu.matmul %select_n3A, %get3A_24, %dot_general3A {dimension_numbers = #tpu.dot_dimension_numbers<[1], [0], [0], [1], [0, 0, 1, 1], [], []>, transpose_lhs_hint = false} : vector<10240x128xf32>, vector<128x128xf32>, vector<10240x128xf32> -> vector<10240x128xf32>
    %mul3A_26 = vector.broadcast %get3A_1 : vector<10240x1xf32> to vector<10240x128xf32>
    %mul3A_27 = arith.mulf %dot_general3A_25, %mul3A_26 : vector<10240x128xf32>
    %swap3A = arith.constant 0 : index
    %swap3A_28 = arith.constant 0 : index
    %swap3A_29 = vector.load %arg4[%swap3A, %swap3A_28] : memref<10240x128xf32, #tpu.memory_space<vmem>>, vector<10240x128xf32>
    tpu.vector_store %arg4[%swap3A, %swap3A_28], %mul3A_27 {strides = array<i32>} : memref<10240x128xf32, #tpu.memory_space<vmem>>, vector<10240x128xf32>,
    %mul3A_30 = arith.constant 5.000000e-01 : f32
    %mul3A_31 = vector.broadcast %mul3A_30 : f32 to vector<10240x128xf32>
    %mul3A_32 = arith.mulf %mul3A_27, %mul3A_31 : vector<10240x128xf32>
    %swap3A_33 = arith.constant 0 : index
    %swap3A_34 = arith.constant 0 : index
    %swap3A_35 = vector.load %arg5[%swap3A_33, %swap3A_34] : memref<10240x128xf32, #tpu.memory_space<vmem>>, vector<10240x128xf32>
    tpu.vector_store %arg5[%swap3A_33, %swap3A_34], %mul3A_32 {strides = array<i32>} : memref<10240x128xf32, #tpu.memory_space<vmem>>, vector<10240x128xf32>,
    return
  }
}

module attributes {stable_mosaic.version = 14 : i64} {
  func.func @_tc3_body(%arg0: memref<2x10240x128xf32, #tpu.memory_space<vmem>>, %arg1: memref<10240x1xf32, #tpu.memory_space<vmem>>, %arg2: memref<128xf32, #tpu.memory_space<vmem>>, %arg3: memref<10000xi32, #tpu.memory_space<vmem>>, %arg4: memref<128x1xf32, #tpu.memory_space<vmem>>, %arg5: memref<1xf32, #tpu.memory_space<vmem>>, %arg6: memref<64x1xf32, #tpu.memory_space<vmem>>) attributes {dimension_semantics = [], scalar_prefetch = 0 : i64, scratch_operands = 0 : i64, tpu.core_type = #tpu.core_type<tc>} {
    %get3A = arith.constant 0 : index
    %get3A_0 = arith.constant 0 : index
    %get3A_1 = arith.constant 0 : index
    %get3A_2 = vector.load %arg0[%get3A, %get3A_0, %get3A_1] : memref<2x10240x128xf32, #tpu.memory_space<vmem>>, vector<1x10000x128xf32>
    %get3A_3 = vector.shape_cast %get3A_2 : vector<1x10000x128xf32> to vector<10000x128xf32>
    %get3A_4 = arith.constant 1 : index
    %get3A_5 = arith.constant 0 : index
    %get3A_6 = arith.constant 0 : index
    %get3A_7 = vector.load %arg0[%get3A_4, %get3A_5, %get3A_6] : memref<2x10240x128xf32, #tpu.memory_space<vmem>>, vector<1x10000x128xf32>
    %get3A_8 = vector.shape_cast %get3A_7 : vector<1x10000x128xf32> to vector<10000x128xf32>
    %add3A = arith.addf %get3A_3, %get3A_8 : vector<10000x128xf32>
    %get3A_9 = arith.constant 0 : index
    %get3A_10 = arith.constant 0 : index
    %get3A_11 = vector.load %arg1[%get3A_9, %get3A_10] : memref<10240x1xf32, #tpu.memory_space<vmem>>, vector<10000x1xf32>
    %mul3A = vector.broadcast %get3A_11 : vector<10000x1xf32> to vector<10000x128xf32>
    %mul3A_12 = arith.mulf %add3A, %mul3A : vector<10000x128xf32>
    %get3A_13 = arith.constant 0 : index
    %get3A_14 = vector.load %arg2[%get3A_13] : memref<128xf32, #tpu.memory_space<vmem>>, vector<128xf32>
    %broadcast_in_dim3A = vector.shape_cast %get3A_14 : vector<128xf32> to vector<1x128xf32>
    %add3A_15 = vector.broadcast %broadcast_in_dim3A : vector<1x128xf32> to vector<10000x128xf32>
    %add3A_16 = arith.addf %mul3A_12, %add3A_15 : vector<10000x128xf32>
    %ge3A = arith.constant 0.000000e+00 : f32
    %ge3A_17 = vector.broadcast %ge3A : f32 to vector<10000x128xf32>
    %ge3A_18 = arith.cmpf oge, %add3A_16, %ge3A_17 : vector<10000x128xf32>
    %mul3A_19 = arith.constant 0.00999999977 : f32
    %mul3A_20 = vector.broadcast %mul3A_19 : f32 to vector<10000x128xf32>
    %mul3A_21 = arith.mulf %mul3A_20, %add3A_16 : vector<10000x128xf32>
    %select_n3A = arith.select %ge3A_18, %add3A_16, %mul3A_21 : vector<10000x128xi1>, vector<10000x128xf32>
    %iota3A = tpu.iota {dimensions = array<i32: 0>} : vector<64x10000xi32>
    %get3A_22 = arith.constant 0 : index
    %get3A_23 = vector.load %arg3[%get3A_22] : memref<10000xi32, #tpu.memory_space<vmem>>, vector<10000xi32>
    %broadcast_in_dim3A_24 = vector.shape_cast %get3A_23 : vector<10000xi32> to vector<1x10000xi32>
    %eq3A = vector.broadcast %broadcast_in_dim3A_24 : vector<1x10000xi32> to vector<64x10000xi32>
    %eq3A_25 = arith.cmpi eq, %eq3A, %iota3A : vector<64x10000xi32>
    %convert_element_type3A = arith.extui %eq3A_25 : vector<64x10000xi1> to vector<64x10000xi32>
    %convert_element_type3A_26 = arith.sitofp %convert_element_type3A : vector<64x10000xi32> to vector<64x10000xf32>
    %dot_general3A = arith.constant dense<0.000000e+00> : vector<64x128xf32>
    %dot_general3A_27 = tpu.matmul %convert_element_type3A_26, %select_n3A, %dot_general3A {dimension_numbers = #tpu.dot_dimension_numbers<[1], [0], [0], [1], [0, 0, 1, 1], [], []>, transpose_lhs_hint = false} : vector<64x10000xf32>, vector<10000x128xf32>, vector<64x128xf32> -> vector<64x128xf32>
    %reduce_sum3A = arith.constant dense<0.000000e+00> : vector<64xf32>
    %reduce_sum3A_28 = vector.multi_reduction <add>, %convert_element_type3A_26, %reduce_sum3A [1] : vector<64x10000xf32> to vector<64xf32>
    %broadcast_in_dim3A_29 = vector.shape_cast %reduce_sum3A_28 : vector<64xf32> to vector<64x1xf32>
    %max3A = arith.constant 1.000000e+00 : f32
    %max3A_30 = vector.broadcast %max3A : f32 to vector<64x1xf32>
    %max3A_31 = arith.maximumf %broadcast_in_dim3A_29, %max3A_30 : vector<64x1xf32>
    %div3A = vector.broadcast %max3A_31 : vector<64x1xf32> to vector<64x128xf32>
    %div3A_32 = arith.divf %dot_general3A_27, %div3A : vector<64x128xf32>
    %get3A_33 = arith.constant 0 : index
    %get3A_34 = arith.constant 0 : index
    %get3A_35 = vector.load %arg4[%get3A_33, %get3A_34] : memref<128x1xf32, #tpu.memory_space<vmem>>, vector<128x1xf32>
    %dot_general3A_36 = arith.constant dense<0.000000e+00> : vector<64x1xf32>
    %dot_general3A_37 = tpu.matmul %div3A_32, %get3A_35, %dot_general3A_36 {dimension_numbers = #tpu.dot_dimension_numbers<[1], [0], [0], [1], [0, 0, 1, 1], [], []>, transpose_lhs_hint = false} : vector<64x128xf32>, vector<128x1xf32>, vector<64x1xf32> -> vector<64x1xf32>
    %get3A_38 = arith.constant 0 : index
    %get3A_39 = vector.load %arg5[%get3A_38] : memref<1xf32, #tpu.memory_space<vmem>>, vector<1xf32>
    %broadcast_in_dim3A_40 = vector.shape_cast %get3A_39 : vector<1xf32> to vector<1x1xf32>
    %add3A_41 = vector.broadcast %broadcast_in_dim3A_40 : vector<1x1xf32> to vector<64x1xf32>
    %add3A_42 = arith.addf %dot_general3A_37, %add3A_41 : vector<64x1xf32>
    %swap3A = arith.constant 0 : index
    %swap3A_43 = arith.constant 0 : index
    %swap3A_44 = vector.load %arg6[%swap3A, %swap3A_43] : memref<64x1xf32, #tpu.memory_space<vmem>>, vector<64x1xf32>
    tpu.vector_store %arg6[%swap3A, %swap3A_43], %add3A_42 {strides = array<i32>} : memref<64x1xf32, #tpu.memory_space<vmem>>, vector<64x1xf32>,
    return
  }
}

</mosaic_0001>

<sc_bundles>
// kernel: kernel.11.cloned.1.call-start
scs
__scs_entry_jumppad:
0x0: {  	(pc) =	sbr.rel $0x88, $3  }
0x1: {  	(tag) =	ssettag $0x0;
	lr =	simm.s32 $0x1  }
0x2: {  	[smem:$0x3F98] =	sst lr;
	_ =	strace $0xD0000000  }
0x3: {  	_ = 	snop  }
0x4: {  	_ = 	snop  }
0x5: {  	_ = 	snop  }
0x6: {  	_ = 	snop  }
0x7: {  	_ = 	snop  }
__scs_overlays_trampoline_lowered:
0x8: {  	[smem:$0x3FA7] =	sst s0  }
0x9: {  	[smem:$0x3FA8] =	sst s1  }
0xa: {  	[smem:$0x3FA9] =	sst s2  }
0xb: {  	[smem:$0x3FAA] =	sst s3  }
0xc: {  	[smem:$0x3FAB] =	sst s4  }
0xd: {  	[smem:$0x3FAC] =	sst s5  }
0xe: {  	[smem:$0x3FAD] =	sst s6  }
0xf: {  	[smem:$0x3FAE] =	sst s7  }
0x10: {  	[smem:$0x3FAF] =	sst s8  }
0x11: {  	[smem:$0x3FB0] =	sst s9;
	s0 =	simm.s32 @!p0 $0x0  }
0x12: {  	s1 =	sld [smem:$0x3F96];
	s0 =	simm.s32 @p0 $0x1  }
0x13: {  	[smem:$0x3FB1] =	sst s0;
	s0 =	simm.s32 @!p1 $0x0  }
0x14: {  	s2 =	sld [smem:$0x3F95];
	s0 =	simm.s32 @p1 $0x1  }
0x15: {  	[smem:$0x3FB2] =	sst s0;
	s0 =	simm.s32 @!p2 $0x0  }
0x16: {  	s3 =	sld [smem:$0x3FDB];
	s0 =	simm.s32 @p2 $0x1  }
0x17: {  	s4 =	simm.s32 $0x1BF5;
	[smem:$0x3FB4] =	sst s0  }
0x18: {  	s0 =	sld [smem:$0x3F97];
	_ =	swait.ge [sflag:s4], $0x0  }
0x19: {  	s7 =	sld [smem:$0x3F98]  }
0x1a: {  	s8 =	sadd.s32 $0xFFFFE003, lr  }
0x1b: {  	s9 =	sadd.s32 $0xFFFFFEF7, lr;
	s5 =	simm.s32 $0xFFFFFFFF;
	p2 =	slt.u32 s8, $0xFFFFF086  }
0x1c: {  	p1 =	slt.u32 s9, $0xF7A;
	s5 =	simm.s32 @!p2 $0x0  }
0x1d: {  	s5 =	simm.s32 @p1 $0x1;
	p0 =	seq.s32 s7, s2  }
0x1e: {  	s7 =	smul.u32 @!p0 $0xF7A, s2;
	p2 =	seq.s32 @!p0 s5, $0x0  }
0x1f: {  	s9 =	smul.u32 $0xF7A, s1;
	s8 =	simm.s32 @!p0 $0x1BF5;
	p2 =	por !p2, p0  }
0x20: {  	[sflag:s8] =	ssyncset.s32 @!p0 $0xFFFFF086;
	s6 =	sadd.s32 @!p0 s3, s7;
	s7 =	simm.s32 @!p0 $0x108  }
0x21: {  	s3 =	sadd.s32 s3, s9;
	s6 =	sadd.s32 @!p0 $0x88, s6;
	s7 =	simm.s32 @p2 $0x1082  }
0x22: {  	[simem:s7], [sflag:s8] =	dma.local @!p0 [hbm:s6], $0xF7A  }
0x23: {  	s9 =	sor.u32 $0xD0000000, s2;
	s6 =	simm.s32 $0x108;
	_ =	swait.ge @!p0 [sflag:s8], $0x0  }
0x24: {  	s3 =	sadd.s32 $0x88, s3;
	s6 =	simm.s32 @!p1 $0x1082;
	[sflag:s4] =	ssyncset.s32 $0xFFFFF086  }
0x25: {  	[simem:s6], [sflag:s4] =	dma.local [hbm:s3], $0xF7A  }
0x26: {  	[smem:$0x3F98] =	sst s1;
	(tag) =	ssettag s2;
	_ =	strace s9  }
0x27: {  	s1 =	sld [smem:$0x3FA8]  }
0x28: {  	s2 =	sld [smem:$0x3FA9]  }
0x29: {  	s4 =	sld [smem:$0x3FAB]  }
0x2a: {  	p0 =	seq.s32 s5, $0x0;
	s5 =	sld [smem:$0x3FAC]  }
0x2b: {  	s6 =	sld [smem:$0x3FAD]  }
0x2c: {  	s7 =	sld [smem:$0x3FAE]  }
0x2d: {  	s3 =	simm.s32 $0x108;
	s8 =	sld [smem:$0x3FAF]  }
0x2e: {  	s3 =	simm.s32 @!p0 $0x1082;
	s9 =	sld [smem:$0x3FB0]  }
0x2f: {  	lr =	sadd.s32 s0, s3;
	s0 =	sld [smem:$0x3FA7]  }
0x30: {  	s3 =	sld [smem:$0x3FAA]  }
0x31: {  	[smem:$0x3FB3] =	sst s10  }
0x32: {  	s10 =	sld [smem:$0x3FB1];
	_ =	sdelay $0x3  }
0x33: {  	p0 =	seq.s32 s10, $0x1;
	s10 =	sld [smem:$0x3FB3];
	_ =	sdelay $0x3  }
0x34: {  	[smem:$0x3FB3] =	sst s10  }
0x35: {  	s10 =	sld [smem:$0x3FB2];
	_ =	sdelay $0x3  }
0x36: {  	p1 =	seq.s32 s10, $0x1;
	s10 =	sld [smem:$0x3FB3];
	_ =	sdelay $0x3  }
0x37: {  	[smem:$0x3FB3] =	sst s10  }
0x38: {  	s10 =	sld [smem:$0x3FB4]  }
0x39: {  	_ = 	snop;
	(pc) =	sbr.ind lr, $3  }
0x3a: {  	_ = 	snop  }
0x3b: {  	_ = 	snop  }
0x3c: {  	p2 =	seq.s32 s10, $0x1;
	s10 =	sld [smem:$0x3FB3]  }
0x3d: {  	_ =	shalt  }
0x3e: {  	_ =	shalt  }
0x3f: {  	_ =	shalt  }
0x40: {  	_ =	shalt  }
0x41: {  	_ =	shalt  }
0x42: {  	_ =	shalt  }
0x43: {  	_ =	shalt  }
0x44: {  	_ =	shalt  }
0x45: {  	_ =	shalt  }
0x46: {  	_ =	shalt  }
0x47: {  	_ =	shalt  }
0x48: {  	_ =	shalt  }
0x49: {  	_ =	shalt  }
0x4a: {  	_ =	shalt  }
0x4b: {  	_ =	shalt  }
0x4c: {  	_ =	shalt  }
0x4d: {  	_ =	shalt  }
0x4e: {  	_ =	shalt  }
0x4f: {  	_ =	shalt  }
0x50: {  	_ =	shalt  }
0x51: {  	_ =	shalt  }
0x52: {  	_ =	shalt  }
0x53: {  	_ =	shalt  }
0x54: {  	_ =	shalt  }
0x55: {  	_ =	shalt  }
0x56: {  	_ =	shalt  }
0x57: {  	_ =	shalt  }
0x58: {  	_ =	shalt  }
0x59: {  	_ =	shalt  }
0x5a: {  	_ =	shalt  }
0x5b: {  	_ =	shalt  }
0x5c: {  	_ =	shalt  }
0x5d: {  	_ =	shalt  }
0x5e: {  	_ =	shalt  }
0x5f: {  	_ =	shalt  }
0x60: {  	_ =	shalt  }
0x61: {  	_ =	shalt  }
0x62: {  	_ =	shalt  }
0x63: {  	_ =	shalt  }
0x64: {  	_ =	shalt  }
0x65: {  	_ =	shalt  }
0x66: {  	_ =	shalt  }
0x67: {  	_ =	shalt  }
0x68: {  	_ =	shalt  }
0x69: {  	_ =	shalt  }
0x6a: {  	_ =	shalt  }
0x6b: {  	_ =	shalt  }
0x6c: {  	_ =	shalt  }
0x6d: {  	_ =	shalt  }
0x6e: {  	_ =	shalt  }
0x6f: {  	_ =	shalt  }
0x70: {  	_ =	shalt  }
0x71: {  	_ =	shalt  }
0x72: {  	_ =	shalt  }
0x73: {  	_ =	shalt  }
0x74: {  	_ =	shalt  }
0x75: {  	_ =	shalt  }
0x76: {  	_ =	shalt  }
0x77: {  	_ =	shalt  }
0x78: {  	_ =	shalt  }
0x79: {  	_ =	shalt  }
0x7a: {  	_ =	shalt  }
0x7b: {  	_ =	shalt  }
0x7c: {  	_ =	shalt  }
0x7d: {  	_ =	shalt  }
0x7e: {  	_ =	shalt  }
0x7f: {  	_ =	shalt  }
0x80: {  	_ =	shalt  }
0x81: {  	_ =	shalt  }
0x82: {  	_ =	shalt  }
0x83: {  	_ =	shalt  }
0x84: {  	_ =	shalt  }
0x85: {  	_ =	shalt  }
0x86: {  	_ =	shalt  }
0x87: {  	_ =	shalt  }
.Lfunc_end0:
.L_simem_size_0:
called_computation.1_lowered:
.L_overlay_start_0:
0x88: {  	s2 =	sld [smem:$0x3FD9]  }
0x89: {  	s3 =	sld [smem:$0x3FFE];
	_ =	sdelay $0x1  }
0x8a: {  	s1 =	srdreg.scid  }
0x8b: {  	s0 =	sand.u32 $0x1, s1  }
0x8c: {  	s16 =	sshll.u32 s0, $0xA;
	s2 =	sadd.s32 s3, s2  }
0x8d: {  	s2 =	sadd.s32 s2, s16  }
0x8e: {  	[smem:$0x3FBF] =	sst s2  }
0x8f: {  	_ = 	snop  }
0x90: {  	(tm) =	ssettm $0x1  }
0x91: {  	s17 =	sld [smem:$0x3FFB];
	_ =	sdelay $0x3  }
0x92: {  	_ =	strace s17  }
0x93: {  	s2 =	sld [smem:$0x3FFC];
	_ =	sdelay $0x3  }
0x94: {  	_ =	strace s2  }
0x95: {  	s2 =	sld [smem:$0x3FFD];
	_ =	sdelay $0x3  }
0x96: {  	_ =	strace s2  }
0x97: {  	_ =	strace $0x8FFFFFFF  }
0x98: {  	s18 =	sld [smem:$0x3FDB];
	_ =	sdelay $0x1  }
0x99: {  	s19 =	simm.s32 $_scs_section_size  }
0x9a: {  	s4 =	simm.s32 $_size__tile_overlayer_lowered;
	s5 =	simm.s32 $_tile_overlayer_lowered  }
0x9b: {  	s22 =	simm.s32 $0x1BFF;
	s21 =	sshll.u32 s5, $0x1;
	s2 =	sadd.s32 s19, s18  }
0x9c: {  	s6 =	simm.s32 $0x0;
	s20 =	sshll.u32 s4, $0x1;
	s4 =	sadd.s32 s21, s2  }
0x9d: {  	[timem:s6], [sflag:s22] =	dma.local [hbm:s4], s20  }
0x9e: {  	_ =	swait.ge [sflag:s22], s20  }
0x9f: {  	s3 =	ssub.s32 $0x0, s20;
	[sflag:s22] =	ssyncset.done $0x0  }
0xa0: {  	[sflag:s22] =	ssyncadd.s32 s3;
	_ =	sdelay $0x1  }
0xa1: {  	s23 =	simm.s32 $0x1B8B  }
0xa2: {  	_ =	swait.ge [sflag:s23], $0x1  }
0xa3: {  	[sflag:s23] =	ssyncset.done $0x0  }
0xa4: {  	s25 =	simm.s32 $0x1B8E;
	s24 =	sld [smem:$0x3FFE];
	[sflag:s23] =	ssyncadd.s32 $0xFFFFFFFF  }
0xa5: {  	s26 =	simm.s32 $execute0_lowered;
	[smem:$0x3FD2] =	sst s25  }
0xa6: {  	s4 =	sshll.u32 s26, $0x1;
	_ =	strace $0x80000049;
	[dreg:$0x1] =	wrdreg $0xFFFFFFFF  }
0xa7: {  	s28 =	simm.s32 $_size_execute0_lowered;
	s2 =	sadd.s32 s2, s4;
	[dreg:$0x0] =	wrdreg $0x0  }
0xa8: {  	s4 =	sshll.u32 s28, $0x1;
	[dreg:$0x2] =	wrdreg s2  }
0xa9: {  	[dreg:$0x3] =	wrdreg s4  }
0xaa: {  	[dreg:$0x4] =	wrdreg $0xC0  }
0xab: {  	_ =	task [dreg:s6], $0x5FFFF  }
0xac: {  	[dreg:$0x1] =	wrdreg $0xFFFFFFFF  }
0xad: {  	[dreg:$0x0] =	wrdreg $0x60  }
0xae: {  	[dreg:$0x2] =	wrdreg s24  }
0xaf: {  	[dreg:$0x3] =	wrdreg $0x81000  }
0xb0: {  	[dreg:$0x4] =	wrdreg $0x9  }
0xb1: {  	_ =	task.clear_ibuf [dreg:s6], $0x5FFFF;
	_ =	strace $0x90000049  }
0xb2: {  	s29 =	simm.s32 $0x9;
	_ =	strace $0x8000004B  }
0xb3: {  	_ =	swait.ge [sflag:s29], $0x1  }
0xb4: {  	[sflag:s29] =	ssyncadd.s32 $0xFFFFFFFF  }
0xb5: {  	_ =	strace $0x9000004B  }
0xb6: {  	_ =	sfence  }
0xb7: {  	s30 =	sld [smem:$0x0];
	_ =	sdelay $0x2  }
0xb8: {  	s31 =	sshll.u32 s1, $0xD;
	s1 =	sshrl.u32 s1, $0x2  }
0xb9: {  	s3 =	sand.u32 $0x4000, s31;
	s1 =	sadd.s32 s1, s30  }
0xba: {  	s0 =	sor.u32 s3, s0;
	s1 =	sshll.u32 s1, $0x11  }
0xbb: {  	s0 =	sor.u32 s1, s0  }
0xbc: {  	s0 =	sadd.s32 $0x8F2B, s0  }
0xbd: {  	[sflag:s0] =	ssyncadd.remote.s32 $0x1  }
0xbe: {  	_ =	sfence.sel $0xFFFF  }
0xbf: {  	[dreg:$0x0] =	wrdreg $0xFFFFFFFF;
	(pc) =	sbr.abs _section_cstart, $3  }
0xc0: {  	[dreg:$0x1] =	wrdreg $0xFFFFFFFF  }
0xc1: {  	_ =	task.clear_ibuf [dreg:s6], $0x2FFFF;
	_ =	strace $0x9FFFFFFF  }
0xc2: {  	(tm) =	ssettm $0x7FFFFFFF  }
0xc3: {  	_ =	shalt  }
tec
execute0_lowered:
.L_overlay_start_1:
0x0: {  	(tag) =	ssettag $0x1  }
0x1: {  	s0 =	rddreg [dreg:$0x0]  }
0x2: {  	s2 =	rddreg [dreg:$0x1]  }
0x3: {  	s12 =	stileid.u32;
	s1 =	srdreg.scid  }
0x4: {  	s3 =	simm.s32 $0x0;
	s25 =	simm.s32 $0x800;
	s28 =	simm.s32 $0x5  }
0x5: {  	s29 =	simm.s32 $0x180;
	s30 =	simm.s32 $0x2;
	s5 =	smul.u32 $0x14000, s12  }
0x6: {  	s31 =	simm.s32 $0x6;
	s1 =	sand.u32 $0x1, s1;
	s8 =	smul.u32 $0x50000, s12  }
0x7: {  	[smem:$0x7FF] =	sst s3;
	s4 =	sadd.s32 $0x35E00, s0;
	s11 =	smul.u32 $0x7E00, s12  }
0x8: {  	s14 =	sshll.u32 s12, $0x6;
	s6 =	smul.u32 $0x140000, s1;
	_ =	strace $0x8000004A  }
0x9: {  	s26 =	ssub.s32 $0x2, s1;
	s10 =	sshll.u32 s1, $0x4;
	s1 =	smul.u32 $0x7E000, s1  }
0xa: {  	s21 =	sor.u32 $0x1C07, s14;
	[dreg:$0x5] =	wrdreg s25;
	s25 =	simm.s32 $0x0  }
0xb: {  	s7 =	sshrl.u32 s5, $0x3;
	s9 =	sshrl.u32 s26, $0x1;
	s8 =	sshrl.u32 s8, $0x2  }
0xc: {  	s10 =	sor.u32 s12, s10;
	s12 =	simm.s32 $0x580;
	[dreg:$0x8] =	wrdreg s21  }
0xd: {  	s6 =	sadd.s32 s5, s6;
	s7 =	sadd.s32 s7, s0;
	s5 =	sadd.s32 $0x16600, s0  }
0xe: {  	s8 =	sadd.s32 s8, s2;
	s13 =	smul.u32 $0x7E00, s10;
	s1 =	sadd.s32 s11, s1  }
0xf: {  	s11 =	simm.s32 $0x3;
	s6 =	sshrl.u32 s6, $0x3;
	s7 =	sadd.s32 $0x5DE00, s7  }
0x10: {  	s16 =	sadd.s32 $0xF00, s1;
	s19 =	sadd.s32 $0xC00, s1;
	s24 =	sadd.s32 $0x900, s1  }
0x11: {  	s1 =	simm.s32 $0x400;
	s0 =	sadd.s32 s6, s0;
	s6 =	ssub.s32 s26, s9  }
0x12: {  	[dreg:$0x7] =	wrdreg s7;
	s15 =	sshrl.u32 s13, $0x3;
	s18 =	sshrl.u32 s16, $0x3  }
0x13: {  	s9 =	sshrl.u32 s19, $0x3;
	[dreg:$0xe] =	wrdreg s24;
	s24 =	sshrl.u32 s8, $0x3  }
0x14: {  	s16 =	simm.s32 $0x300;
	s19 =	simm.s32 $0x50;
	s26 =	simm.s32 $0x880  }
0x15: {  	s8 =	simm.s32 $0x700;
	s13 =	simm.s32 $0x780;
	[dreg:$0x6] =	wrdreg s26  }
0x16: {  	s17 =	sadd.s32 s5, s15;
	s7 =	sadd.s32 s18, s5;
	[dreg:$0xf] =	wrdreg s24  }
0x17: {  	s22 =	sadd.s32 s9, s5;
	s0 =	sadd.s32 $0x85E00, s0;
	[dreg:$0x9] =	wrdreg s17  }
0x18: {  	s23 =	smax.u32 s6, $0x1;
	s15 =	simm.s32 $0x7;
	[dreg:$0x3] =	wrdreg s7  }
0x19: {  	s18 =	simm.s32 $0x1;
	s26 =	simm.s32 $0x5900;
	[dreg:$0xc] =	wrdreg s0  }
0x1a: {  	s6 =	simm.s32 $0x380;
	s9 =	simm.s32 $0x500;
	[dreg:$0xd] =	wrdreg s23  }
0x1b: {  	s20 =	sadd.s32 $0x60, s17;
	s10 =	sadd.s32 $0xC0, s17;
	[dreg:$0x4] =	wrdreg s22  }
0x1c: {  	s17 =	simm.s32 $0x600;
	s22 =	simm.s32 $0x3100;
	s23 =	simm.s32 $0x4  }
0x1d: {  	s0 =	simm.s32 $0x280;
	s7 =	simm.s32 $0x680;
	[dreg:$0xa] =	wrdreg s20  }
0x1e: {  	[dreg:$0xb] =	wrdreg s10;
	s20 =	simm.s32 $0x900;
	s10 =	simm.s32 $0x480  }
.LBB2_1:
0x1f: {  	[dreg:$0x10] =	wrdreg s25  }
0x20: {  	s14 =	rddreg [dreg:$0x7]  }
0x21: {  	[spmem:s24], [sflag:s21] =	dma.local [hbm:s14], $0x2800  }
0x22: {  	_ =	swait.ge [sflag:s15], $0x2800  }
0x23: {  	[sflag:s15] =	ssyncset.done $0x0  }
0x24: {  	[sflag:s15] =	ssyncadd.s32 $0xFFFFD800  }
0x25: {  	[bflag:$0x0] =	sbarrier.arrive $0xFFFF  }
0x26: {  	s25 =	rddreg [dreg:$0x9]  }
0x27: {  	[tilespmem:s3], [sflag:$0x1] =	stream.linear.gather [hbm4b:s25+s3], $0x300, $0x38;
	[tilespmem:$0x1C100] =	vst v63  }
0x28: {  	s21 =	rddreg [dreg:$0xa]  }
0x29: {  	[tilespmem:s16], [sflag:$0x2] =	stream.linear.gather [hbm4b:s21+s3], $0x300, $0x38;
	[tilespmem:$0x1C100] =	vst v63  }
0x2a: {  	s24 =	rddreg [dreg:$0xb]  }
0x2b: {  	[tilespmem:s17], [sflag:$0x3] =	stream.linear.gather [hbm4b:s24+s3], $0x300, $0x38;
	[tilespmem:$0x1C100] =	vst v63  }
0x2c: {  	_ =	swait.ge [sflag:s18], $0x300  }
0x2d: {  	[sflag:s18] =	ssyncset.done $0x0  }
0x2e: {  	[sflag:s18] =	ssyncadd.s32 $0xFFFFFD00  }
0x2f: {  	[tilespmem:s20], [sflag:$0x4] =	stream.indirect.gather [hbm4b:s4+s19], $0x80, s3, s19, $0xb8;
	[tilespmem:$0x1C100] =	vst v63  }
0x30: {  	s25 =	simm.s32 $0x100  }
0x31: {  	[tilespmem:s22], [sflag:$0x5] =	stream.indirect.gather [hbm4b:s4+s19], $0x80, s25, s19, $0xb8;
	[tilespmem:$0x1C100] =	vst v63  }
0x32: {  	_ =	swait.ge [sflag:s23], $0x2800  }
0x33: {  	[sflag:s23] =	ssyncset.done $0x0  }
0x34: {  	s21 =	simm.s32 $0x80;
	[sflag:s23] =	ssyncadd.s32 $0xFFFFD800  }
0x35: {  	[spmem:s2] =	stream.indirect.scatter.add.f32 [tilespmem:s20], [sflag:$0x7], $0x80, s21, s19, $0xb8;
	[tilespmem:$0x1C100] =	vst v63  }
0x36: {  	_ =	swait.ge [sflag:s15], $0x2800  }
0x37: {  	[sflag:s15] =	ssyncset.done $0x0  }
0x38: {  	s24 =	simm.s32 $0x200;
	[sflag:s15] =	ssyncadd.s32 $0xFFFFD800  }
0x39: {  	[tilespmem:s26], [sflag:$0x6] =	stream.indirect.gather [hbm4b:s4+s19], $0x80, s24, s19, $0xb8;
	[tilespmem:$0x1C100] =	vst v63  }
0x3a: {  	_ =	swait.ge [sflag:s28], $0x2800  }
0x3b: {  	[sflag:s28] =	ssyncset.done $0x0  }
0x3c: {  	[sflag:s28] =	ssyncadd.s32 $0xFFFFD800  }
0x3d: {  	[spmem:s2] =	stream.indirect.scatter.add.f32 [tilespmem:s22], [sflag:$0x7], $0x80, s29, s19, $0xb8;
	[tilespmem:$0x1C100] =	vst v63  }
0x3e: {  	_ =	swait.ge [sflag:s15], $0x2800  }
0x3f: {  	[sflag:s15] =	ssyncset.done $0x0  }
0x40: {  	[sflag:s15] =	ssyncadd.s32 $0xFFFFD800  }
0x41: {  	_ =	swait.ge [sflag:s30], $0x300  }
0x42: {  	[sflag:s30] =	ssyncset.done $0x0  }
0x43: {  	[sflag:s30] =	ssyncadd.s32 $0xFFFFFD00  }
0x44: {  	[tilespmem:s20], [sflag:$0x4] =	stream.indirect.gather [hbm4b:s4+s19], $0x80, s16, s19, $0xb8;
	[tilespmem:$0x1C100] =	vst v63  }
0x45: {  	_ =	swait.ge [sflag:s31], $0x2800  }
0x46: {  	[sflag:s31] =	ssyncset.done $0x0  }
0x47: {  	[sflag:s31] =	ssyncadd.s32 $0xFFFFD800  }
0x48: {  	[spmem:s2] =	stream.indirect.scatter.add.f32 [tilespmem:s26], [sflag:$0x7], $0x80, s0, s19, $0xb8;
	[tilespmem:$0x1C100] =	vst v63  }
0x49: {  	_ =	swait.ge [sflag:s15], $0x2800  }
0x4a: {  	s21 =	rddreg [dreg:$0xe]  }
0x4b: {  	[sflag:s15] =	ssyncset.done $0x0;
	s25 =	sshrl.u32 s21, $0x3  }
0x4c: {  	[sflag:s15] =	ssyncadd.s32 $0xFFFFD800;
	s14 =	sadd.s32 s5, s25  }
0x4d: {  	[tilespmem:s3], [sflag:$0x1] =	stream.linear.gather [hbm4b:s14+s3], $0x300, $0x38;
	[tilespmem:$0x1C100] =	vst v63  }
0x4e: {  	_ = 	snop  }
0x4f: {  	[tilespmem:s22], [sflag:$0x5] =	stream.indirect.gather [hbm4b:s4+s19], $0x80, s1, s19, $0xb8;
	[tilespmem:$0x1C100] =	vst v63  }
0x50: {  	_ =	swait.ge [sflag:s23], $0x2800  }
0x51: {  	[sflag:s23] =	ssyncset.done $0x0  }
0x52: {  	[sflag:s23] =	ssyncadd.s32 $0xFFFFD800  }
0x53: {  	[spmem:s2] =	stream.indirect.scatter.add.f32 [tilespmem:s20], [sflag:$0x7], $0x80, s6, s19, $0xb8;
	[tilespmem:$0x1C100] =	vst v63  }
0x54: {  	_ =	swait.ge [sflag:s15], $0x2800  }
0x55: {  	[sflag:s15] =	ssyncset.done $0x0  }
0x56: {  	[sflag:s15] =	ssyncadd.s32 $0xFFFFD800  }
0x57: {  	[tilespmem:s26], [sflag:$0x6] =	stream.indirect.gather [hbm4b:s4+s19], $0x80, s9, s19, $0xb8;
	[tilespmem:$0x1C100] =	vst v63  }
0x58: {  	_ =	swait.ge [sflag:s28], $0x2800  }
0x59: {  	[sflag:s28] =	ssyncset.done $0x0  }
0x5a: {  	[sflag:s28] =	ssyncadd.s32 $0xFFFFD800  }
0x5b: {  	[spmem:s2] =	stream.indirect.scatter.add.f32 [tilespmem:s22], [sflag:$0x7], $0x80, s10, s19, $0xb8;
	[tilespmem:$0x1C100] =	vst v63  }
0x5c: {  	_ =	swait.ge [sflag:s15], $0x2800  }
0x5d: {  	[sflag:s15] =	ssyncset.done $0x0  }
0x5e: {  	[sflag:s15] =	ssyncadd.s32 $0xFFFFD800  }
0x5f: {  	_ =	swait.ge [sflag:s11], $0x300  }
0x60: {  	[sflag:s11] =	ssyncset.done $0x0  }
0x61: {  	[sflag:s11] =	ssyncadd.s32 $0xFFFFFD00  }
0x62: {  	[tilespmem:s20], [sflag:$0x4] =	stream.indirect.gather [hbm4b:s4+s19], $0x80, s17, s19, $0xb8;
	[tilespmem:$0x1C100] =	vst v63  }
0x63: {  	_ =	swait.ge [sflag:s31], $0x2800  }
0x64: {  	[sflag:s31] =	ssyncset.done $0x0  }
0x65: {  	[sflag:s31] =	ssyncadd.s32 $0xFFFFD800  }
0x66: {  	[spmem:s2] =	stream.indirect.scatter.add.f32 [tilespmem:s26], [sflag:$0x7], $0x80, s12, s19, $0xb8;
	[tilespmem:$0x1C100] =	vst v63  }
0x67: {  	_ =	swait.ge [sflag:s15], $0x2800  }
0x68: {  	s24 =	rddreg [dreg:$0x4];
	[sflag:s15] =	ssyncset.done $0x0  }
0x69: {  	[sflag:s15] =	ssyncadd.s32 $0xFFFFD800;
	s14 =	sadd.s32 $0x0, s24  }
0x6a: {  	[tilespmem:s16], [sflag:$0x2] =	stream.linear.gather [hbm4b:s14+s3], $0x300, $0x38;
	[tilespmem:$0x1C100] =	vst v63  }
0x6b: {  	_ = 	snop  }
0x6c: {  	[tilespmem:s22], [sflag:$0x5] =	stream.indirect.gather [hbm4b:s4+s19], $0x80, s8, s19, $0xb8;
	[tilespmem:$0x1C100] =	vst v63  }
0x6d: {  	_ =	swait.ge [sflag:s23], $0x2800  }
0x6e: {  	[sflag:s23] =	ssyncset.done $0x0  }
0x6f: {  	[sflag:s23] =	ssyncadd.s32 $0xFFFFD800  }
0x70: {  	[spmem:s2] =	stream.indirect.scatter.add.f32 [tilespmem:s20], [sflag:$0x7], $0x80, s7, s19, $0xb8;
	[tilespmem:$0x1C100] =	vst v63  }
0x71: {  	_ =	swait.ge [sflag:s15], $0x2800  }
0x72: {  	[sflag:s15] =	ssyncset.done $0x0  }
0x73: {  	s25 =	rddreg [dreg:$0x5];
	[sflag:s15] =	ssyncadd.s32 $0xFFFFD800  }
0x74: {  	[tilespmem:s26], [sflag:$0x6] =	stream.indirect.gather [hbm4b:s4+s19], $0x80, s25, s19, $0xb8;
	[tilespmem:$0x1C100] =	vst v63  }
0x75: {  	_ =	swait.ge [sflag:s28], $0x2800  }
0x76: {  	[sflag:s28] =	ssyncset.done $0x0  }
0x77: {  	[sflag:s28] =	ssyncadd.s32 $0xFFFFD800  }
0x78: {  	[spmem:s2] =	stream.indirect.scatter.add.f32 [tilespmem:s22], [sflag:$0x7], $0x80, s13, s19, $0xb8;
	[tilespmem:$0x1C100] =	vst v63  }
0x79: {  	_ =	swait.ge [sflag:s15], $0x2800  }
0x7a: {  	[sflag:s15] =	ssyncset.done $0x0  }
0x7b: {  	[sflag:s15] =	ssyncadd.s32 $0xFFFFD800  }
0x7c: {  	_ =	swait.ge [sflag:s18], $0x300  }
0x7d: {  	[sflag:s18] =	ssyncset.done $0x0  }
0x7e: {  	[sflag:s18] =	ssyncadd.s32 $0xFFFFFD00  }
0x7f: {  	[tilespmem:s20], [sflag:$0x4] =	stream.indirect.gather [hbm4b:s4+s19], $0x80, s3, s19, $0xb8;
	[tilespmem:$0x1C100] =	vst v63  }
0x80: {  	_ =	swait.ge [sflag:s31], $0x2800  }
0x81: {  	[sflag:s31] =	ssyncset.done $0x0  }
0x82: {  	s24 =	rddreg [dreg:$0x6];
	[sflag:s31] =	ssyncadd.s32 $0xFFFFD800  }
0x83: {  	[spmem:s2] =	stream.indirect.scatter.add.f32 [tilespmem:s26], [sflag:$0x7], $0x80, s24, s19, $0xb8;
	[tilespmem:$0x1C100] =	vst v63  }
0x84: {  	_ =	swait.ge [sflag:s15], $0x2800  }
0x85: {  	s25 =	rddreg [dreg:$0x3];
	[sflag:s15] =	ssyncset.done $0x0  }
0x86: {  	[sflag:s15] =	ssyncadd.s32 $0xFFFFD800;
	s14 =	sadd.s32 $0x0, s25  }
0x87: {  	[tilespmem:s17], [sflag:$0x3] =	stream.linear.gather [hbm4b:s14+s3], $0x300, $0x38;
	[tilespmem:$0x1C100] =	vst v63  }
0x88: {  	s21 =	sadd.s32 $0x900, s21;
	s14 =	simm.s32 $0x120  }
.LBB2_2:
0x89: {  	s24 =	simm.s32 $0x100  }
0x8a: {  	[tilespmem:s22], [sflag:$0x5] =	stream.indirect.gather [hbm4b:s4+s19], $0x80, s24, s19, $0xb8;
	[tilespmem:$0x1C100] =	vst v63  }
0x8b: {  	_ =	swait.ge [sflag:s23], $0x2800  }
0x8c: {  	[sflag:s23] =	ssyncset.done $0x0  }
0x8d: {  	s25 =	simm.s32 $0x80;
	[sflag:s23] =	ssyncadd.s32 $0xFFFFD800  }
0x8e: {  	[spmem:s2] =	stream.indirect.scatter.add.f32 [tilespmem:s20], [sflag:$0x7], $0x80, s25, s19, $0xb8;
	[tilespmem:$0x1C100] =	vst v63  }
0x8f: {  	_ =	swait.ge [sflag:s15], $0x2800  }
0x90: {  	[sflag:s15] =	ssyncset.done $0x0  }
0x91: {  	s25 =	simm.s32 $0x200;
	[sflag:s15] =	ssyncadd.s32 $0xFFFFD800  }
0x92: {  	[tilespmem:s26], [sflag:$0x6] =	stream.indirect.gather [hbm4b:s4+s19], $0x80, s25, s19, $0xb8;
	[tilespmem:$0x1C100] =	vst v63  }
0x93: {  	_ =	swait.ge [sflag:s28], $0x2800  }
0x94: {  	[sflag:s28] =	ssyncset.done $0x0  }
0x95: {  	[sflag:s28] =	ssyncadd.s32 $0xFFFFD800  }
0x96: {  	[spmem:s2] =	stream.indirect.scatter.add.f32 [tilespmem:s22], [sflag:$0x7], $0x80, s29, s19, $0xb8;
	[tilespmem:$0x1C100] =	vst v63  }
0x97: {  	_ =	swait.ge [sflag:s15], $0x2800  }
0x98: {  	[sflag:s15] =	ssyncset.done $0x0  }
0x99: {  	[sflag:s15] =	ssyncadd.s32 $0xFFFFD800  }
0x9a: {  	_ =	swait.ge [sflag:s30], $0x300  }
0x9b: {  	[sflag:s30] =	ssyncset.done $0x0  }
0x9c: {  	[sflag:s30] =	ssyncadd.s32 $0xFFFFFD00  }
0x9d: {  	[tilespmem:s20], [sflag:$0x4] =	stream.indirect.gather [hbm4b:s4+s19], $0x80, s16, s19, $0xb8;
	[tilespmem:$0x1C100] =	vst v63  }
0x9e: {  	_ =	swait.ge [sflag:s31], $0x2800  }
0x9f: {  	[sflag:s31] =	ssyncset.done $0x0  }
0xa0: {  	[sflag:s31] =	ssyncadd.s32 $0xFFFFD800  }
0xa1: {  	[spmem:s2] =	stream.indirect.scatter.add.f32 [tilespmem:s26], [sflag:$0x7], $0x80, s0, s19, $0xb8;
	[tilespmem:$0x1C100] =	vst v63  }
0xa2: {  	_ =	swait.ge [sflag:s15], $0x2800  }
0xa3: {  	s25 =	sshrl.u32 s21, $0x3;
	[sflag:s15] =	ssyncset.done $0x0  }
0xa4: {  	s25 =	sadd.s32 s5, s25;
	[sflag:s15] =	ssyncadd.s32 $0xFFFFD800  }
0xa5: {  	[tilespmem:s3], [sflag:$0x1] =	stream.linear.gather [hbm4b:s25+s3], $0x300, $0x38;
	[tilespmem:$0x1C100] =	vst v63  }
0xa6: {  	_ = 	snop  }
0xa7: {  	[tilespmem:s22], [sflag:$0x5] =	stream.indirect.gather [hbm4b:s4+s19], $0x80, s1, s19, $0xb8;
	[tilespmem:$0x1C100] =	vst v63  }
0xa8: {  	_ =	swait.ge [sflag:s23], $0x2800  }
0xa9: {  	[sflag:s23] =	ssyncset.done $0x0  }
0xaa: {  	[sflag:s23] =	ssyncadd.s32 $0xFFFFD800  }
0xab: {  	[spmem:s2] =	stream.indirect.scatter.add.f32 [tilespmem:s20], [sflag:$0x7], $0x80, s6, s19, $0xb8;
	[tilespmem:$0x1C100] =	vst v63  }
0xac: {  	_ =	swait.ge [sflag:s15], $0x2800  }
0xad: {  	[sflag:s15] =	ssyncset.done $0x0  }
0xae: {  	[sflag:s15] =	ssyncadd.s32 $0xFFFFD800  }
0xaf: {  	[tilespmem:s26], [sflag:$0x6] =	stream.indirect.gather [hbm4b:s4+s19], $0x80, s9, s19, $0xb8;
	[tilespmem:$0x1C100] =	vst v63  }
0xb0: {  	_ =	swait.ge [sflag:s28], $0x2800  }
0xb1: {  	[sflag:s28] =	ssyncset.done $0x0  }
0xb2: {  	[sflag:s28] =	ssyncadd.s32 $0xFFFFD800  }
0xb3: {  	[spmem:s2] =	stream.indirect.scatter.add.f32 [tilespmem:s22], [sflag:$0x7], $0x80, s10, s19, $0xb8;
	[tilespmem:$0x1C100] =	vst v63  }
0xb4: {  	_ =	swait.ge [sflag:s15], $0x2800  }
0xb5: {  	[sflag:s15] =	ssyncset.done $0x0  }
0xb6: {  	[sflag:s15] =	ssyncadd.s32 $0xFFFFD800  }
0xb7: {  	_ =	swait.ge [sflag:s11], $0x300  }
0xb8: {  	[sflag:s11] =	ssyncset.done $0x0  }
0xb9: {  	[sflag:s11] =	ssyncadd.s32 $0xFFFFFD00  }
0xba: {  	[tilespmem:s20], [sflag:$0x4] =	stream.indirect.gather [hbm4b:s4+s19], $0x80, s17, s19, $0xb8;
	[tilespmem:$0x1C100] =	vst v63  }
0xbb: {  	_ =	swait.ge [sflag:s31], $0x2800  }
0xbc: {  	[sflag:s31] =	ssyncset.done $0x0  }
0xbd: {  	[sflag:s31] =	ssyncadd.s32 $0xFFFFD800  }
0xbe: {  	[spmem:s2] =	stream.indirect.scatter.add.f32 [tilespmem:s26], [sflag:$0x7], $0x80, s12, s19, $0xb8;
	[tilespmem:$0x1C100] =	vst v63  }
0xbf: {  	_ =	swait.ge [sflag:s15], $0x2800  }
0xc0: {  	s24 =	smov.u32 s14;
	s25 =	rddreg [dreg:$0x4];
	[sflag:s15] =	ssyncset.done $0x0  }
0xc1: {  	[sflag:s15] =	ssyncadd.s32 $0xFFFFD800;
	s25 =	sadd.s32 s24, s25  }
0xc2: {  	[tilespmem:s16], [sflag:$0x2] =	stream.linear.gather [hbm4b:s25+s3], $0x300, $0x38;
	[tilespmem:$0x1C100] =	vst v63  }
0xc3: {  	_ = 	snop  }
0xc4: {  	[tilespmem:s22], [sflag:$0x5] =	stream.indirect.gather [hbm4b:s4+s19], $0x80, s8, s19, $0xb8;
	[tilespmem:$0x1C100] =	vst v63  }
0xc5: {  	_ =	swait.ge [sflag:s23], $0x2800  }
0xc6: {  	[sflag:s23] =	ssyncset.done $0x0  }
0xc7: {  	[sflag:s23] =	ssyncadd.s32 $0xFFFFD800  }
0xc8: {  	[spmem:s2] =	stream.indirect.scatter.add.f32 [tilespmem:s20], [sflag:$0x7], $0x80, s7, s19, $0xb8;
	[tilespmem:$0x1C100] =	vst v63  }
0xc9: {  	_ =	swait.ge [sflag:s15], $0x2800  }
0xca: {  	[sflag:s15] =	ssyncset.done $0x0  }
0xcb: {  	s25 =	rddreg [dreg:$0x5];
	[sflag:s15] =	ssyncadd.s32 $0xFFFFD800  }
0xcc: {  	[tilespmem:s26], [sflag:$0x6] =	stream.indirect.gather [hbm4b:s4+s19], $0x80, s25, s19, $0xb8;
	[tilespmem:$0x1C100] =	vst v63  }
0xcd: {  	_ =	swait.ge [sflag:s28], $0x2800  }
0xce: {  	[sflag:s28] =	ssyncset.done $0x0  }
0xcf: {  	[sflag:s28] =	ssyncadd.s32 $0xFFFFD800  }
0xd0: {  	[spmem:s2] =	stream.indirect.scatter.add.f32 [tilespmem:s22], [sflag:$0x7], $0x80, s13, s19, $0xb8;
	[tilespmem:$0x1C100] =	vst v63  }
0xd1: {  	_ =	swait.ge [sflag:s15], $0x2800  }
0xd2: {  	[sflag:s15] =	ssyncset.done $0x0  }
0xd3: {  	[sflag:s15] =	ssyncadd.s32 $0xFFFFD800  }
0xd4: {  	_ =	swait.ge [sflag:s18], $0x300  }
0xd5: {  	[sflag:s18] =	ssyncset.done $0x0  }
0xd6: {  	[sflag:s18] =	ssyncadd.s32 $0xFFFFFD00  }
0xd7: {  	[tilespmem:s20], [sflag:$0x4] =	stream.indirect.gather [hbm4b:s4+s19], $0x80, s3, s19, $0xb8;
	[tilespmem:$0x1C100] =	vst v63  }
0xd8: {  	_ =	swait.ge [sflag:s31], $0x2800  }
0xd9: {  	[sflag:s31] =	ssyncset.done $0x0  }
0xda: {  	p0 =	sne.s32 s14, $0xD80;
	s25 =	rddreg [dreg:$0x6];
	[sflag:s31] =	ssyncadd.s32 $0xFFFFD800  }
0xdb: {  	[spmem:s2] =	stream.indirect.scatter.add.f32 [tilespmem:s26], [sflag:$0x7], $0x80, s25, s19, $0xb8;
	[tilespmem:$0x1C100] =	vst v63  }
.Ltmp0:
0xdc: {  	_ = 	snop;
	(pc) =	sbr.rel @p0 .LBB2_2-.Ltmp0, $4  }
0xdd: {  	_ =	swait.ge [sflag:s15], $0x2800  }
0xde: {  	s14 =	sadd.s32 $0x120, s14;
	s25 =	rddreg [dreg:$0x3];
	[sflag:s15] =	ssyncset.done $0x0  }
0xdf: {  	s21 =	sadd.s32 $0x900, s21;
	[sflag:s15] =	ssyncadd.s32 $0xFFFFD800;
	s24 =	sadd.s32 s24, s25  }
0xe0: {  	[tilespmem:s17], [sflag:$0x3] =	stream.linear.gather [hbm4b:s24+s3], $0x300, $0x38;
	[tilespmem:$0x1C100] =	vst v63  }
0xe1: {  	s14 =	simm.s32 $0x100  }
0xe2: {  	[tilespmem:s22], [sflag:$0x5] =	stream.indirect.gather [hbm4b:s4+s19], $0x80, s14, s19, $0xb8;
	[tilespmem:$0x1C100] =	vst v63  }
0xe3: {  	_ =	swait.ge [sflag:s23], $0x2800  }
0xe4: {  	[sflag:s23] =	ssyncset.done $0x0  }
0xe5: {  	s21 =	simm.s32 $0x80;
	[sflag:s23] =	ssyncadd.s32 $0xFFFFD800  }
0xe6: {  	[spmem:s2] =	stream.indirect.scatter.add.f32 [tilespmem:s20], [sflag:$0x7], $0x80, s21, s19, $0xb8;
	[tilespmem:$0x1C100] =	vst v63  }
0xe7: {  	_ =	swait.ge [sflag:s15], $0x2800  }
0xe8: {  	[sflag:s15] =	ssyncset.done $0x0  }
0xe9: {  	s24 =	simm.s32 $0x200;
	[sflag:s15] =	ssyncadd.s32 $0xFFFFD800  }
0xea: {  	[tilespmem:s26], [sflag:$0x6] =	stream.indirect.gather [hbm4b:s4+s19], $0x80, s24, s19, $0xb8;
	[tilespmem:$0x1C100] =	vst v63  }
0xeb: {  	_ =	swait.ge [sflag:s28], $0x2800  }
0xec: {  	[sflag:s28] =	ssyncset.done $0x0  }
0xed: {  	[sflag:s28] =	ssyncadd.s32 $0xFFFFD800  }
0xee: {  	[spmem:s2] =	stream.indirect.scatter.add.f32 [tilespmem:s22], [sflag:$0x7], $0x80, s29, s19, $0xb8;
	[tilespmem:$0x1C100] =	vst v63  }
0xef: {  	_ =	swait.ge [sflag:s15], $0x2800  }
0xf0: {  	[sflag:s15] =	ssyncset.done $0x0  }
0xf1: {  	[sflag:s15] =	ssyncadd.s32 $0xFFFFD800  }
0xf2: {  	_ =	swait.ge [sflag:s30], $0x300  }
0xf3: {  	[sflag:s30] =	ssyncset.done $0x0  }
0xf4: {  	[sflag:s30] =	ssyncadd.s32 $0xFFFFFD00  }
0xf5: {  	[tilespmem:s20], [sflag:$0x4] =	stream.indirect.gather [hbm4b:s4+s19], $0x80, s16, s19, $0xb8;
	[tilespmem:$0x1C100] =	vst v63  }
0xf6: {  	_ =	swait.ge [sflag:s31], $0x2800  }
0xf7: {  	[sflag:s31] =	ssyncset.done $0x0  }
0xf8: {  	[sflag:s31] =	ssyncadd.s32 $0xFFFFD800  }
0xf9: {  	[spmem:s2] =	stream.indirect.scatter.add.f32 [tilespmem:s26], [sflag:$0x7], $0x80, s0, s19, $0xb8;
	[tilespmem:$0x1C100] =	vst v63  }
0xfa: {  	_ =	swait.ge [sflag:s15], $0x2800  }
0xfb: {  	[sflag:s15] =	ssyncset.done $0x0  }
0xfc: {  	[sflag:s15] =	ssyncadd.s32 $0xFFFFD800  }
0xfd: {  	[tilespmem:s22], [sflag:$0x5] =	stream.indirect.gather [hbm4b:s4+s19], $0x80, s1, s19, $0xb8;
	[tilespmem:$0x1C100] =	vst v63  }
0xfe: {  	_ =	swait.ge [sflag:s23], $0x2800  }
0xff: {  	[sflag:s23] =	ssyncset.done $0x0  }
0x100: {  	[sflag:s23] =	ssyncadd.s32 $0xFFFFD800  }
0x101: {  	[spmem:s2] =	stream.indirect.scatter.add.f32 [tilespmem:s20], [sflag:$0x7], $0x80, s6, s19, $0xb8;
	[tilespmem:$0x1C100] =	vst v63  }
0x102: {  	_ =	swait.ge [sflag:s15], $0x2800  }
0x103: {  	[sflag:s15] =	ssyncset.done $0x0  }
0x104: {  	[sflag:s15] =	ssyncadd.s32 $0xFFFFD800  }
0x105: {  	[tilespmem:s26], [sflag:$0x6] =	stream.indirect.gather [hbm4b:s4+s19], $0x80, s9, s19, $0xb8;
	[tilespmem:$0x1C100] =	vst v63  }
0x106: {  	_ =	swait.ge [sflag:s28], $0x2800  }
0x107: {  	[sflag:s28] =	ssyncset.done $0x0  }
0x108: {  	[sflag:s28] =	ssyncadd.s32 $0xFFFFD800  }
0x109: {  	[spmem:s2] =	stream.indirect.scatter.add.f32 [tilespmem:s22], [sflag:$0x7], $0x80, s10, s19, $0xb8;
	[tilespmem:$0x1C100] =	vst v63  }
0x10a: {  	_ =	swait.ge [sflag:s15], $0x2800  }
0x10b: {  	[sflag:s15] =	ssyncset.done $0x0  }
0x10c: {  	[sflag:s15] =	ssyncadd.s32 $0xFFFFD800  }
0x10d: {  	_ =	swait.ge [sflag:s11], $0x300  }
0x10e: {  	[sflag:s11] =	ssyncset.done $0x0  }
0x10f: {  	[sflag:s11] =	ssyncadd.s32 $0xFFFFFD00  }
0x110: {  	[tilespmem:s20], [sflag:$0x4] =	stream.indirect.gather [hbm4b:s4+s19], $0x80, s17, s19, $0xb8;
	[tilespmem:$0x1C100] =	vst v63  }
0x111: {  	_ =	swait.ge [sflag:s31], $0x2800  }
0x112: {  	[sflag:s31] =	ssyncset.done $0x0  }
0x113: {  	[sflag:s31] =	ssyncadd.s32 $0xFFFFD800  }
0x114: {  	[spmem:s2] =	stream.indirect.scatter.add.f32 [tilespmem:s26], [sflag:$0x7], $0x80, s12, s19, $0xb8;
	[tilespmem:$0x1C100] =	vst v63  }
0x115: {  	_ =	swait.ge [sflag:s15], $0x2800  }
0x116: {  	[sflag:s15] =	ssyncset.done $0x0  }
0x117: {  	[sflag:s15] =	ssyncadd.s32 $0xFFFFD800  }
0x118: {  	[tilespmem:s22], [sflag:$0x5] =	stream.indirect.gather [hbm4b:s4+s19], $0x80, s8, s19, $0xb8;
	[tilespmem:$0x1C100] =	vst v63  }
0x119: {  	_ =	swait.ge [sflag:s23], $0x2800  }
0x11a: {  	[sflag:s23] =	ssyncset.done $0x0  }
0x11b: {  	[sflag:s23] =	ssyncadd.s32 $0xFFFFD800  }
0x11c: {  	[spmem:s2] =	stream.indirect.scatter.add.f32 [tilespmem:s20], [sflag:$0x7], $0x80, s7, s19, $0xb8;
	[tilespmem:$0x1C100] =	vst v63  }
0x11d: {  	_ =	swait.ge [sflag:s15], $0x2800  }
0x11e: {  	[sflag:s15] =	ssyncset.done $0x0  }
0x11f: {  	[sflag:s15] =	ssyncadd.s32 $0xFFFFD800  }
0x120: {  	_ =	swait.ge [sflag:s28], $0x2800  }
0x121: {  	[sflag:s28] =	ssyncset.done $0x0  }
0x122: {  	[sflag:s28] =	ssyncadd.s32 $0xFFFFD800  }
0x123: {  	[spmem:s2] =	stream.indirect.scatter.add.f32 [tilespmem:s22], [sflag:$0x7], $0x80, s13, s19, $0xb8;
	[tilespmem:$0x1C100] =	vst v63  }
0x124: {  	_ =	swait.ge [sflag:s15], $0x2800  }
0x125: {  	[sflag:s15] =	ssyncset.done $0x0  }
0x126: {  	[sflag:s15] =	ssyncadd.s32 $0xFFFFD800  }
0x127: {  	[bflag:$0x0] =	sbarrier.arrive $0xFFFF  }
0x128: {  	s21 =	rddreg [dreg:$0x8]  }
0x129: {  	s25 =	rddreg [dreg:$0xc]  }
0x12a: {  	s24 =	rddreg [dreg:$0xf]  }
0x12b: {  	[hbm:s25], [sflag:s21] =	dma.local [spmem:s24], $0x2800  }
0x12c: {  	_ =	swait.ge [sflag:s15], $0x2800  }
0x12d: {  	s25 =	rddreg [dreg:$0x10]  }
0x12e: {  	s14 =	rddreg [dreg:$0xd];
	s25 =	sadd.s32 $0x1, s25  }
0x12f: {  	p0 =	sne.s32 s25, s14  }
.Ltmp1:
0x130: {  	_ = 	snop;
	(pc) =	sbr.rel @p0 .LBB2_1-.Ltmp1, $3  }
0x131: {  	_ =	sdelay $0x1  }
0x132: {  	[sflag:s15] =	ssyncset.done $0x0  }
0x133: {  	[sflag:s15] =	ssyncadd.s32 $0xFFFFD800  }
0x134: {  	_ =	sfence.sel $0x180000  }
0x135: {  	[bflag:$0x0] =	sbarrier.arrive $0xFFFF  }
0x136: {  	_ =	strace $0x9000004A  }
0x137: {  	s0 =	stileid.u32;
	[bflag:$0x2] =	sbarrier.arrive $0xFFFF  }
0x138: {  	p0 =	sne.s32 s0, $0x0;
	s0 =	rddreg [dreg:$0x2]  }
0x139: {  	s0 =	sadd.s32 @!p0 $0x100000, s0  }
0x13a: {  	[sflag:s0] =	ssyncadd.tile.s32 @!p0 $0x1;
	_ =	shalt  }
.Lfunc_end2:
_tile_overlayer_lowered:
.L_overlay_start_2:
0x13b: {  	(tag) =	ssettag $0x2  }
0x13c: {  	s0 =	rddreg [dreg:$0x0];
	s2 =	stileid.u32  }
0x13d: {  	s1 =	rddreg [dreg:$0x1];
	p0 =	sne.s32 s2, $0x0  }
0x13e: {  	s3 =	rddreg [dreg:$0x2];
	[bflag:$0x3] =	sbarrier.arrive $0xFFFF;
	s2 =	simm.s32 @!p0 $0x1C07  }
0x13f: {  	[timem:s3], [sflag:s2] =	dma.local @!p0 [hbm:s0], s1  }
0x140: {  	s0 =	simm.s32 @!p0 $0x7  }
0x141: {  	_ =	swait.ge @!p0 [sflag:s0], s1  }
0x142: {  	s1 =	ssub.s32 @!p0 $0x0, s1;
	[sflag:s0] =	ssyncset.done @!p0 $0x0  }
0x143: {  	[sflag:s0] =	ssyncadd.s32 @!p0 s1  }
0x144: {  	[bflag:$0x3] =	sbarrier.arrive $0xFFFF  }
0x145: {  	_ =	shalt  }

// kernel: kernel.14.cloned.1.call-start
scs
__scs_entry_jumppad:
0x0: {  	(pc) =	sbr.rel $0x88, $3  }
0x1: {  	(tag) =	ssettag $0x0;
	lr =	simm.s32 $0x1  }
0x2: {  	[smem:$0x3F98] =	sst lr;
	_ =	strace $0xD0000000  }
0x3: {  	_ = 	snop  }
0x4: {  	_ = 	snop  }
0x5: {  	_ = 	snop  }
0x6: {  	_ = 	snop  }
0x7: {  	_ = 	snop  }
__scs_overlays_trampoline_lowered:
0x8: {  	[smem:$0x3FA7] =	sst s0  }
0x9: {  	[smem:$0x3FA8] =	sst s1  }
0xa: {  	[smem:$0x3FA9] =	sst s2  }
0xb: {  	[smem:$0x3FAA] =	sst s3  }
0xc: {  	[smem:$0x3FAB] =	sst s4  }
0xd: {  	[smem:$0x3FAC] =	sst s5  }
0xe: {  	[smem:$0x3FAD] =	sst s6  }
0xf: {  	[smem:$0x3FAE] =	sst s7  }
0x10: {  	[smem:$0x3FAF] =	sst s8  }
0x11: {  	[smem:$0x3FB0] =	sst s9;
	s0 =	simm.s32 @!p0 $0x0  }
0x12: {  	s1 =	sld [smem:$0x3F96];
	s0 =	simm.s32 @p0 $0x1  }
0x13: {  	[smem:$0x3FB1] =	sst s0;
	s0 =	simm.s32 @!p1 $0x0  }
0x14: {  	s2 =	sld [smem:$0x3F95];
	s0 =	simm.s32 @p1 $0x1  }
0x15: {  	[smem:$0x3FB2] =	sst s0;
	s0 =	simm.s32 @!p2 $0x0  }
0x16: {  	s3 =	sld [smem:$0x3FDB];
	s0 =	simm.s32 @p2 $0x1  }
0x17: {  	s4 =	simm.s32 $0x1BF5;
	[smem:$0x3FB4] =	sst s0  }
0x18: {  	s0 =	sld [smem:$0x3F97];
	_ =	swait.ge [sflag:s4], $0x0  }
0x19: {  	s7 =	sld [smem:$0x3F98]  }
0x1a: {  	s8 =	sadd.s32 $0xFFFFE003, lr  }
0x1b: {  	s9 =	sadd.s32 $0xFFFFFEF7, lr;
	s5 =	simm.s32 $0xFFFFFFFF;
	p2 =	slt.u32 s8, $0xFFFFF086  }
0x1c: {  	p1 =	slt.u32 s9, $0xF7A;
	s5 =	simm.s32 @!p2 $0x0  }
0x1d: {  	s5 =	simm.s32 @p1 $0x1;
	p0 =	seq.s32 s7, s2  }
0x1e: {  	s7 =	smul.u32 @!p0 $0xF7A, s2;
	p2 =	seq.s32 @!p0 s5, $0x0  }
0x1f: {  	s9 =	smul.u32 $0xF7A, s1;
	s8 =	simm.s32 @!p0 $0x1BF5;
	p2 =	por !p2, p0  }
0x20: {  	[sflag:s8] =	ssyncset.s32 @!p0 $0xFFFFF086;
	s6 =	sadd.s32 @!p0 s3, s7;
	s7 =	simm.s32 @!p0 $0x108  }
0x21: {  	s3 =	sadd.s32 s3, s9;
	s6 =	sadd.s32 @!p0 $0x88, s6;
	s7 =	simm.s32 @p2 $0x1082  }
0x22: {  	[simem:s7], [sflag:s8] =	dma.local @!p0 [hbm:s6], $0xF7A  }
0x23: {  	s9 =	sor.u32 $0xD0000000, s2;
	s6 =	simm.s32 $0x108;
	_ =	swait.ge @!p0 [sflag:s8], $0x0  }
0x24: {  	s3 =	sadd.s32 $0x88, s3;
	s6 =	simm.s32 @!p1 $0x1082;
	[sflag:s4] =	ssyncset.s32 $0xFFFFF086  }
0x25: {  	[simem:s6], [sflag:s4] =	dma.local [hbm:s3], $0xF7A  }
0x26: {  	[smem:$0x3F98] =	sst s1;
	(tag) =	ssettag s2;
	_ =	strace s9  }
0x27: {  	s1 =	sld [smem:$0x3FA8]  }
0x28: {  	s2 =	sld [smem:$0x3FA9]  }
0x29: {  	s4 =	sld [smem:$0x3FAB]  }
0x2a: {  	p0 =	seq.s32 s5, $0x0;
	s5 =	sld [smem:$0x3FAC]  }
0x2b: {  	s6 =	sld [smem:$0x3FAD]  }
0x2c: {  	s7 =	sld [smem:$0x3FAE]  }
0x2d: {  	s3 =	simm.s32 $0x108;
	s8 =	sld [smem:$0x3FAF]  }
0x2e: {  	s3 =	simm.s32 @!p0 $0x1082;
	s9 =	sld [smem:$0x3FB0]  }
0x2f: {  	lr =	sadd.s32 s0, s3;
	s0 =	sld [smem:$0x3FA7]  }
0x30: {  	s3 =	sld [smem:$0x3FAA]  }
0x31: {  	[smem:$0x3FB3] =	sst s10  }
0x32: {  	s10 =	sld [smem:$0x3FB1];
	_ =	sdelay $0x3  }
0x33: {  	p0 =	seq.s32 s10, $0x1;
	s10 =	sld [smem:$0x3FB3];
	_ =	sdelay $0x3  }
0x34: {  	[smem:$0x3FB3] =	sst s10  }
0x35: {  	s10 =	sld [smem:$0x3FB2];
	_ =	sdelay $0x3  }
0x36: {  	p1 =	seq.s32 s10, $0x1;
	s10 =	sld [smem:$0x3FB3];
	_ =	sdelay $0x3  }
0x37: {  	[smem:$0x3FB3] =	sst s10  }
0x38: {  	s10 =	sld [smem:$0x3FB4]  }
0x39: {  	_ = 	snop;
	(pc) =	sbr.ind lr, $3  }
0x3a: {  	_ = 	snop  }
0x3b: {  	_ = 	snop  }
0x3c: {  	p2 =	seq.s32 s10, $0x1;
	s10 =	sld [smem:$0x3FB3]  }
0x3d: {  	_ =	shalt  }
0x3e: {  	_ =	shalt  }
0x3f: {  	_ =	shalt  }
0x40: {  	_ =	shalt  }
0x41: {  	_ =	shalt  }
0x42: {  	_ =	shalt  }
0x43: {  	_ =	shalt  }
0x44: {  	_ =	shalt  }
0x45: {  	_ =	shalt  }
0x46: {  	_ =	shalt  }
0x47: {  	_ =	shalt  }
0x48: {  	_ =	shalt  }
0x49: {  	_ =	shalt  }
0x4a: {  	_ =	shalt  }
0x4b: {  	_ =	shalt  }
0x4c: {  	_ =	shalt  }
0x4d: {  	_ =	shalt  }
0x4e: {  	_ =	shalt  }
0x4f: {  	_ =	shalt  }
0x50: {  	_ =	shalt  }
0x51: {  	_ =	shalt  }
0x52: {  	_ =	shalt  }
0x53: {  	_ =	shalt  }
0x54: {  	_ =	shalt  }
0x55: {  	_ =	shalt  }
0x56: {  	_ =	shalt  }
0x57: {  	_ =	shalt  }
0x58: {  	_ =	shalt  }
0x59: {  	_ =	shalt  }
0x5a: {  	_ =	shalt  }
0x5b: {  	_ =	shalt  }
0x5c: {  	_ =	shalt  }
0x5d: {  	_ =	shalt  }
0x5e: {  	_ =	shalt  }
0x5f: {  	_ =	shalt  }
0x60: {  	_ =	shalt  }
0x61: {  	_ =	shalt  }
0x62: {  	_ =	shalt  }
0x63: {  	_ =	shalt  }
0x64: {  	_ =	shalt  }
0x65: {  	_ =	shalt  }
0x66: {  	_ =	shalt  }
0x67: {  	_ =	shalt  }
0x68: {  	_ =	shalt  }
0x69: {  	_ =	shalt  }
0x6a: {  	_ =	shalt  }
0x6b: {  	_ =	shalt  }
0x6c: {  	_ =	shalt  }
0x6d: {  	_ =	shalt  }
0x6e: {  	_ =	shalt  }
0x6f: {  	_ =	shalt  }
0x70: {  	_ =	shalt  }
0x71: {  	_ =	shalt  }
0x72: {  	_ =	shalt  }
0x73: {  	_ =	shalt  }
0x74: {  	_ =	shalt  }
0x75: {  	_ =	shalt  }
0x76: {  	_ =	shalt  }
0x77: {  	_ =	shalt  }
0x78: {  	_ =	shalt  }
0x79: {  	_ =	shalt  }
0x7a: {  	_ =	shalt  }
0x7b: {  	_ =	shalt  }
0x7c: {  	_ =	shalt  }
0x7d: {  	_ =	shalt  }
0x7e: {  	_ =	shalt  }
0x7f: {  	_ =	shalt  }
0x80: {  	_ =	shalt  }
0x81: {  	_ =	shalt  }
0x82: {  	_ =	shalt  }
0x83: {  	_ =	shalt  }
0x84: {  	_ =	shalt  }
0x85: {  	_ =	shalt  }
0x86: {  	_ =	shalt  }
0x87: {  	_ =	shalt  }
.Lfunc_end0:
.L_simem_size_0:
called_computation.2_lowered:
.L_overlay_start_0:
0x88: {  	s2 =	sld [smem:$0x3FD9]  }
0x89: {  	s3 =	sld [smem:$0x3FFE];
	_ =	sdelay $0x1  }
0x8a: {  	s1 =	srdreg.scid  }
0x8b: {  	s0 =	sand.u32 $0x1, s1  }
0x8c: {  	s16 =	sshll.u32 s0, $0xA;
	s2 =	sadd.s32 s3, s2  }
0x8d: {  	s2 =	sadd.s32 s2, s16  }
0x8e: {  	[smem:$0x3FBF] =	sst s2  }
0x8f: {  	_ = 	snop  }
0x90: {  	(tm) =	ssettm $0x1  }
0x91: {  	s17 =	sld [smem:$0x3FFB];
	_ =	sdelay $0x3  }
0x92: {  	_ =	strace s17  }
0x93: {  	s2 =	sld [smem:$0x3FFC];
	_ =	sdelay $0x3  }
0x94: {  	_ =	strace s2  }
0x95: {  	s2 =	sld [smem:$0x3FFD];
	_ =	sdelay $0x3  }
0x96: {  	_ =	strace s2  }
0x97: {  	_ =	strace $0x8FFFFFFF  }
0x98: {  	s18 =	sld [smem:$0x3FDB];
	_ =	sdelay $0x1  }
0x99: {  	s19 =	simm.s32 $_scs_section_size  }
0x9a: {  	s4 =	simm.s32 $_size__tile_overlayer_lowered;
	s5 =	simm.s32 $_tile_overlayer_lowered  }
0x9b: {  	s22 =	simm.s32 $0x1BFF;
	s21 =	sshll.u32 s5, $0x1;
	s2 =	sadd.s32 s19, s18  }
0x9c: {  	s6 =	simm.s32 $0x0;
	s20 =	sshll.u32 s4, $0x1;
	s4 =	sadd.s32 s21, s2  }
0x9d: {  	[timem:s6], [sflag:s22] =	dma.local [hbm:s4], s20  }
0x9e: {  	_ =	swait.ge [sflag:s22], s20  }
0x9f: {  	s3 =	ssub.s32 $0x0, s20;
	[sflag:s22] =	ssyncset.done $0x0  }
0xa0: {  	[sflag:s22] =	ssyncadd.s32 s3;
	_ =	sdelay $0x1  }
0xa1: {  	s23 =	simm.s32 $0x1B8B  }
0xa2: {  	_ =	swait.ge [sflag:s23], $0x1  }
0xa3: {  	[sflag:s23] =	ssyncset.done $0x0  }
0xa4: {  	s25 =	simm.s32 $0x1B8E;
	s24 =	sld [smem:$0x3FFE];
	[sflag:s23] =	ssyncadd.s32 $0xFFFFFFFF  }
0xa5: {  	s26 =	simm.s32 $execute0_lowered;
	[smem:$0x3FD2] =	sst s25  }
0xa6: {  	s4 =	sshll.u32 s26, $0x1;
	_ =	strace $0x8000004C;
	[dreg:$0x1] =	wrdreg $0xFFFFFFFF  }
0xa7: {  	s28 =	simm.s32 $_size_execute0_lowered;
	s2 =	sadd.s32 s2, s4;
	[dreg:$0x0] =	wrdreg $0x0  }
0xa8: {  	s4 =	sshll.u32 s28, $0x1;
	[dreg:$0x2] =	wrdreg s2  }
0xa9: {  	[dreg:$0x3] =	wrdreg s4  }
0xaa: {  	[dreg:$0x4] =	wrdreg $0xC0  }
0xab: {  	_ =	task [dreg:s6], $0x5FFFF  }
0xac: {  	[dreg:$0x1] =	wrdreg $0xFFFFFFFF  }
0xad: {  	[dreg:$0x0] =	wrdreg $0x60  }
0xae: {  	[dreg:$0x2] =	wrdreg s24  }
0xaf: {  	[dreg:$0x3] =	wrdreg $0x81000  }
0xb0: {  	[dreg:$0x4] =	wrdreg $0x9  }
0xb1: {  	_ =	task.clear_ibuf [dreg:s6], $0x5FFFF;
	_ =	strace $0x9000004C  }
0xb2: {  	s29 =	simm.s32 $0x9;
	_ =	strace $0x8000004E  }
0xb3: {  	_ =	swait.ge [sflag:s29], $0x1  }
0xb4: {  	[sflag:s29] =	ssyncadd.s32 $0xFFFFFFFF  }
0xb5: {  	_ =	strace $0x9000004E  }
0xb6: {  	_ =	sfence  }
0xb7: {  	s30 =	sld [smem:$0x0];
	_ =	sdelay $0x2  }
0xb8: {  	s31 =	sshll.u32 s1, $0xD;
	s1 =	sshrl.u32 s1, $0x2  }
0xb9: {  	s3 =	sand.u32 $0x4000, s31;
	s1 =	sadd.s32 s1, s30  }
0xba: {  	s0 =	sor.u32 s3, s0;
	s1 =	sshll.u32 s1, $0x11  }
0xbb: {  	s0 =	sor.u32 s1, s0  }
0xbc: {  	s0 =	sadd.s32 $0x8F2B, s0  }
0xbd: {  	[sflag:s0] =	ssyncadd.remote.s32 $0x1  }
0xbe: {  	_ =	sfence.sel $0xFFFF  }
0xbf: {  	[dreg:$0x0] =	wrdreg $0xFFFFFFFF;
	(pc) =	sbr.abs _section_cstart, $3  }
0xc0: {  	[dreg:$0x1] =	wrdreg $0xFFFFFFFF  }
0xc1: {  	_ =	task.clear_ibuf [dreg:s6], $0x2FFFF;
	_ =	strace $0x9FFFFFFF  }
0xc2: {  	(tm) =	ssettm $0x7FFFFFFF  }
0xc3: {  	_ =	shalt  }
tec
execute0_lowered:
.L_overlay_start_1:
0x0: {  	(tag) =	ssettag $0x1  }
0x1: {  	s0 =	rddreg [dreg:$0x0]  }
0x2: {  	s2 =	rddreg [dreg:$0x1]  }
0x3: {  	s12 =	stileid.u32;
	s1 =	srdreg.scid  }
0x4: {  	s3 =	simm.s32 $0x0;
	s25 =	simm.s32 $0x800;
	s28 =	simm.s32 $0x5  }
0x5: {  	s29 =	simm.s32 $0x180;
	s30 =	simm.s32 $0x2;
	s5 =	smul.u32 $0x14000, s12  }
0x6: {  	s31 =	simm.s32 $0x6;
	s1 =	sand.u32 $0x1, s1;
	s8 =	smul.u32 $0x50000, s12  }
0x7: {  	[smem:$0x7FF] =	sst s3;
	s4 =	sadd.s32 $0x35E00, s0;
	s11 =	smul.u32 $0x7E00, s12  }
0x8: {  	s14 =	sshll.u32 s12, $0x6;
	s6 =	smul.u32 $0x140000, s1;
	_ =	strace $0x8000004D  }
0x9: {  	s26 =	ssub.s32 $0x2, s1;
	s10 =	sshll.u32 s1, $0x4;
	s1 =	smul.u32 $0x7E000, s1  }
0xa: {  	s21 =	sor.u32 $0x1C07, s14;
	[dreg:$0x5] =	wrdreg s25;
	s25 =	simm.s32 $0x0  }
0xb: {  	s7 =	sshrl.u32 s5, $0x3;
	s9 =	sshrl.u32 s26, $0x1;
	s8 =	sshrl.u32 s8, $0x2  }
0xc: {  	s10 =	sor.u32 s12, s10;
	s12 =	simm.s32 $0x580;
	[dreg:$0x8] =	wrdreg s21  }
0xd: {  	s6 =	sadd.s32 s5, s6;
	s7 =	sadd.s32 s7, s0;
	s5 =	sadd.s32 $0x16600, s0  }
0xe: {  	s8 =	sadd.s32 s8, s2;
	s13 =	smul.u32 $0x7E00, s10;
	s1 =	sadd.s32 s11, s1  }
0xf: {  	s11 =	simm.s32 $0x3;
	s6 =	sshrl.u32 s6, $0x3;
	s7 =	sadd.s32 $0x5DE00, s7  }
0x10: {  	s16 =	sadd.s32 $0xF00, s1;
	s19 =	sadd.s32 $0xC00, s1;
	s24 =	sadd.s32 $0x900, s1  }
0x11: {  	s1 =	simm.s32 $0x400;
	s0 =	sadd.s32 s6, s0;
	s6 =	ssub.s32 s26, s9  }
0x12: {  	[dreg:$0x7] =	wrdreg s7;
	s15 =	sshrl.u32 s13, $0x3;
	s18 =	sshrl.u32 s16, $0x3  }
0x13: {  	s9 =	sshrl.u32 s19, $0x3;
	[dreg:$0xe] =	wrdreg s24;
	s24 =	sshrl.u32 s8, $0x3  }
0x14: {  	s16 =	simm.s32 $0x300;
	s19 =	simm.s32 $0x50;
	s26 =	simm.s32 $0x880  }
0x15: {  	s8 =	simm.s32 $0x700;
	s13 =	simm.s32 $0x780;
	[dreg:$0x6] =	wrdreg s26  }
0x16: {  	s17 =	sadd.s32 s5, s15;
	s7 =	sadd.s32 s18, s5;
	[dreg:$0xf] =	wrdreg s24  }
0x17: {  	s22 =	sadd.s32 s9, s5;
	s0 =	sadd.s32 $0x85E00, s0;
	[dreg:$0x9] =	wrdreg s17  }
0x18: {  	s23 =	smax.u32 s6, $0x1;
	s15 =	simm.s32 $0x7;
	[dreg:$0x3] =	wrdreg s7  }
0x19: {  	s18 =	simm.s32 $0x1;
	s26 =	simm.s32 $0x5900;
	[dreg:$0xc] =	wrdreg s0  }
0x1a: {  	s6 =	simm.s32 $0x380;
	s9 =	simm.s32 $0x500;
	[dreg:$0xd] =	wrdreg s23  }
0x1b: {  	s20 =	sadd.s32 $0x60, s17;
	s10 =	sadd.s32 $0xC0, s17;
	[dreg:$0x4] =	wrdreg s22  }
0x1c: {  	s17 =	simm.s32 $0x600;
	s22 =	simm.s32 $0x3100;
	s23 =	simm.s32 $0x4  }
0x1d: {  	s0 =	simm.s32 $0x280;
	s7 =	simm.s32 $0x680;
	[dreg:$0xa] =	wrdreg s20  }
0x1e: {  	[dreg:$0xb] =	wrdreg s10;
	s20 =	simm.s32 $0x900;
	s10 =	simm.s32 $0x480  }
.LBB2_1:
0x1f: {  	[dreg:$0x10] =	wrdreg s25  }
0x20: {  	s14 =	rddreg [dreg:$0x7]  }
0x21: {  	[spmem:s24], [sflag:s21] =	dma.local [hbm:s14], $0x2800  }
0x22: {  	_ =	swait.ge [sflag:s15], $0x2800  }
0x23: {  	[sflag:s15] =	ssyncset.done $0x0  }
0x24: {  	[sflag:s15] =	ssyncadd.s32 $0xFFFFD800  }
0x25: {  	[bflag:$0x0] =	sbarrier.arrive $0xFFFF  }
0x26: {  	s25 =	rddreg [dreg:$0x9]  }
0x27: {  	[tilespmem:s3], [sflag:$0x1] =	stream.linear.gather [hbm4b:s25+s3], $0x300, $0x38;
	[tilespmem:$0x1C100] =	vst v63  }
0x28: {  	s21 =	rddreg [dreg:$0xa]  }
0x29: {  	[tilespmem:s16], [sflag:$0x2] =	stream.linear.gather [hbm4b:s21+s3], $0x300, $0x38;
	[tilespmem:$0x1C100] =	vst v63  }
0x2a: {  	s24 =	rddreg [dreg:$0xb]  }
0x2b: {  	[tilespmem:s17], [sflag:$0x3] =	stream.linear.gather [hbm4b:s24+s3], $0x300, $0x38;
	[tilespmem:$0x1C100] =	vst v63  }
0x2c: {  	_ =	swait.ge [sflag:s18], $0x300  }
0x2d: {  	[sflag:s18] =	ssyncset.done $0x0  }
0x2e: {  	[sflag:s18] =	ssyncadd.s32 $0xFFFFFD00  }
0x2f: {  	[tilespmem:s20], [sflag:$0x4] =	stream.indirect.gather [hbm4b:s4+s19], $0x80, s3, s19, $0xb8;
	[tilespmem:$0x1C100] =	vst v63  }
0x30: {  	s25 =	simm.s32 $0x100  }
0x31: {  	[tilespmem:s22], [sflag:$0x5] =	stream.indirect.gather [hbm4b:s4+s19], $0x80, s25, s19, $0xb8;
	[tilespmem:$0x1C100] =	vst v63  }
0x32: {  	_ =	swait.ge [sflag:s23], $0x2800  }
0x33: {  	[sflag:s23] =	ssyncset.done $0x0  }
0x34: {  	s21 =	simm.s32 $0x80;
	[sflag:s23] =	ssyncadd.s32 $0xFFFFD800  }
0x35: {  	[spmem:s2] =	stream.indirect.scatter.add.f32 [tilespmem:s20], [sflag:$0x7], $0x80, s21, s19, $0xb8;
	[tilespmem:$0x1C100] =	vst v63  }
0x36: {  	_ =	swait.ge [sflag:s15], $0x2800  }
0x37: {  	[sflag:s15] =	ssyncset.done $0x0  }
0x38: {  	s24 =	simm.s32 $0x200;
	[sflag:s15] =	ssyncadd.s32 $0xFFFFD800  }
0x39: {  	[tilespmem:s26], [sflag:$0x6] =	stream.indirect.gather [hbm4b:s4+s19], $0x80, s24, s19, $0xb8;
	[tilespmem:$0x1C100] =	vst v63  }
0x3a: {  	_ =	swait.ge [sflag:s28], $0x2800  }
0x3b: {  	[sflag:s28] =	ssyncset.done $0x0  }
0x3c: {  	[sflag:s28] =	ssyncadd.s32 $0xFFFFD800  }
0x3d: {  	[spmem:s2] =	stream.indirect.scatter.add.f32 [tilespmem:s22], [sflag:$0x7], $0x80, s29, s19, $0xb8;
	[tilespmem:$0x1C100] =	vst v63  }
0x3e: {  	_ =	swait.ge [sflag:s15], $0x2800  }
0x3f: {  	[sflag:s15] =	ssyncset.done $0x0  }
0x40: {  	[sflag:s15] =	ssyncadd.s32 $0xFFFFD800  }
0x41: {  	_ =	swait.ge [sflag:s30], $0x300  }
0x42: {  	[sflag:s30] =	ssyncset.done $0x0  }
0x43: {  	[sflag:s30] =	ssyncadd.s32 $0xFFFFFD00  }
0x44: {  	[tilespmem:s20], [sflag:$0x4] =	stream.indirect.gather [hbm4b:s4+s19], $0x80, s16, s19, $0xb8;
	[tilespmem:$0x1C100] =	vst v63  }
0x45: {  	_ =	swait.ge [sflag:s31], $0x2800  }
0x46: {  	[sflag:s31] =	ssyncset.done $0x0  }
0x47: {  	[sflag:s31] =	ssyncadd.s32 $0xFFFFD800  }
0x48: {  	[spmem:s2] =	stream.indirect.scatter.add.f32 [tilespmem:s26], [sflag:$0x7], $0x80, s0, s19, $0xb8;
	[tilespmem:$0x1C100] =	vst v63  }
0x49: {  	_ =	swait.ge [sflag:s15], $0x2800  }
0x4a: {  	s21 =	rddreg [dreg:$0xe]  }
0x4b: {  	[sflag:s15] =	ssyncset.done $0x0;
	s25 =	sshrl.u32 s21, $0x3  }
0x4c: {  	[sflag:s15] =	ssyncadd.s32 $0xFFFFD800;
	s14 =	sadd.s32 s5, s25  }
0x4d: {  	[tilespmem:s3], [sflag:$0x1] =	stream.linear.gather [hbm4b:s14+s3], $0x300, $0x38;
	[tilespmem:$0x1C100] =	vst v63  }
0x4e: {  	_ = 	snop  }
0x4f: {  	[tilespmem:s22], [sflag:$0x5] =	stream.indirect.gather [hbm4b:s4+s19], $0x80, s1, s19, $0xb8;
	[tilespmem:$0x1C100] =	vst v63  }
0x50: {  	_ =	swait.ge [sflag:s23], $0x2800  }
0x51: {  	[sflag:s23] =	ssyncset.done $0x0  }
0x52: {  	[sflag:s23] =	ssyncadd.s32 $0xFFFFD800  }
0x53: {  	[spmem:s2] =	stream.indirect.scatter.add.f32 [tilespmem:s20], [sflag:$0x7], $0x80, s6, s19, $0xb8;
	[tilespmem:$0x1C100] =	vst v63  }
0x54: {  	_ =	swait.ge [sflag:s15], $0x2800  }
0x55: {  	[sflag:s15] =	ssyncset.done $0x0  }
0x56: {  	[sflag:s15] =	ssyncadd.s32 $0xFFFFD800  }
0x57: {  	[tilespmem:s26], [sflag:$0x6] =	stream.indirect.gather [hbm4b:s4+s19], $0x80, s9, s19, $0xb8;
	[tilespmem:$0x1C100] =	vst v63  }
0x58: {  	_ =	swait.ge [sflag:s28], $0x2800  }
0x59: {  	[sflag:s28] =	ssyncset.done $0x0  }
0x5a: {  	[sflag:s28] =	ssyncadd.s32 $0xFFFFD800  }
0x5b: {  	[spmem:s2] =	stream.indirect.scatter.add.f32 [tilespmem:s22], [sflag:$0x7], $0x80, s10, s19, $0xb8;
	[tilespmem:$0x1C100] =	vst v63  }
0x5c: {  	_ =	swait.ge [sflag:s15], $0x2800  }
0x5d: {  	[sflag:s15] =	ssyncset.done $0x0  }
0x5e: {  	[sflag:s15] =	ssyncadd.s32 $0xFFFFD800  }
0x5f: {  	_ =	swait.ge [sflag:s11], $0x300  }
0x60: {  	[sflag:s11] =	ssyncset.done $0x0  }
0x61: {  	[sflag:s11] =	ssyncadd.s32 $0xFFFFFD00  }
0x62: {  	[tilespmem:s20], [sflag:$0x4] =	stream.indirect.gather [hbm4b:s4+s19], $0x80, s17, s19, $0xb8;
	[tilespmem:$0x1C100] =	vst v63  }
0x63: {  	_ =	swait.ge [sflag:s31], $0x2800  }
0x64: {  	[sflag:s31] =	ssyncset.done $0x0  }
0x65: {  	[sflag:s31] =	ssyncadd.s32 $0xFFFFD800  }
0x66: {  	[spmem:s2] =	stream.indirect.scatter.add.f32 [tilespmem:s26], [sflag:$0x7], $0x80, s12, s19, $0xb8;
	[tilespmem:$0x1C100] =	vst v63  }
0x67: {  	_ =	swait.ge [sflag:s15], $0x2800  }
0x68: {  	s24 =	rddreg [dreg:$0x4];
	[sflag:s15] =	ssyncset.done $0x0  }
0x69: {  	[sflag:s15] =	ssyncadd.s32 $0xFFFFD800;
	s14 =	sadd.s32 $0x0, s24  }
0x6a: {  	[tilespmem:s16], [sflag:$0x2] =	stream.linear.gather [hbm4b:s14+s3], $0x300, $0x38;
	[tilespmem:$0x1C100] =	vst v63  }
0x6b: {  	_ = 	snop  }
0x6c: {  	[tilespmem:s22], [sflag:$0x5] =	stream.indirect.gather [hbm4b:s4+s19], $0x80, s8, s19, $0xb8;
	[tilespmem:$0x1C100] =	vst v63  }
0x6d: {  	_ =	swait.ge [sflag:s23], $0x2800  }
0x6e: {  	[sflag:s23] =	ssyncset.done $0x0  }
0x6f: {  	[sflag:s23] =	ssyncadd.s32 $0xFFFFD800  }
0x70: {  	[spmem:s2] =	stream.indirect.scatter.add.f32 [tilespmem:s20], [sflag:$0x7], $0x80, s7, s19, $0xb8;
	[tilespmem:$0x1C100] =	vst v63  }
0x71: {  	_ =	swait.ge [sflag:s15], $0x2800  }
0x72: {  	[sflag:s15] =	ssyncset.done $0x0  }
0x73: {  	s25 =	rddreg [dreg:$0x5];
	[sflag:s15] =	ssyncadd.s32 $0xFFFFD800  }
0x74: {  	[tilespmem:s26], [sflag:$0x6] =	stream.indirect.gather [hbm4b:s4+s19], $0x80, s25, s19, $0xb8;
	[tilespmem:$0x1C100] =	vst v63  }
0x75: {  	_ =	swait.ge [sflag:s28], $0x2800  }
0x76: {  	[sflag:s28] =	ssyncset.done $0x0  }
0x77: {  	[sflag:s28] =	ssyncadd.s32 $0xFFFFD800  }
0x78: {  	[spmem:s2] =	stream.indirect.scatter.add.f32 [tilespmem:s22], [sflag:$0x7], $0x80, s13, s19, $0xb8;
	[tilespmem:$0x1C100] =	vst v63  }
0x79: {  	_ =	swait.ge [sflag:s15], $0x2800  }
0x7a: {  	[sflag:s15] =	ssyncset.done $0x0  }
0x7b: {  	[sflag:s15] =	ssyncadd.s32 $0xFFFFD800  }
0x7c: {  	_ =	swait.ge [sflag:s18], $0x300  }
0x7d: {  	[sflag:s18] =	ssyncset.done $0x0  }
0x7e: {  	[sflag:s18] =	ssyncadd.s32 $0xFFFFFD00  }
0x7f: {  	[tilespmem:s20], [sflag:$0x4] =	stream.indirect.gather [hbm4b:s4+s19], $0x80, s3, s19, $0xb8;
	[tilespmem:$0x1C100] =	vst v63  }
0x80: {  	_ =	swait.ge [sflag:s31], $0x2800  }
0x81: {  	[sflag:s31] =	ssyncset.done $0x0  }
0x82: {  	s24 =	rddreg [dreg:$0x6];
	[sflag:s31] =	ssyncadd.s32 $0xFFFFD800  }
0x83: {  	[spmem:s2] =	stream.indirect.scatter.add.f32 [tilespmem:s26], [sflag:$0x7], $0x80, s24, s19, $0xb8;
	[tilespmem:$0x1C100] =	vst v63  }
0x84: {  	_ =	swait.ge [sflag:s15], $0x2800  }
0x85: {  	s25 =	rddreg [dreg:$0x3];
	[sflag:s15] =	ssyncset.done $0x0  }
0x86: {  	[sflag:s15] =	ssyncadd.s32 $0xFFFFD800;
	s14 =	sadd.s32 $0x0, s25  }
0x87: {  	[tilespmem:s17], [sflag:$0x3] =	stream.linear.gather [hbm4b:s14+s3], $0x300, $0x38;
	[tilespmem:$0x1C100] =	vst v63  }
0x88: {  	s21 =	sadd.s32 $0x900, s21;
	s14 =	simm.s32 $0x120  }
.LBB2_2:
0x89: {  	s24 =	simm.s32 $0x100  }
0x8a: {  	[tilespmem:s22], [sflag:$0x5] =	stream.indirect.gather [hbm4b:s4+s19], $0x80, s24, s19, $0xb8;
	[tilespmem:$0x1C100] =	vst v63  }
0x8b: {  	_ =	swait.ge [sflag:s23], $0x2800  }
0x8c: {  	[sflag:s23] =	ssyncset.done $0x0  }
0x8d: {  	s25 =	simm.s32 $0x80;
	[sflag:s23] =	ssyncadd.s32 $0xFFFFD800  }
0x8e: {  	[spmem:s2] =	stream.indirect.scatter.add.f32 [tilespmem:s20], [sflag:$0x7], $0x80, s25, s19, $0xb8;
	[tilespmem:$0x1C100] =	vst v63  }
0x8f: {  	_ =	swait.ge [sflag:s15], $0x2800  }
0x90: {  	[sflag:s15] =	ssyncset.done $0x0  }
0x91: {  	s25 =	simm.s32 $0x200;
	[sflag:s15] =	ssyncadd.s32 $0xFFFFD800  }
0x92: {  	[tilespmem:s26], [sflag:$0x6] =	stream.indirect.gather [hbm4b:s4+s19], $0x80, s25, s19, $0xb8;
	[tilespmem:$0x1C100] =	vst v63  }
0x93: {  	_ =	swait.ge [sflag:s28], $0x2800  }
0x94: {  	[sflag:s28] =	ssyncset.done $0x0  }
0x95: {  	[sflag:s28] =	ssyncadd.s32 $0xFFFFD800  }
0x96: {  	[spmem:s2] =	stream.indirect.scatter.add.f32 [tilespmem:s22], [sflag:$0x7], $0x80, s29, s19, $0xb8;
	[tilespmem:$0x1C100] =	vst v63  }
0x97: {  	_ =	swait.ge [sflag:s15], $0x2800  }
0x98: {  	[sflag:s15] =	ssyncset.done $0x0  }
0x99: {  	[sflag:s15] =	ssyncadd.s32 $0xFFFFD800  }
0x9a: {  	_ =	swait.ge [sflag:s30], $0x300  }
0x9b: {  	[sflag:s30] =	ssyncset.done $0x0  }
0x9c: {  	[sflag:s30] =	ssyncadd.s32 $0xFFFFFD00  }
0x9d: {  	[tilespmem:s20], [sflag:$0x4] =	stream.indirect.gather [hbm4b:s4+s19], $0x80, s16, s19, $0xb8;
	[tilespmem:$0x1C100] =	vst v63  }
0x9e: {  	_ =	swait.ge [sflag:s31], $0x2800  }
0x9f: {  	[sflag:s31] =	ssyncset.done $0x0  }
0xa0: {  	[sflag:s31] =	ssyncadd.s32 $0xFFFFD800  }
0xa1: {  	[spmem:s2] =	stream.indirect.scatter.add.f32 [tilespmem:s26], [sflag:$0x7], $0x80, s0, s19, $0xb8;
	[tilespmem:$0x1C100] =	vst v63  }
0xa2: {  	_ =	swait.ge [sflag:s15], $0x2800  }
0xa3: {  	s25 =	sshrl.u32 s21, $0x3;
	[sflag:s15] =	ssyncset.done $0x0  }
0xa4: {  	s25 =	sadd.s32 s5, s25;
	[sflag:s15] =	ssyncadd.s32 $0xFFFFD800  }
0xa5: {  	[tilespmem:s3], [sflag:$0x1] =	stream.linear.gather [hbm4b:s25+s3], $0x300, $0x38;
	[tilespmem:$0x1C100] =	vst v63  }
0xa6: {  	_ = 	snop  }
0xa7: {  	[tilespmem:s22], [sflag:$0x5] =	stream.indirect.gather [hbm4b:s4+s19], $0x80, s1, s19, $0xb8;
	[tilespmem:$0x1C100] =	vst v63  }
0xa8: {  	_ =	swait.ge [sflag:s23], $0x2800  }
0xa9: {  	[sflag:s23] =	ssyncset.done $0x0  }
0xaa: {  	[sflag:s23] =	ssyncadd.s32 $0xFFFFD800  }
0xab: {  	[spmem:s2] =	stream.indirect.scatter.add.f32 [tilespmem:s20], [sflag:$0x7], $0x80, s6, s19, $0xb8;
	[tilespmem:$0x1C100] =	vst v63  }
0xac: {  	_ =	swait.ge [sflag:s15], $0x2800  }
0xad: {  	[sflag:s15] =	ssyncset.done $0x0  }
0xae: {  	[sflag:s15] =	ssyncadd.s32 $0xFFFFD800  }
0xaf: {  	[tilespmem:s26], [sflag:$0x6] =	stream.indirect.gather [hbm4b:s4+s19], $0x80, s9, s19, $0xb8;
	[tilespmem:$0x1C100] =	vst v63  }
0xb0: {  	_ =	swait.ge [sflag:s28], $0x2800  }
0xb1: {  	[sflag:s28] =	ssyncset.done $0x0  }
0xb2: {  	[sflag:s28] =	ssyncadd.s32 $0xFFFFD800  }
0xb3: {  	[spmem:s2] =	stream.indirect.scatter.add.f32 [tilespmem:s22], [sflag:$0x7], $0x80, s10, s19, $0xb8;
	[tilespmem:$0x1C100] =	vst v63  }
0xb4: {  	_ =	swait.ge [sflag:s15], $0x2800  }
0xb5: {  	[sflag:s15] =	ssyncset.done $0x0  }
0xb6: {  	[sflag:s15] =	ssyncadd.s32 $0xFFFFD800  }
0xb7: {  	_ =	swait.ge [sflag:s11], $0x300  }
0xb8: {  	[sflag:s11] =	ssyncset.done $0x0  }
0xb9: {  	[sflag:s11] =	ssyncadd.s32 $0xFFFFFD00  }
0xba: {  	[tilespmem:s20], [sflag:$0x4] =	stream.indirect.gather [hbm4b:s4+s19], $0x80, s17, s19, $0xb8;
	[tilespmem:$0x1C100] =	vst v63  }
0xbb: {  	_ =	swait.ge [sflag:s31], $0x2800  }
0xbc: {  	[sflag:s31] =	ssyncset.done $0x0  }
0xbd: {  	[sflag:s31] =	ssyncadd.s32 $0xFFFFD800  }
0xbe: {  	[spmem:s2] =	stream.indirect.scatter.add.f32 [tilespmem:s26], [sflag:$0x7], $0x80, s12, s19, $0xb8;
	[tilespmem:$0x1C100] =	vst v63  }
0xbf: {  	_ =	swait.ge [sflag:s15], $0x2800  }
0xc0: {  	s24 =	smov.u32 s14;
	s25 =	rddreg [dreg:$0x4];
	[sflag:s15] =	ssyncset.done $0x0  }
0xc1: {  	[sflag:s15] =	ssyncadd.s32 $0xFFFFD800;
	s25 =	sadd.s32 s24, s25  }
0xc2: {  	[tilespmem:s16], [sflag:$0x2] =	stream.linear.gather [hbm4b:s25+s3], $0x300, $0x38;
	[tilespmem:$0x1C100] =	vst v63  }
0xc3: {  	_ = 	snop  }
0xc4: {  	[tilespmem:s22], [sflag:$0x5] =	stream.indirect.gather [hbm4b:s4+s19], $0x80, s8, s19, $0xb8;
	[tilespmem:$0x1C100] =	vst v63  }
0xc5: {  	_ =	swait.ge [sflag:s23], $0x2800  }
0xc6: {  	[sflag:s23] =	ssyncset.done $0x0  }
0xc7: {  	[sflag:s23] =	ssyncadd.s32 $0xFFFFD800  }
0xc8: {  	[spmem:s2] =	stream.indirect.scatter.add.f32 [tilespmem:s20], [sflag:$0x7], $0x80, s7, s19, $0xb8;
	[tilespmem:$0x1C100] =	vst v63  }
0xc9: {  	_ =	swait.ge [sflag:s15], $0x2800  }
0xca: {  	[sflag:s15] =	ssyncset.done $0x0  }
0xcb: {  	s25 =	rddreg [dreg:$0x5];
	[sflag:s15] =	ssyncadd.s32 $0xFFFFD800  }
0xcc: {  	[tilespmem:s26], [sflag:$0x6] =	stream.indirect.gather [hbm4b:s4+s19], $0x80, s25, s19, $0xb8;
	[tilespmem:$0x1C100] =	vst v63  }
0xcd: {  	_ =	swait.ge [sflag:s28], $0x2800  }
0xce: {  	[sflag:s28] =	ssyncset.done $0x0  }
0xcf: {  	[sflag:s28] =	ssyncadd.s32 $0xFFFFD800  }
0xd0: {  	[spmem:s2] =	stream.indirect.scatter.add.f32 [tilespmem:s22], [sflag:$0x7], $0x80, s13, s19, $0xb8;
	[tilespmem:$0x1C100] =	vst v63  }
0xd1: {  	_ =	swait.ge [sflag:s15], $0x2800  }
0xd2: {  	[sflag:s15] =	ssyncset.done $0x0  }
0xd3: {  	[sflag:s15] =	ssyncadd.s32 $0xFFFFD800  }
0xd4: {  	_ =	swait.ge [sflag:s18], $0x300  }
0xd5: {  	[sflag:s18] =	ssyncset.done $0x0  }
0xd6: {  	[sflag:s18] =	ssyncadd.s32 $0xFFFFFD00  }
0xd7: {  	[tilespmem:s20], [sflag:$0x4] =	stream.indirect.gather [hbm4b:s4+s19], $0x80, s3, s19, $0xb8;
	[tilespmem:$0x1C100] =	vst v63  }
0xd8: {  	_ =	swait.ge [sflag:s31], $0x2800  }
0xd9: {  	[sflag:s31] =	ssyncset.done $0x0  }
0xda: {  	p0 =	sne.s32 s14, $0xD80;
	s25 =	rddreg [dreg:$0x6];
	[sflag:s31] =	ssyncadd.s32 $0xFFFFD800  }
0xdb: {  	[spmem:s2] =	stream.indirect.scatter.add.f32 [tilespmem:s26], [sflag:$0x7], $0x80, s25, s19, $0xb8;
	[tilespmem:$0x1C100] =	vst v63  }
.Ltmp0:
0xdc: {  	_ = 	snop;
	(pc) =	sbr.rel @p0 .LBB2_2-.Ltmp0, $4  }
0xdd: {  	_ =	swait.ge [sflag:s15], $0x2800  }
0xde: {  	s14 =	sadd.s32 $0x120, s14;
	s25 =	rddreg [dreg:$0x3];
	[sflag:s15] =	ssyncset.done $0x0  }
0xdf: {  	s21 =	sadd.s32 $0x900, s21;
	[sflag:s15] =	ssyncadd.s32 $0xFFFFD800;
	s24 =	sadd.s32 s24, s25  }
0xe0: {  	[tilespmem:s17], [sflag:$0x3] =	stream.linear.gather [hbm4b:s24+s3], $0x300, $0x38;
	[tilespmem:$0x1C100] =	vst v63  }
0xe1: {  	s14 =	simm.s32 $0x100  }
0xe2: {  	[tilespmem:s22], [sflag:$0x5] =	stream.indirect.gather [hbm4b:s4+s19], $0x80, s14, s19, $0xb8;
	[tilespmem:$0x1C100] =	vst v63  }
0xe3: {  	_ =	swait.ge [sflag:s23], $0x2800  }
0xe4: {  	[sflag:s23] =	ssyncset.done $0x0  }
0xe5: {  	s21 =	simm.s32 $0x80;
	[sflag:s23] =	ssyncadd.s32 $0xFFFFD800  }
0xe6: {  	[spmem:s2] =	stream.indirect.scatter.add.f32 [tilespmem:s20], [sflag:$0x7], $0x80, s21, s19, $0xb8;
	[tilespmem:$0x1C100] =	vst v63  }
0xe7: {  	_ =	swait.ge [sflag:s15], $0x2800  }
0xe8: {  	[sflag:s15] =	ssyncset.done $0x0  }
0xe9: {  	s24 =	simm.s32 $0x200;
	[sflag:s15] =	ssyncadd.s32 $0xFFFFD800  }
0xea: {  	[tilespmem:s26], [sflag:$0x6] =	stream.indirect.gather [hbm4b:s4+s19], $0x80, s24, s19, $0xb8;
	[tilespmem:$0x1C100] =	vst v63  }
0xeb: {  	_ =	swait.ge [sflag:s28], $0x2800  }
0xec: {  	[sflag:s28] =	ssyncset.done $0x0  }
0xed: {  	[sflag:s28] =	ssyncadd.s32 $0xFFFFD800  }
0xee: {  	[spmem:s2] =	stream.indirect.scatter.add.f32 [tilespmem:s22], [sflag:$0x7], $0x80, s29, s19, $0xb8;
	[tilespmem:$0x1C100] =	vst v63  }
0xef: {  	_ =	swait.ge [sflag:s15], $0x2800  }
0xf0: {  	[sflag:s15] =	ssyncset.done $0x0  }
0xf1: {  	[sflag:s15] =	ssyncadd.s32 $0xFFFFD800  }
0xf2: {  	_ =	swait.ge [sflag:s30], $0x300  }
0xf3: {  	[sflag:s30] =	ssyncset.done $0x0  }
0xf4: {  	[sflag:s30] =	ssyncadd.s32 $0xFFFFFD00  }
0xf5: {  	[tilespmem:s20], [sflag:$0x4] =	stream.indirect.gather [hbm4b:s4+s19], $0x80, s16, s19, $0xb8;
	[tilespmem:$0x1C100] =	vst v63  }
0xf6: {  	_ =	swait.ge [sflag:s31], $0x2800  }
0xf7: {  	[sflag:s31] =	ssyncset.done $0x0  }
0xf8: {  	[sflag:s31] =	ssyncadd.s32 $0xFFFFD800  }
0xf9: {  	[spmem:s2] =	stream.indirect.scatter.add.f32 [tilespmem:s26], [sflag:$0x7], $0x80, s0, s19, $0xb8;
	[tilespmem:$0x1C100] =	vst v63  }
0xfa: {  	_ =	swait.ge [sflag:s15], $0x2800  }
0xfb: {  	[sflag:s15] =	ssyncset.done $0x0  }
0xfc: {  	[sflag:s15] =	ssyncadd.s32 $0xFFFFD800  }
0xfd: {  	[tilespmem:s22], [sflag:$0x5] =	stream.indirect.gather [hbm4b:s4+s19], $0x80, s1, s19, $0xb8;
	[tilespmem:$0x1C100] =	vst v63  }
0xfe: {  	_ =	swait.ge [sflag:s23], $0x2800  }
0xff: {  	[sflag:s23] =	ssyncset.done $0x0  }
0x100: {  	[sflag:s23] =	ssyncadd.s32 $0xFFFFD800  }
0x101: {  	[spmem:s2] =	stream.indirect.scatter.add.f32 [tilespmem:s20], [sflag:$0x7], $0x80, s6, s19, $0xb8;
	[tilespmem:$0x1C100] =	vst v63  }
0x102: {  	_ =	swait.ge [sflag:s15], $0x2800  }
0x103: {  	[sflag:s15] =	ssyncset.done $0x0  }
0x104: {  	[sflag:s15] =	ssyncadd.s32 $0xFFFFD800  }
0x105: {  	[tilespmem:s26], [sflag:$0x6] =	stream.indirect.gather [hbm4b:s4+s19], $0x80, s9, s19, $0xb8;
	[tilespmem:$0x1C100] =	vst v63  }
0x106: {  	_ =	swait.ge [sflag:s28], $0x2800  }
0x107: {  	[sflag:s28] =	ssyncset.done $0x0  }
0x108: {  	[sflag:s28] =	ssyncadd.s32 $0xFFFFD800  }
0x109: {  	[spmem:s2] =	stream.indirect.scatter.add.f32 [tilespmem:s22], [sflag:$0x7], $0x80, s10, s19, $0xb8;
	[tilespmem:$0x1C100] =	vst v63  }
0x10a: {  	_ =	swait.ge [sflag:s15], $0x2800  }
0x10b: {  	[sflag:s15] =	ssyncset.done $0x0  }
0x10c: {  	[sflag:s15] =	ssyncadd.s32 $0xFFFFD800  }
0x10d: {  	_ =	swait.ge [sflag:s11], $0x300  }
0x10e: {  	[sflag:s11] =	ssyncset.done $0x0  }
0x10f: {  	[sflag:s11] =	ssyncadd.s32 $0xFFFFFD00  }
0x110: {  	[tilespmem:s20], [sflag:$0x4] =	stream.indirect.gather [hbm4b:s4+s19], $0x80, s17, s19, $0xb8;
	[tilespmem:$0x1C100] =	vst v63  }
0x111: {  	_ =	swait.ge [sflag:s31], $0x2800  }
0x112: {  	[sflag:s31] =	ssyncset.done $0x0  }
0x113: {  	[sflag:s31] =	ssyncadd.s32 $0xFFFFD800  }
0x114: {  	[spmem:s2] =	stream.indirect.scatter.add.f32 [tilespmem:s26], [sflag:$0x7], $0x80, s12, s19, $0xb8;
	[tilespmem:$0x1C100] =	vst v63  }
0x115: {  	_ =	swait.ge [sflag:s15], $0x2800  }
0x116: {  	[sflag:s15] =	ssyncset.done $0x0  }
0x117: {  	[sflag:s15] =	ssyncadd.s32 $0xFFFFD800  }
0x118: {  	[tilespmem:s22], [sflag:$0x5] =	stream.indirect.gather [hbm4b:s4+s19], $0x80, s8, s19, $0xb8;
	[tilespmem:$0x1C100] =	vst v63  }
0x119: {  	_ =	swait.ge [sflag:s23], $0x2800  }
0x11a: {  	[sflag:s23] =	ssyncset.done $0x0  }
0x11b: {  	[sflag:s23] =	ssyncadd.s32 $0xFFFFD800  }
0x11c: {  	[spmem:s2] =	stream.indirect.scatter.add.f32 [tilespmem:s20], [sflag:$0x7], $0x80, s7, s19, $0xb8;
	[tilespmem:$0x1C100] =	vst v63  }
0x11d: {  	_ =	swait.ge [sflag:s15], $0x2800  }
0x11e: {  	[sflag:s15] =	ssyncset.done $0x0  }
0x11f: {  	[sflag:s15] =	ssyncadd.s32 $0xFFFFD800  }
0x120: {  	_ =	swait.ge [sflag:s28], $0x2800  }
0x121: {  	[sflag:s28] =	ssyncset.done $0x0  }
0x122: {  	[sflag:s28] =	ssyncadd.s32 $0xFFFFD800  }
0x123: {  	[spmem:s2] =	stream.indirect.scatter.add.f32 [tilespmem:s22], [sflag:$0x7], $0x80, s13, s19, $0xb8;
	[tilespmem:$0x1C100] =	vst v63  }
0x124: {  	_ =	swait.ge [sflag:s15], $0x2800  }
0x125: {  	[sflag:s15] =	ssyncset.done $0x0  }
0x126: {  	[sflag:s15] =	ssyncadd.s32 $0xFFFFD800  }
0x127: {  	[bflag:$0x0] =	sbarrier.arrive $0xFFFF  }
0x128: {  	s21 =	rddreg [dreg:$0x8]  }
0x129: {  	s25 =	rddreg [dreg:$0xc]  }
0x12a: {  	s24 =	rddreg [dreg:$0xf]  }
0x12b: {  	[hbm:s25], [sflag:s21] =	dma.local [spmem:s24], $0x2800  }
0x12c: {  	_ =	swait.ge [sflag:s15], $0x2800  }
0x12d: {  	s25 =	rddreg [dreg:$0x10]  }
0x12e: {  	s14 =	rddreg [dreg:$0xd];
	s25 =	sadd.s32 $0x1, s25  }
0x12f: {  	p0 =	sne.s32 s25, s14  }
.Ltmp1:
0x130: {  	_ = 	snop;
	(pc) =	sbr.rel @p0 .LBB2_1-.Ltmp1, $3  }
0x131: {  	_ =	sdelay $0x1  }
0x132: {  	[sflag:s15] =	ssyncset.done $0x0  }
0x133: {  	[sflag:s15] =	ssyncadd.s32 $0xFFFFD800  }
0x134: {  	_ =	sfence.sel $0x180000  }
0x135: {  	[bflag:$0x0] =	sbarrier.arrive $0xFFFF  }
0x136: {  	_ =	strace $0x9000004D  }
0x137: {  	s0 =	stileid.u32;
	[bflag:$0x2] =	sbarrier.arrive $0xFFFF  }
0x138: {  	p0 =	sne.s32 s0, $0x0;
	s0 =	rddreg [dreg:$0x2]  }
0x139: {  	s0 =	sadd.s32 @!p0 $0x100000, s0  }
0x13a: {  	[sflag:s0] =	ssyncadd.tile.s32 @!p0 $0x1;
	_ =	shalt  }
.Lfunc_end2:
_tile_overlayer_lowered:
.L_overlay_start_2:
0x13b: {  	(tag) =	ssettag $0x2  }
0x13c: {  	s0 =	rddreg [dreg:$0x0];
	s2 =	stileid.u32  }
0x13d: {  	s1 =	rddreg [dreg:$0x1];
	p0 =	sne.s32 s2, $0x0  }
0x13e: {  	s3 =	rddreg [dreg:$0x2];
	[bflag:$0x3] =	sbarrier.arrive $0xFFFF;
	s2 =	simm.s32 @!p0 $0x1C07  }
0x13f: {  	[timem:s3], [sflag:s2] =	dma.local @!p0 [hbm:s0], s1  }
0x140: {  	s0 =	simm.s32 @!p0 $0x7  }
0x141: {  	_ =	swait.ge @!p0 [sflag:s0], s1  }
0x142: {  	s1 =	ssub.s32 @!p0 $0x0, s1;
	[sflag:s0] =	ssyncset.done @!p0 $0x0  }
0x143: {  	[sflag:s0] =	ssyncadd.s32 @!p0 s1  }
0x144: {  	[bflag:$0x3] =	sbarrier.arrive $0xFFFF  }
0x145: {  	_ =	shalt  }

// kernel: kernel.8.cloned.1.call-start
scs
__scs_entry_jumppad:
0x0: {  	(pc) =	sbr.rel $0x88, $3  }
0x1: {  	(tag) =	ssettag $0x0;
	lr =	simm.s32 $0x1  }
0x2: {  	[smem:$0x3F98] =	sst lr;
	_ =	strace $0xD0000000  }
0x3: {  	_ = 	snop  }
0x4: {  	_ = 	snop  }
0x5: {  	_ = 	snop  }
0x6: {  	_ = 	snop  }
0x7: {  	_ = 	snop  }
__scs_overlays_trampoline_lowered:
0x8: {  	[smem:$0x3FA7] =	sst s0  }
0x9: {  	[smem:$0x3FA8] =	sst s1  }
0xa: {  	[smem:$0x3FA9] =	sst s2  }
0xb: {  	[smem:$0x3FAA] =	sst s3  }
0xc: {  	[smem:$0x3FAB] =	sst s4  }
0xd: {  	[smem:$0x3FAC] =	sst s5  }
0xe: {  	[smem:$0x3FAD] =	sst s6  }
0xf: {  	[smem:$0x3FAE] =	sst s7  }
0x10: {  	[smem:$0x3FAF] =	sst s8  }
0x11: {  	[smem:$0x3FB0] =	sst s9;
	s0 =	simm.s32 @!p0 $0x0  }
0x12: {  	s1 =	sld [smem:$0x3F96];
	s0 =	simm.s32 @p0 $0x1  }
0x13: {  	[smem:$0x3FB1] =	sst s0;
	s0 =	simm.s32 @!p1 $0x0  }
0x14: {  	s2 =	sld [smem:$0x3F95];
	s0 =	simm.s32 @p1 $0x1  }
0x15: {  	[smem:$0x3FB2] =	sst s0;
	s0 =	simm.s32 @!p2 $0x0  }
0x16: {  	s3 =	sld [smem:$0x3FDB];
	s0 =	simm.s32 @p2 $0x1  }
0x17: {  	s4 =	simm.s32 $0x1BF5;
	[smem:$0x3FB4] =	sst s0  }
0x18: {  	s0 =	sld [smem:$0x3F97];
	_ =	swait.ge [sflag:s4], $0x0  }
0x19: {  	s7 =	sld [smem:$0x3F98]  }
0x1a: {  	s8 =	sadd.s32 $0xFFFFE003, lr  }
0x1b: {  	s9 =	sadd.s32 $0xFFFFFEF7, lr;
	s5 =	simm.s32 $0xFFFFFFFF;
	p2 =	slt.u32 s8, $0xFFFFF086  }
0x1c: {  	p1 =	slt.u32 s9, $0xF7A;
	s5 =	simm.s32 @!p2 $0x0  }
0x1d: {  	s5 =	simm.s32 @p1 $0x1;
	p0 =	seq.s32 s7, s2  }
0x1e: {  	s7 =	smul.u32 @!p0 $0xF7A, s2;
	p2 =	seq.s32 @!p0 s5, $0x0  }
0x1f: {  	s9 =	smul.u32 $0xF7A, s1;
	s8 =	simm.s32 @!p0 $0x1BF5;
	p2 =	por !p2, p0  }
0x20: {  	[sflag:s8] =	ssyncset.s32 @!p0 $0xFFFFF086;
	s6 =	sadd.s32 @!p0 s3, s7;
	s7 =	simm.s32 @!p0 $0x108  }
0x21: {  	s3 =	sadd.s32 s3, s9;
	s6 =	sadd.s32 @!p0 $0x88, s6;
	s7 =	simm.s32 @p2 $0x1082  }
0x22: {  	[simem:s7], [sflag:s8] =	dma.local @!p0 [hbm:s6], $0xF7A  }
0x23: {  	s9 =	sor.u32 $0xD0000000, s2;
	s6 =	simm.s32 $0x108;
	_ =	swait.ge @!p0 [sflag:s8], $0x0  }
0x24: {  	s3 =	sadd.s32 $0x88, s3;
	s6 =	simm.s32 @!p1 $0x1082;
	[sflag:s4] =	ssyncset.s32 $0xFFFFF086  }
0x25: {  	[simem:s6], [sflag:s4] =	dma.local [hbm:s3], $0xF7A  }
0x26: {  	[smem:$0x3F98] =	sst s1;
	(tag) =	ssettag s2;
	_ =	strace s9  }
0x27: {  	s1 =	sld [smem:$0x3FA8]  }
0x28: {  	s2 =	sld [smem:$0x3FA9]  }
0x29: {  	s4 =	sld [smem:$0x3FAB]  }
0x2a: {  	p0 =	seq.s32 s5, $0x0;
	s5 =	sld [smem:$0x3FAC]  }
0x2b: {  	s6 =	sld [smem:$0x3FAD]  }
0x2c: {  	s7 =	sld [smem:$0x3FAE]  }
0x2d: {  	s3 =	simm.s32 $0x108;
	s8 =	sld [smem:$0x3FAF]  }
0x2e: {  	s3 =	simm.s32 @!p0 $0x1082;
	s9 =	sld [smem:$0x3FB0]  }
0x2f: {  	lr =	sadd.s32 s0, s3;
	s0 =	sld [smem:$0x3FA7]  }
0x30: {  	s3 =	sld [smem:$0x3FAA]  }
0x31: {  	[smem:$0x3FB3] =	sst s10  }
0x32: {  	s10 =	sld [smem:$0x3FB1];
	_ =	sdelay $0x3  }
0x33: {  	p0 =	seq.s32 s10, $0x1;
	s10 =	sld [smem:$0x3FB3];
	_ =	sdelay $0x3  }
0x34: {  	[smem:$0x3FB3] =	sst s10  }
0x35: {  	s10 =	sld [smem:$0x3FB2];
	_ =	sdelay $0x3  }
0x36: {  	p1 =	seq.s32 s10, $0x1;
	s10 =	sld [smem:$0x3FB3];
	_ =	sdelay $0x3  }
0x37: {  	[smem:$0x3FB3] =	sst s10  }
0x38: {  	s10 =	sld [smem:$0x3FB4]  }
0x39: {  	_ = 	snop;
	(pc) =	sbr.ind lr, $3  }
0x3a: {  	_ = 	snop  }
0x3b: {  	_ = 	snop  }
0x3c: {  	p2 =	seq.s32 s10, $0x1;
	s10 =	sld [smem:$0x3FB3]  }
0x3d: {  	_ =	shalt  }
0x3e: {  	_ =	shalt  }
0x3f: {  	_ =	shalt  }
0x40: {  	_ =	shalt  }
0x41: {  	_ =	shalt  }
0x42: {  	_ =	shalt  }
0x43: {  	_ =	shalt  }
0x44: {  	_ =	shalt  }
0x45: {  	_ =	shalt  }
0x46: {  	_ =	shalt  }
0x47: {  	_ =	shalt  }
0x48: {  	_ =	shalt  }
0x49: {  	_ =	shalt  }
0x4a: {  	_ =	shalt  }
0x4b: {  	_ =	shalt  }
0x4c: {  	_ =	shalt  }
0x4d: {  	_ =	shalt  }
0x4e: {  	_ =	shalt  }
0x4f: {  	_ =	shalt  }
0x50: {  	_ =	shalt  }
0x51: {  	_ =	shalt  }
0x52: {  	_ =	shalt  }
0x53: {  	_ =	shalt  }
0x54: {  	_ =	shalt  }
0x55: {  	_ =	shalt  }
0x56: {  	_ =	shalt  }
0x57: {  	_ =	shalt  }
0x58: {  	_ =	shalt  }
0x59: {  	_ =	shalt  }
0x5a: {  	_ =	shalt  }
0x5b: {  	_ =	shalt  }
0x5c: {  	_ =	shalt  }
0x5d: {  	_ =	shalt  }
0x5e: {  	_ =	shalt  }
0x5f: {  	_ =	shalt  }
0x60: {  	_ =	shalt  }
0x61: {  	_ =	shalt  }
0x62: {  	_ =	shalt  }
0x63: {  	_ =	shalt  }
0x64: {  	_ =	shalt  }
0x65: {  	_ =	shalt  }
0x66: {  	_ =	shalt  }
0x67: {  	_ =	shalt  }
0x68: {  	_ =	shalt  }
0x69: {  	_ =	shalt  }
0x6a: {  	_ =	shalt  }
0x6b: {  	_ =	shalt  }
0x6c: {  	_ =	shalt  }
0x6d: {  	_ =	shalt  }
0x6e: {  	_ =	shalt  }
0x6f: {  	_ =	shalt  }
0x70: {  	_ =	shalt  }
0x71: {  	_ =	shalt  }
0x72: {  	_ =	shalt  }
0x73: {  	_ =	shalt  }
0x74: {  	_ =	shalt  }
0x75: {  	_ =	shalt  }
0x76: {  	_ =	shalt  }
0x77: {  	_ =	shalt  }
0x78: {  	_ =	shalt  }
0x79: {  	_ =	shalt  }
0x7a: {  	_ =	shalt  }
0x7b: {  	_ =	shalt  }
0x7c: {  	_ =	shalt  }
0x7d: {  	_ =	shalt  }
0x7e: {  	_ =	shalt  }
0x7f: {  	_ =	shalt  }
0x80: {  	_ =	shalt  }
0x81: {  	_ =	shalt  }
0x82: {  	_ =	shalt  }
0x83: {  	_ =	shalt  }
0x84: {  	_ =	shalt  }
0x85: {  	_ =	shalt  }
0x86: {  	_ =	shalt  }
0x87: {  	_ =	shalt  }
.Lfunc_end0:
.L_simem_size_0:
called_computation_lowered:
.L_overlay_start_0:
0x88: {  	s2 =	sld [smem:$0x3FD9]  }
0x89: {  	s3 =	sld [smem:$0x3FFE];
	_ =	sdelay $0x1  }
0x8a: {  	s1 =	srdreg.scid  }
0x8b: {  	s0 =	sand.u32 $0x1, s1  }
0x8c: {  	s16 =	sshll.u32 s0, $0xA;
	s2 =	sadd.s32 s3, s2  }
0x8d: {  	s2 =	sadd.s32 s2, s16  }
0x8e: {  	[smem:$0x3FBF] =	sst s2  }
0x8f: {  	_ = 	snop  }
0x90: {  	(tm) =	ssettm $0x1  }
0x91: {  	s17 =	sld [smem:$0x3FFB];
	_ =	sdelay $0x3  }
0x92: {  	_ =	strace s17  }
0x93: {  	s2 =	sld [smem:$0x3FFC];
	_ =	sdelay $0x3  }
0x94: {  	_ =	strace s2  }
0x95: {  	s2 =	sld [smem:$0x3FFD];
	_ =	sdelay $0x3  }
0x96: {  	_ =	strace s2  }
0x97: {  	_ =	strace $0x8FFFFFFF  }
0x98: {  	s18 =	sld [smem:$0x3FDB];
	_ =	sdelay $0x1  }
0x99: {  	s19 =	simm.s32 $_scs_section_size  }
0x9a: {  	s4 =	simm.s32 $_size__tile_overlayer_lowered;
	s5 =	simm.s32 $_tile_overlayer_lowered  }
0x9b: {  	s22 =	simm.s32 $0x1BFF;
	s21 =	sshll.u32 s5, $0x1;
	s2 =	sadd.s32 s19, s18  }
0x9c: {  	s6 =	simm.s32 $0x0;
	s20 =	sshll.u32 s4, $0x1;
	s4 =	sadd.s32 s21, s2  }
0x9d: {  	[timem:s6], [sflag:s22] =	dma.local [hbm:s4], s20  }
0x9e: {  	_ =	swait.ge [sflag:s22], s20  }
0x9f: {  	s3 =	ssub.s32 $0x0, s20;
	[sflag:s22] =	ssyncset.done $0x0  }
0xa0: {  	[sflag:s22] =	ssyncadd.s32 s3;
	_ =	sdelay $0x1  }
0xa1: {  	s23 =	simm.s32 $0x1B8B  }
0xa2: {  	_ =	swait.ge [sflag:s23], $0x1  }
0xa3: {  	[sflag:s23] =	ssyncset.done $0x0  }
0xa4: {  	s25 =	simm.s32 $0x1B8E;
	s24 =	sld [smem:$0x3FFE];
	[sflag:s23] =	ssyncadd.s32 $0xFFFFFFFF  }
0xa5: {  	s26 =	simm.s32 $execute0_lowered;
	[smem:$0x3FD2] =	sst s25  }
0xa6: {  	s4 =	sshll.u32 s26, $0x1;
	_ =	strace $0x80000046;
	[dreg:$0x1] =	wrdreg $0xFFFFFFFF  }
0xa7: {  	s28 =	simm.s32 $_size_execute0_lowered;
	s2 =	sadd.s32 s2, s4;
	[dreg:$0x0] =	wrdreg $0x0  }
0xa8: {  	s4 =	sshll.u32 s28, $0x1;
	[dreg:$0x2] =	wrdreg s2  }
0xa9: {  	[dreg:$0x3] =	wrdreg s4  }
0xaa: {  	[dreg:$0x4] =	wrdreg $0xC0  }
0xab: {  	_ =	task [dreg:s6], $0x5FFFF  }
0xac: {  	[dreg:$0x1] =	wrdreg $0xFFFFFFFF  }
0xad: {  	[dreg:$0x0] =	wrdreg $0x60  }
0xae: {  	[dreg:$0x2] =	wrdreg s24  }
0xaf: {  	[dreg:$0x3] =	wrdreg $0x9  }
0xb0: {  	_ =	task.clear_ibuf [dreg:s6], $0x4FFFF;
	_ =	strace $0x90000046  }
0xb1: {  	s29 =	simm.s32 $0x9;
	_ =	strace $0x80000048  }
0xb2: {  	_ =	swait.ge [sflag:s29], $0x1  }
0xb3: {  	[sflag:s29] =	ssyncadd.s32 $0xFFFFFFFF  }
0xb4: {  	_ =	strace $0x90000048  }
0xb5: {  	_ =	sfence  }
0xb6: {  	s30 =	sld [smem:$0x0];
	_ =	sdelay $0x2  }
0xb7: {  	s31 =	sshll.u32 s1, $0xD;
	s1 =	sshrl.u32 s1, $0x2  }
0xb8: {  	s3 =	sand.u32 $0x4000, s31;
	s1 =	sadd.s32 s1, s30  }
0xb9: {  	s0 =	sor.u32 s3, s0;
	s1 =	sshll.u32 s1, $0x11  }
0xba: {  	s0 =	sor.u32 s1, s0  }
0xbb: {  	s0 =	sadd.s32 $0x8F2B, s0  }
0xbc: {  	[sflag:s0] =	ssyncadd.remote.s32 $0x1  }
0xbd: {  	_ =	sfence.sel $0xFFFF  }
0xbe: {  	[dreg:$0x0] =	wrdreg $0xFFFFFFFF;
	(pc) =	sbr.abs _section_cstart, $3  }
0xbf: {  	[dreg:$0x1] =	wrdreg $0xFFFFFFFF  }
0xc0: {  	_ =	task.clear_ibuf [dreg:s6], $0x2FFFF;
	_ =	strace $0x9FFFFFFF  }
0xc1: {  	(tm) =	ssettm $0x7FFFFFFF  }
tec
execute0_lowered:
.L_overlay_start_1:
0x0: {  	(tag) =	ssettag $0x1  }
0x1: {  	s0 =	srdreg.scid  }
0x2: {  	s3 =	sand.u32 $0x1, s0  }
0x3: {  	s4 =	rddreg [dreg:$0x0];
	s0 =	stileid.u32;
	s1 =	sshll.u32 s3, $0x4  }
0x4: {  	s2 =	simm.s32 $0x0;
	s8 =	simm.s32 $0x1;
	s1 =	sor.u32 s0, s1  }
0x5: {  	s9 =	simm.s32 $0x2780;
	s10 =	simm.s32 $0x0;
	s5 =	sshrl.u32 s1, $0x3  }
0x6: {  	[smem:$0x7FF] =	sst s2;
	s7 =	sshll.u32 s0, $0x7;
	s6 =	smul.u32 $0x13C00, s5  }
0x7: {  	s3 =	ssub.s32 $0x2, s3;
	s7 =	sand.u32 $0x380, s7;
	s5 =	smul.u32 $0x14000, s5  }
0x8: {  	s31 =	sshrl.u32 s3, $0x1;
	s1 =	rddreg [dreg:$0x1];
	s6 =	sor.u32 s7, s6  }
0x9: {  	_ =	strace $0x80000047;
	s5 =	sor.u32 s7, s5;
	s6 =	sshrl.u32 s6, $0x3  }
0xa: {  	s7 =	simm.s32 $0x400;
	s5 =	sshrl.u32 s5, $0x3;
	s6 =	sadd.s32 s6, s4  }
0xb: {  	s4 =	sadd.s32 s5, s4;
	s5 =	ssub.s32 s3, s31;
	s3 =	sadd.s32 $0x2800, s6  }
0xc: {  	v0 =	vimm.f32 $0.0e+00;
	v1 =	vimm.f32 $1.000000000e+00;
	s4 =	sadd.s32 $0xC600, s4;
	s5 =	smax.u32 s5, $0x1;
	s6 =	simm.s32 $0x80  }
.LBB2_1:
0xd: {  	[tilespmem:s2], [sflag:$0x1] =	stream.strided.gather [hbm4b:s3+s6], $0x2780, s7, s6, $0x38;
	[tilespmem:$0x4F80] =	vst v63  }
0xe: {  	_ =	swait.ge [sflag:s8], $0x2780  }
0xf: {  	[sflag:s8] =	ssyncset.done $0x0  }
0x10: {  	s11 =	simm.s32 $0x0;
	[sflag:s8] =	ssyncadd.s32 $0xFFFFD880  }
.LBB2_2:
0x11: {  	p0 =	sne.s32 s11, $0x9FC0  }
.Ltmp0:
0x12: {  	_ = 	snop;
	(pc) =	sbr.rel @p0 .LBB2_2-.Ltmp0, $3  }
0x13: {  	_ =	sdelay $0x1  }
0x14: {  	s12 =	sshra.s32 s11, $0x2  }
0x15: {  	s11 =	sadd.s32 $0x40, s11;
	[tilespmem:s12+$0x2780] =	vst v0  }
0x16: {  	s12 =	simm.s32 $0x0;
	s11 =	simm.s32 $0x40  }
.LBB2_4:
0x17: {  	p0 =	sne.s32 s11, $0x9C00;
	v2 =	vld [tilespmem:s12+$0x0];
	_ =	sdelay $0x3  }
.Ltmp1:
0x18: {  	(pc) =	sbr.rel @p0 .LBB2_4-.Ltmp1, $2  }
0x19: {  	_ =	sdelay $0x2  }
0x1a: {  	s12 =	sshra.s32 s11, $0x2;
	s11 =	sadd.s32 $0x40, s11;
	[tilespmem:v2+s9+$0x0] =	vst.idx.add.f32.msk $0xffff, v1  }
0x1b: {  	v2 =	vld [tilespmem:s12+$0x0];
	_ =	sdelay $0x5  }
0x1c: {  	s10 =	sadd.s32 $0x1, s10  }
0x1d: {  	p0 =	sne.s32 s10, s5  }
.Ltmp2:
0x1e: {  	[tilespmem:v2+s9+$0x0] =	vst.idx.add.f32.msk $0xffff, v1;
	(pc) =	sbr.rel @p0 .LBB2_1-.Ltmp2, $4  }
0x1f: {  	[hbm4b:s4+s6] =	stream.strided.scatter [tilespmem:s9], [sflag:$0x1], $0x2800, s7, s6, $0x38;
	[tilespmem:$0x4F80] =	vst v63  }
0x20: {  	_ =	swait.ge [sflag:s8], $0x2800  }
0x21: {  	[sflag:s8] =	ssyncset.done $0x0  }
0x22: {  	[sflag:s8] =	ssyncadd.s32 $0xFFFFD800  }
0x23: {  	_ =	sfence.sel $0x180000  }
0x24: {  	[bflag:$0x0] =	sbarrier.arrive $0xFFFF  }
0x25: {  	p0 =	sne.s32 s0, $0x0;
	_ =	strace $0x90000047  }
0x26: {  	s0 =	sadd.s32 @!p0 $0x100000, s1;
	[bflag:$0x2] =	sbarrier.arrive $0xFFFF  }
0x27: {  	[sflag:s0] =	ssyncadd.tile.s32 @!p0 $0x1;
	_ =	shalt  }
.Lfunc_end2:
_tile_overlayer_lowered:
.L_overlay_start_2:
0x28: {  	(tag) =	ssettag $0x2  }
0x29: {  	s0 =	rddreg [dreg:$0x0];
	s2 =	stileid.u32  }
0x2a: {  	s1 =	rddreg [dreg:$0x1];
	p0 =	sne.s32 s2, $0x0  }
0x2b: {  	s3 =	rddreg [dreg:$0x2];
	[bflag:$0x3] =	sbarrier.arrive $0xFFFF;
	s2 =	simm.s32 @!p0 $0x1C01  }
0x2c: {  	[timem:s3], [sflag:s2] =	dma.local @!p0 [hbm:s0], s1  }
0x2d: {  	s0 =	simm.s32 @!p0 $0x1  }
0x2e: {  	_ =	swait.ge @!p0 [sflag:s0], s1  }
0x2f: {  	s1 =	ssub.s32 @!p0 $0x0, s1;
	[sflag:s0] =	ssyncset.done @!p0 $0x0  }
0x30: {  	[sflag:s0] =	ssyncadd.s32 @!p0 s1  }
0x31: {  	[bflag:$0x3] =	sbarrier.arrive $0xFFFF  }
0x32: {  	_ =	shalt  }

</sc_bundles>
